<compile_context>
chip_gen: v7x
topology: tpu7x:2x2x1
jax: 0.10.2.dev20260603
libtpu: 0.0.44.dev20260713+nightly
codegen_flags: <defaults>
</compile_context>

<pallas_src>
import functools

import jax
import jax.numpy as jnp
from jax import lax
from jax.experimental import pallas as pl
from jax.experimental.pallas import tpu as pltpu
from jax.experimental.pallas import tpu_sc as plsc

N = 10000
D = 128
E = 320000
B = 100000
NBIN = 10112
NC = 2
NS = 16
CHUNK = 128
CNT_ROWS = 80

A_CHUNKS = 160
A_GROUP = 16
EW = A_CHUNKS * CHUNK
E_PAD = NS * EW

DEC_CHUNKS = 52
B_PAD = NS * DEC_CHUNKS * CHUNK

_mesh = plsc.VectorSubcoreMesh(core_axis_name="c", subcore_axis_name="s",
                               num_cores=NC, num_subcores=NS)


def _zero_rows(buf, nrows):
    def body(t, _):
        i = t // 8
        k = t % 8
        buf[i, pl.ds(k * 16, 16)] = jnp.zeros((16,), jnp.float32)
        return 0
    lax.fori_loop(0, nrows * 8, body, 0)


def _aggregate(x_hbm, src_hbm, dst_hbm, out_sum,
               acc, src_v, dst_v, buf0, buf1, sem0, sem1, sct0, sct1, sid):
    _zero_rows(buf0, 128)
    base = sid * 632
    for off, n in ((0, 128), (128, 128), (256, 128), (384, 128), (512, 120)):
        pltpu.sync_copy(buf0.at[pl.ds(0, n)], acc.at[pl.ds(base + off, n)])

    plsc.subcore_barrier()

    def group(g, _):
        @pl.when(g > 0)
        def _():
            pltpu.make_async_copy(buf0, acc.at[dst_v.at[0]], sct0).wait()
            pltpu.make_async_copy(buf1, acc.at[dst_v.at[1]], sct1).wait()

        pltpu.sync_copy(src_hbm.at[sid, pl.ds(g * A_GROUP, A_GROUP)], src_v)
        pltpu.sync_copy(dst_hbm.at[sid, pl.ds(g * A_GROUP, A_GROUP)], dst_v)

        def pair(j, _):
            a = 2 * j
            b = a + 1
            first = j == 0

            @pl.when(~first)
            def _():
                pltpu.make_async_copy(buf0, acc.at[dst_v.at[a]], sct0).wait()
            cpa = pltpu.async_copy(x_hbm.at[src_v.at[a]], buf0, sem0)

            @pl.when(~first)
            def _():
                pltpu.make_async_copy(buf1, acc.at[dst_v.at[b]], sct1).wait()
            cpb = pltpu.async_copy(x_hbm.at[src_v.at[b]], buf1, sem1)

            cpa.wait()
            pltpu.async_copy(buf0, acc.at[dst_v.at[a]], sct0, add=True)
            cpb.wait()
            pltpu.async_copy(buf1, acc.at[dst_v.at[b]], sct1, add=True)
            return 0
        lax.fori_loop(0, A_GROUP // 2, pair, 0)
        return 0
    lax.fori_loop(0, A_CHUNKS // A_GROUP, group, 0)

    pltpu.make_async_copy(buf0, acc.at[dst_v.at[0]], sct0).wait()
    pltpu.make_async_copy(buf1, acc.at[dst_v.at[1]], sct1).wait()

    plsc.subcore_barrier()

    pltpu.sync_copy(acc.at[pl.ds(base, 632)], out_sum.at[pl.ds(base, 632)])


@functools.partial(
    pl.kernel,
    out_type=[
        jax.ShapeDtypeStruct((NBIN, D), jnp.float32),
        jax.ShapeDtypeStruct((NBIN, D), jnp.float32),
    ],
    mesh=_mesh,
    scratch_types=[
        pltpu.VMEM_SHARED((NBIN, D), jnp.float32),
        pltpu.VMEM((A_GROUP, CHUNK), jnp.int32),
        pltpu.VMEM((A_GROUP, CHUNK), jnp.int32),
        pltpu.VMEM((CHUNK, D), jnp.float32),
        pltpu.VMEM((CHUNK, D), jnp.float32),
        pltpu.SemaphoreType.DMA,
        pltpu.SemaphoreType.DMA,
        pltpu.SemaphoreType.DMA,
        pltpu.SemaphoreType.DMA,
    ],
)
def _sc_aggregate(x_customer, x_variant, src_vc, dst_vc, src_cv, dst_cv,
                  out_sum_c, out_sum_v,
                  acc, src_v, dst_v, buf0, buf1, sem0, sem1, sct0, sct1):
    cid = lax.axis_index("c")
    sid = lax.axis_index("s")

    @pl.when(cid == 0)
    def _():
        _aggregate(x_variant, src_vc, dst_vc, out_sum_c,
                   acc, src_v, dst_v, buf0, buf1, sem0, sem1, sct0, sct1, sid)

    @pl.when(cid == 1)
    def _():
        _aggregate(x_customer, src_cv, dst_cv, out_sum_v,
                   acc, src_v, dst_v, buf0, buf1, sem0, sem1, sct0, sct1, sid)


def _dec_half(tbl_hbm, idx_hbm, z_hbm, tbl_sp, idx_v, buf0, buf1,
              sem0, sem1, sid):
    @pl.when(sid < 15)
    def _():
        pltpu.sync_copy(tbl_hbm.at[pl.ds(sid * 632, 632)],
                        tbl_sp.at[pl.ds(sid * 632, 632)])

    @pl.when(sid == 15)
    def _():
        pltpu.sync_copy(tbl_hbm.at[pl.ds(15 * 632, N - 15 * 632)],
                        tbl_sp.at[pl.ds(15 * 632, N - 15 * 632)])

    pltpu.sync_copy(idx_hbm.at[sid], idx_v)
    plsc.subcore_barrier()

    base = sid * (DEC_CHUNKS * CHUNK)

    def step(j, _):
        a = 2 * j
        b = a + 1
        cpa = pltpu.async_copy(tbl_sp.at[idx_v.at[a]], buf0, sem0)
        cpb = pltpu.async_copy(tbl_sp.at[idx_v.at[b]], buf1, sem1)
        cpa.wait()
        pltpu.sync_copy(buf0, z_hbm.at[pl.ds(base + a * CHUNK, CHUNK)])
        cpb.wait()
        pltpu.sync_copy(buf1, z_hbm.at[pl.ds(base + b * CHUNK, CHUNK)])
        return 0
    lax.fori_loop(0, DEC_CHUNKS // 2, step, 0)


@functools.partial(
    pl.kernel,
    out_type=[
        jax.ShapeDtypeStruct((B_PAD, D), jnp.float32),
        jax.ShapeDtypeStruct((B_PAD, D), jnp.float32),
    ],
    mesh=_mesh,
    scratch_types=[
        pltpu.VMEM_SHARED((NBIN, D), jnp.float32),
        pltpu.VMEM((DEC_CHUNKS, CHUNK), jnp.int32),
        pltpu.VMEM((CHUNK, D), jnp.float32),
        pltpu.VMEM((CHUNK, D), jnp.float32),
        pltpu.SemaphoreType.DMA,
        pltpu.SemaphoreType.DMA,
    ],
)
def _sc_decoder_gather(hc_hbm, hv_hbm, rows_hbm, cols_hbm, za_hbm, zb_hbm,
                       tbl_sp, idx_v, buf0, buf1, sem0, sem1):
    cid = lax.axis_index("c")
    sid = lax.axis_index("s")

    @pl.when(cid == 0)
    def _():
        _dec_half(hc_hbm, rows_hbm, za_hbm, tbl_sp, idx_v, buf0, buf1,
                  sem0, sem1, sid)

    @pl.when(cid == 1)
    def _():
        _dec_half(hv_hbm, cols_hbm, zb_hbm, tbl_sp, idx_v, buf0, buf1,
                  sem0, sem1, sid)


EB = 4000


def _count_body(dst_vc_ref, dst_cv_ref, cnt_c_ref, cnt_v_ref):
    i = pl.program_id(0)

    @pl.when(i == 0)
    def _():
        cnt_c_ref[...] = jnp.zeros((CNT_ROWS, D), jnp.float32)
        cnt_v_ref[...] = jnp.zeros((CNT_ROWS, D), jnp.float32)

    def one(dst_ref, out_ref):
        d = dst_ref[0, 0, :]
        hi = d >> 7
        lo = d & 127
        oh_hi = (lax.broadcasted_iota(jnp.int32, (CNT_ROWS, EB), 0)
                 == hi[None, :]).astype(jnp.int8)
        oh_lo = (lax.broadcasted_iota(jnp.int32, (EB, D), 1)
                 == lo[:, None]).astype(jnp.int8)
        out_ref[...] += jnp.dot(oh_hi, oh_lo,
                                preferred_element_type=jnp.int32).astype(jnp.float32)

    one(dst_vc_ref, cnt_c_ref)
    one(dst_cv_ref, cnt_v_ref)


def _encode_body(x_c_ref, sum_c_ref, cnt_c_ref, x_v_ref, sum_v_ref, cnt_v_ref,
                 wrc_ref, wnc_ref, wrv_ref, wnv_ref, w0t_ref, w0b_ref, b0_ref,
                 hc_out, hv_out):
    f32 = jnp.float32
    mean_c = sum_c_ref[...] / jnp.maximum(cnt_c_ref[...], 1.0)
    h_c = jnp.maximum(
        jnp.dot(x_c_ref[...], wrc_ref[...], preferred_element_type=f32)
        + jnp.dot(mean_c, wnc_ref[...], preferred_element_type=f32), 0.0)
    hc_out[...] = jnp.dot(h_c, w0t_ref[...], preferred_element_type=f32) + b0_ref[...]
    mean_v = sum_v_ref[...] / jnp.maximum(cnt_v_ref[...], 1.0)
    h_v = jnp.maximum(
        jnp.dot(x_v_ref[...], wrv_ref[...], preferred_element_type=f32)
        + jnp.dot(mean_v, wnv_ref[...], preferred_element_type=f32), 0.0)
    hv_out[...] = jnp.dot(h_v, w0b_ref[...], preferred_element_type=f32)


def _decode_body(za_ref, zb_ref, w1_ref, b1_ref, wo_ref, bo_ref, out_ref):
    f32 = jnp.float32
    z = za_ref[...].astype(f32) + zb_ref[...].astype(f32)
    x1 = jnp.where(z >= 0, z, 0.01 * z)
    t = jnp.dot(x1, w1_ref[...], preferred_element_type=f32) + b1_ref[...]
    x2 = jnp.where(t >= 0, t, 0.01 * t)
    logit = jnp.dot(x2, wo_ref[...], preferred_element_type=f32) + bo_ref[...]
    p = jax.nn.sigmoid(logit)
    out_ref[...] = jnp.concatenate([p, 1.0 - p], axis=1)


def _pad_reshape(a, total, rows, pad_value):
    a = jnp.concatenate([a, jnp.full((total - a.shape[0],), pad_value, a.dtype)])
    return a.reshape(rows, -1, CHUNK)


def kernel(x_customer, x_variant, edge_index_cv, edge_index_vc, edge_label_index,
           W_root_c, W_nb_c, W_root_v, W_nb_v, W0, b0, W1, b1, Wo, bo):
    src_vc = _pad_reshape(edge_index_vc[0], E_PAD, NS, 0)
    dst_vc = _pad_reshape(edge_index_vc[1], E_PAD, NS, N)
    src_cv = _pad_reshape(edge_index_cv[0], E_PAD, NS, 0)
    dst_cv = _pad_reshape(edge_index_cv[1], E_PAD, NS, N)
    rows = _pad_reshape(edge_label_index[0], B_PAD, NS, 0)
    cols = _pad_reshape(edge_label_index[1], B_PAD, NS, 0)

    sum_c, sum_v = _sc_aggregate(
        x_customer, x_variant, src_vc, dst_vc, src_cv, dst_cv)

    cnt_c2, cnt_v2 = pl.pallas_call(
        _count_body,
        grid=(E // EB,),
        in_specs=[
            pl.BlockSpec((1, 1, EB), lambda i: (i, 0, 0)),
            pl.BlockSpec((1, 1, EB), lambda i: (i, 0, 0)),
        ],
        out_specs=[
            pl.BlockSpec((CNT_ROWS, D), lambda i: (0, 0)),
            pl.BlockSpec((CNT_ROWS, D), lambda i: (0, 0)),
        ],
        out_shape=[
            jax.ShapeDtypeStruct((CNT_ROWS, D), jnp.float32),
            jax.ShapeDtypeStruct((CNT_ROWS, D), jnp.float32),
        ],
    )(edge_index_vc[1].reshape(E // EB, 1, EB), edge_index_cv[1].reshape(E // EB, 1, EB))
    cnt_c = cnt_c2.reshape(-1)[:N].reshape(N, 1)
    cnt_v = cnt_v2.reshape(-1)[:N].reshape(N, 1)

    RB = 2000
    hcW0b, hvW0 = pl.pallas_call(
        _encode_body,
        grid=(N // RB,),
        in_specs=[
            pl.BlockSpec((RB, D), lambda i: (i, 0)),
            pl.BlockSpec((RB, D), lambda i: (i, 0)),
            pl.BlockSpec((RB, 1), lambda i: (i, 0)),
            pl.BlockSpec((RB, D), lambda i: (i, 0)),
            pl.BlockSpec((RB, D), lambda i: (i, 0)),
            pl.BlockSpec((RB, 1), lambda i: (i, 0)),
            pl.BlockSpec((D, D), lambda i: (0, 0)),
            pl.BlockSpec((D, D), lambda i: (0, 0)),
            pl.BlockSpec((D, D), lambda i: (0, 0)),
            pl.BlockSpec((D, D), lambda i: (0, 0)),
            pl.BlockSpec((D, D), lambda i: (0, 0)),
            pl.BlockSpec((D, D), lambda i: (0, 0)),
            pl.BlockSpec((1, D), lambda i: (0, 0)),
        ],
        out_specs=[
            pl.BlockSpec((RB, D), lambda i: (i, 0)),
            pl.BlockSpec((RB, D), lambda i: (i, 0)),
        ],
        out_shape=[
            jax.ShapeDtypeStruct((N, D), jnp.float32),
            jax.ShapeDtypeStruct((N, D), jnp.float32),
        ],
    )(x_customer, sum_c[:N], cnt_c, x_variant, sum_v[:N], cnt_v,
      W_root_c, W_nb_c, W_root_v, W_nb_v, W0[:D], W0[D:], b0.reshape(1, D))

    za, zb = _sc_decoder_gather(hcW0b, hvW0, rows, cols)

    DB = 4000
    out = pl.pallas_call(
        _decode_body,
        grid=(B // DB,),
        in_specs=[
            pl.BlockSpec((DB, D), lambda i: (i, 0)),
            pl.BlockSpec((DB, D), lambda i: (i, 0)),
            pl.BlockSpec((D, 64), lambda i: (0, 0)),
            pl.BlockSpec((1, 64), lambda i: (0, 0)),
            pl.BlockSpec((64, 1), lambda i: (0, 0)),
            pl.BlockSpec((1, 1), lambda i: (0, 0)),
        ],
        out_specs=pl.BlockSpec((DB, 2), lambda i: (i, 0)),
        out_shape=jax.ShapeDtypeStruct((B, 2), jnp.float32),
    )(za, zb, W1, b1.reshape(1, 64), Wo, bo.reshape(1, 1))
    return out

# --- scband reference (transcript-rebuilt; emitter-appended) ---
"""Pipeline reference for scband-gnnmodel-9878424781119 (READ-ONLY COPY).

The authoritative reference and input builder live on the scoring server;
editing this copy changes nothing except your own understanding.
"""

import jax, jax.numpy as jnp
import numpy as np

N_C = 10000
N_V = 10000
E = 320000
D = 128
B = 100000
H1 = 128
H2 = 64


def _uniform(key, shape, fan_in):
    s = 1.0 / np.sqrt(fan_in)
    return jax.random.uniform(key, shape, minval=-s, maxval=s, dtype=jnp.float32)


def setup_inputs(seed: int = 0) -> dict:
    key = jax.random.key(seed)
    ks = jax.random.split(key, 20)
    inp = {}
    inp["x_customer"] = jax.random.normal(ks[0], (N_C, D), dtype=jnp.float32)
    inp["x_variant"] = jax.random.normal(ks[1], (N_V, D), dtype=jnp.float32)
    inp["edge_index_cv"] = jnp.stack([
        jax.random.randint(ks[2], (E,), 0, N_C, dtype=jnp.int32),
        jax.random.randint(ks[3], (E,), 0, N_V, dtype=jnp.int32)])
    inp["edge_index_vc"] = jnp.stack([
        jax.random.randint(ks[4], (E,), 0, N_V, dtype=jnp.int32),
        jax.random.randint(ks[5], (E,), 0, N_C, dtype=jnp.int32)])
    inp["edge_label_index"] = jnp.stack([
        jax.random.randint(ks[6], (B,), 0, N_C, dtype=jnp.int32),
        jax.random.randint(ks[7], (B,), 0, N_V, dtype=jnp.int32)])
    # SAGE encoder params (hetero via to_hetero, aggr='max' over single edge type per dst -> identity)
    inp["W_root_c"] = _uniform(ks[8], (D, D), D)
    inp["W_nb_c"] = _uniform(ks[9], (D, D), D)
    inp["W_root_v"] = _uniform(ks[10], (D, D), D)
    inp["W_nb_v"] = _uniform(ks[11], (D, D), D)
    # EdgeDecoder params: Linear(2D->H1), Linear(H1->H2), Linear(H2->1)
    inp["W0"] = _uniform(ks[12], (2 * D, H1), 2 * D)
    inp["b0"] = _uniform(ks[13], (H1,), 2 * D)
    inp["W1"] = _uniform(ks[14], (H1, H2), H1)
    inp["b1"] = _uniform(ks[15], (H2,), H1)
    inp["Wo"] = _uniform(ks[16], (H2, 1), H2)
    inp["bo"] = _uniform(ks[17], (1,), H2)
    return inp


def _sage(x_dst, x_src, edge_index, W_root, W_nb, n_dst):
    src = edge_index[0]
    dst = edge_index[1]
    msgs = jnp.take(x_src, src, axis=0)
    summed = jax.ops.segment_sum(msgs, dst, num_segments=n_dst)
    cnt = jax.ops.segment_sum(jnp.ones((edge_index.shape[1], 1), dtype=jnp.float32), dst, num_segments=n_dst)
    mean = summed / jnp.maximum(cnt, 1.0)
    return x_dst @ W_root + mean @ W_nb


def reference(x_customer, x_variant, edge_index_cv, edge_index_vc, edge_label_index,
              W_root_c, W_nb_c, W_root_v, W_nb_v, W0, b0, W1, b1, Wo, bo):
    # encoder: hetero SAGE-conv, one layer per node type, ReLU activation
    h_c = jax.nn.relu(_sage(x_customer, x_variant, edge_index_vc, W_root_c, W_nb_c, N_C))
    h_v = jax.nn.relu(_sage(x_variant, x_customer, edge_index_cv, W_root_v, W_nb_v, N_V))
    # EdgeDecoder
    row = edge_label_index[0]
    col = edge_label_index[1]
    x = jnp.concatenate([jnp.take(h_c, row, axis=0), jnp.take(h_v, col, axis=0)], axis=-1)
    x = jax.nn.leaky_relu(x @ W0 + b0, negative_slope=0.01)
    x = jax.nn.leaky_relu(x @ W1 + b1, negative_slope=0.01)
    p = jax.nn.sigmoid(x @ Wo + bo)
    return jnp.concatenate([p, 1.0 - p], axis=1)

if __name__ == "__main__":
    import jax
    _d = setup_inputs()
    print(jax.jit(kernel)(*tuple(_d.values())))

</pallas_src>

<mosaic_0001>
#map = affine_map<(d0, d1) -> (0, 0)>
#map1 = affine_map<(d0, d1) -> (0, 0, 0)>
module attributes {stable_mosaic.version = 14 : i64} {
  func.func @_sc_decoder_gather(%arg0: i32, %arg1: i32, %arg2: memref<10000x128xf32, #tpu.memory_space<hbm>>, %arg3: memref<10000x128xf32, #tpu.memory_space<hbm>>, %arg4: memref<16x52x128xi32, #tpu.memory_space<hbm>>, %arg5: memref<16x52x128xi32, #tpu.memory_space<hbm>>, %arg6: memref<106496x128xf32, #tpu.memory_space<hbm>>, %arg7: memref<106496x128xf32, #tpu.memory_space<hbm>>, %arg8: memref<10112x128xf32, #tpu.memory_space<vmem_shared>>, %arg9: memref<52x128xi32, #tpu.memory_space<vmem>>, %arg10: memref<128x128xf32, #tpu.memory_space<vmem>>, %arg11: memref<128x128xf32, #tpu.memory_space<vmem>>, %arg12: memref<!tpu.dma_semaphore, #tpu.memory_space<semaphore_mem>>, %arg13: memref<!tpu.dma_semaphore, #tpu.memory_space<semaphore_mem>>) attributes {dimension_semantics = [#tpu.dimension_semantics<core_parallel>, #tpu.dimension_semantics<subcore_parallel>], iteration_bounds = array<i64: 2, 16>, scalar_prefetch = 0 : i64, scratch_operands = 6 : i64, tpu.core_type = #tpu.core_type<sc_vector_subcore>, window_params = [{transform_indices = #map}, {transform_indices = #map}, {transform_indices = #map1}, {transform_indices = #map1}, {transform_indices = #map}, {transform_indices = #map}]} {
    %eq3A = arith.constant 0 : i32
    %eq3A_0 = arith.cmpi eq, %arg0, %eq3A : i32
    %convert_element_type3A = arith.extui %eq3A_0 : i1 to i32
    %cond3A = arith.constant 0 : i32
    %cond3A_1 = arith.cmpi ne, %convert_element_type3A, %cond3A : i32
    scf.if %cond3A_1 {
      %lt3A = arith.constant 15 : i32
      %lt3A_7 = arith.cmpi slt, %arg1, %lt3A : i32
      %convert_element_type3A_8 = arith.extui %lt3A_7 : i1 to i32
      %cond3A_9 = arith.constant 0 : i32
      %cond3A_10 = arith.cmpi ne, %convert_element_type3A_8, %cond3A_9 : i32
      scf.if %cond3A_10 {
        %mul3A_23 = arith.constant 632 : i32
        %mul3A_24 = arith.muli %arg1, %mul3A_23 : i32
        %mul3A_25 = arith.constant 632 : i32
        %mul3A_26 = arith.muli %arg1, %mul3A_25 : i32
        "tpu.region"() ({
          %run_scoped3A = tpu.sem_alloc : memref<!tpu.dma_semaphore, #tpu.memory_space<semaphore_mem>>
          %dma_start3A = arith.constant 0 : i32
          %dma_start3A_27 = tpu.memref_slice %arg8[%mul3A_26, %dma_start3A] : memref<10112x128xf32, #tpu.memory_space<vmem_shared>> -> memref<632x128xf32, #tpu.memory_space<vmem_shared>>
          %dma_start3A_28 = arith.constant 0 : i32
          %dma_start3A_29 = tpu.memref_slice %arg2[%mul3A_24, %dma_start3A_28] : memref<10000x128xf32, #tpu.memory_space<hbm>> -> memref<632x128xf32, #tpu.memory_space<hbm>>
          tpu.enqueue_dma source(%dma_start3A_29 : memref<632x128xf32, #tpu.memory_space<hbm>>) target(%dma_start3A_27 : memref<632x128xf32, #tpu.memory_space<vmem_shared>>) target_semaphore(%run_scoped3A : memref<!tpu.dma_semaphore, #tpu.memory_space<semaphore_mem>>)
          %dma_wait3A = arith.constant 0 : i32
          %dma_wait3A_30 = tpu.memref_slice %arg8[%mul3A_26, %dma_wait3A] : memref<10112x128xf32, #tpu.memory_space<vmem_shared>> -> memref<632x128xf32, #tpu.memory_space<vmem_shared>>
          %dma_wait3A_31 = arith.constant 0 : i32
          %dma_wait3A_32 = tpu.memref_slice %arg2[%mul3A_24, %dma_wait3A_31] : memref<10000x128xf32, #tpu.memory_space<hbm>> -> memref<632x128xf32, #tpu.memory_space<hbm>>
          tpu.wait_dma2 semaphore(%run_scoped3A : memref<!tpu.dma_semaphore, #tpu.memory_space<semaphore_mem>>) src(%dma_wait3A_32 : memref<632x128xf32, #tpu.memory_space<hbm>>) dst(%dma_wait3A_30 : memref<632x128xf32, #tpu.memory_space<vmem_shared>>)
          tpu.yield
        }) : () -> ()
      } else {
      }
      %eq3A_11 = arith.constant 15 : i32
      %eq3A_12 = arith.cmpi eq, %arg1, %eq3A_11 : i32
      %convert_element_type3A_13 = arith.extui %eq3A_12 : i1 to i32
      %cond3A_14 = arith.constant 0 : i32
      %cond3A_15 = arith.cmpi ne, %convert_element_type3A_13, %cond3A_14 : i32
      scf.if %cond3A_15 {
        "tpu.region"() ({
          %run_scoped3A = tpu.sem_alloc : memref<!tpu.dma_semaphore, #tpu.memory_space<semaphore_mem>>
          %dma_start3A = arith.constant 9480 : i32
          %dma_start3A_23 = arith.constant 0 : i32
          %dma_start3A_24 = tpu.memref_slice %arg8[%dma_start3A, %dma_start3A_23] : memref<10112x128xf32, #tpu.memory_space<vmem_shared>> -> memref<520x128xf32, #tpu.memory_space<vmem_shared>>
          %dma_start3A_25 = arith.constant 9480 : i32
          %dma_start3A_26 = arith.constant 0 : i32
          %dma_start3A_27 = tpu.memref_slice %arg2[%dma_start3A_25, %dma_start3A_26] : memref<10000x128xf32, #tpu.memory_space<hbm>> -> memref<520x128xf32, #tpu.memory_space<hbm>>
          tpu.enqueue_dma source(%dma_start3A_27 : memref<520x128xf32, #tpu.memory_space<hbm>>) target(%dma_start3A_24 : memref<520x128xf32, #tpu.memory_space<vmem_shared>>) target_semaphore(%run_scoped3A : memref<!tpu.dma_semaphore, #tpu.memory_space<semaphore_mem>>)
          %dma_wait3A = arith.constant 9480 : i32
          %dma_wait3A_28 = arith.constant 0 : i32
          %dma_wait3A_29 = tpu.memref_slice %arg8[%dma_wait3A, %dma_wait3A_28] : memref<10112x128xf32, #tpu.memory_space<vmem_shared>> -> memref<520x128xf32, #tpu.memory_space<vmem_shared>>
          %dma_wait3A_30 = arith.constant 9480 : i32
          %dma_wait3A_31 = arith.constant 0 : i32
          %dma_wait3A_32 = tpu.memref_slice %arg2[%dma_wait3A_30, %dma_wait3A_31] : memref<10000x128xf32, #tpu.memory_space<hbm>> -> memref<520x128xf32, #tpu.memory_space<hbm>>
          tpu.wait_dma2 semaphore(%run_scoped3A : memref<!tpu.dma_semaphore, #tpu.memory_space<semaphore_mem>>) src(%dma_wait3A_32 : memref<520x128xf32, #tpu.memory_space<hbm>>) dst(%dma_wait3A_29 : memref<520x128xf32, #tpu.memory_space<vmem_shared>>)
          tpu.yield
        }) : () -> ()
      } else {
      }
      "tpu.region"() ({
        %run_scoped3A = tpu.sem_alloc : memref<!tpu.dma_semaphore, #tpu.memory_space<semaphore_mem>>
        %dma_start3A = arith.constant 0 : i32
        %dma_start3A_23 = arith.constant 0 : i32
        %dma_start3A_24 = tpu.memref_slice %arg4[%arg1, %dma_start3A, %dma_start3A_23] : memref<16x52x128xi32, #tpu.memory_space<hbm>> -> memref<1x52x128xi32, #tpu.memory_space<hbm>>
        %dma_start3A_25 = tpu.memref_squeeze %dma_start3A_24 : memref<1x52x128xi32, #tpu.memory_space<hbm>> -> memref<52x128xi32, #tpu.memory_space<hbm>>
        %dma_start3A_26 = arith.constant 0 : i32
        %dma_start3A_27 = arith.constant 0 : i32
        %dma_start3A_28 = tpu.memref_slice %arg4[%arg1, %dma_start3A_26, %dma_start3A_27] : memref<16x52x128xi32, #tpu.memory_space<hbm>> -> memref<1x52x128xi32, #tpu.memory_space<hbm>>
        %dma_start3A_29 = tpu.memref_squeeze %dma_start3A_28 : memref<1x52x128xi32, #tpu.memory_space<hbm>> -> memref<52x128xi32, #tpu.memory_space<hbm>>
        tpu.enqueue_dma source(%dma_start3A_29 : memref<52x128xi32, #tpu.memory_space<hbm>>) target(%arg9 : memref<52x128xi32, #tpu.memory_space<vmem>>) target_semaphore(%run_scoped3A : memref<!tpu.dma_semaphore, #tpu.memory_space<semaphore_mem>>)
        %dma_wait3A = arith.constant 0 : i32
        %dma_wait3A_30 = arith.constant 0 : i32
        %dma_wait3A_31 = tpu.memref_slice %arg4[%arg1, %dma_wait3A, %dma_wait3A_30] : memref<16x52x128xi32, #tpu.memory_space<hbm>> -> memref<1x52x128xi32, #tpu.memory_space<hbm>>
        %dma_wait3A_32 = tpu.memref_squeeze %dma_wait3A_31 : memref<1x52x128xi32, #tpu.memory_space<hbm>> -> memref<52x128xi32, #tpu.memory_space<hbm>>
        %dma_wait3A_33 = arith.constant 0 : i32
        %dma_wait3A_34 = arith.constant 0 : i32
        %dma_wait3A_35 = tpu.memref_slice %arg4[%arg1, %dma_wait3A_33, %dma_wait3A_34] : memref<16x52x128xi32, #tpu.memory_space<hbm>> -> memref<1x52x128xi32, #tpu.memory_space<hbm>>
        %dma_wait3A_36 = tpu.memref_squeeze %dma_wait3A_35 : memref<1x52x128xi32, #tpu.memory_space<hbm>> -> memref<52x128xi32, #tpu.memory_space<hbm>>
        tpu.wait_dma2 semaphore(%run_scoped3A : memref<!tpu.dma_semaphore, #tpu.memory_space<semaphore_mem>>) src(%dma_wait3A_36 : memref<52x128xi32, #tpu.memory_space<hbm>>) dst(%arg9 : memref<52x128xi32, #tpu.memory_space<vmem>>)
        tpu.yield
      }) : () -> ()
      %barrier3A = arith.constant 0 : index
      tpu.barrier barrier_id(%barrier3A)
      %mul3A = arith.constant 6656 : i32
      %mul3A_16 = arith.muli %arg1, %mul3A : i32
      %scan3A = arith.constant 0 : i32
      %scan3A_17 = arith.constant 0 : i32
      %scan3A_18 = arith.constant 26 : i32
      %scan3A_19 = arith.addi %scan3A_17, %scan3A_18 : i32
      %scan3A_20 = arith.constant 1 : i32
      %scan3A_21 = scf.for %scan3A_23 = %scan3A_17 to %scan3A_19 step %scan3A_20 iter_args(%scan3A_24 = %scan3A) -> (i32)  : i32 {
        %mul3A_25 = arith.constant 2 : i32
        %mul3A_26 = arith.muli %mul3A_25, %scan3A_23 : i32
        %add3A = arith.constant 1 : i32
        %add3A_27 = arith.addi %mul3A_26, %add3A : i32
        %dma_start3A = arith.constant 0 : i32
        %dma_start3A_28 = tpu.memref_slice %arg9[%mul3A_26, %dma_start3A] : memref<52x128xi32, #tpu.memory_space<vmem>> -> memref<1x128xi32, #tpu.memory_space<vmem>>
        %dma_start3A_29 = tpu.memref_squeeze %dma_start3A_28 : memref<1x128xi32, #tpu.memory_space<vmem>> -> memref<128xi32, #tpu.memory_space<vmem>>
        %dma_start3A_30 = arith.constant 0 : i32
        %dma_start3A_31 = arith.constant 0 : i32
        %dma_start3A_32 = tpu.memref_slice %arg8[%dma_start3A_30, %dma_start3A_31] : memref<10112x128xf32, #tpu.memory_space<vmem_shared>> -> memref<10112x128xf32, #tpu.memory_space<vmem_shared>>
        tpu.enqueue_indirect_dma source(%dma_start3A_32 : memref<10112x128xf32, #tpu.memory_space<vmem_shared>>) target(%arg10 : memref<128x128xf32, #tpu.memory_space<vmem>>) offsets(%dma_start3A_29 : memref<128xi32, #tpu.memory_space<vmem>>) semaphore(%arg12 : memref<!tpu.dma_semaphore, #tpu.memory_space<semaphore_mem>>)
        %dma_start3A_33 = arith.constant 0 : i32
        %dma_start3A_34 = tpu.memref_slice %arg9[%add3A_27, %dma_start3A_33] : memref<52x128xi32, #tpu.memory_space<vmem>> -> memref<1x128xi32, #tpu.memory_space<vmem>>
        %dma_start3A_35 = tpu.memref_squeeze %dma_start3A_34 : memref<1x128xi32, #tpu.memory_space<vmem>> -> memref<128xi32, #tpu.memory_space<vmem>>
        %dma_start3A_36 = arith.constant 0 : i32
        %dma_start3A_37 = arith.constant 0 : i32
        %dma_start3A_38 = tpu.memref_slice %arg8[%dma_start3A_36, %dma_start3A_37] : memref<10112x128xf32, #tpu.memory_space<vmem_shared>> -> memref<10112x128xf32, #tpu.memory_space<vmem_shared>>
        tpu.enqueue_indirect_dma source(%dma_start3A_38 : memref<10112x128xf32, #tpu.memory_space<vmem_shared>>) target(%arg11 : memref<128x128xf32, #tpu.memory_space<vmem>>) offsets(%dma_start3A_35 : memref<128xi32, #tpu.memory_space<vmem>>) semaphore(%arg13 : memref<!tpu.dma_semaphore, #tpu.memory_space<semaphore_mem>>)
        %dma_wait3A = arith.constant 0 : i32
        %dma_wait3A_39 = tpu.memref_slice %arg9[%mul3A_26, %dma_wait3A] : memref<52x128xi32, #tpu.memory_space<vmem>> -> memref<1x128xi32, #tpu.memory_space<vmem>>
        %dma_wait3A_40 = tpu.memref_squeeze %dma_wait3A_39 : memref<1x128xi32, #tpu.memory_space<vmem>> -> memref<128xi32, #tpu.memory_space<vmem>>
        %dma_wait3A_41 = arith.constant 0 : i32
        %dma_wait3A_42 = arith.constant 0 : i32
        %dma_wait3A_43 = tpu.memref_slice %arg8[%dma_wait3A_41, %dma_wait3A_42] : memref<10112x128xf32, #tpu.memory_space<vmem_shared>> -> memref<10112x128xf32, #tpu.memory_space<vmem_shared>>
        tpu.wait_indirect_dma semaphore(%arg12 : memref<!tpu.dma_semaphore, #tpu.memory_space<semaphore_mem>>) src(%dma_wait3A_43 : memref<10112x128xf32, #tpu.memory_space<vmem_shared>>) dst(%arg10 : memref<128x128xf32, #tpu.memory_space<vmem>>)
        %mul3A_44 = arith.constant 128 : i32
        %mul3A_45 = arith.muli %mul3A_26, %mul3A_44 : i32
        %add3A_46 = arith.addi %mul3A_16, %mul3A_45 : i32
        "tpu.region"() ({
          %run_scoped3A = tpu.sem_alloc : memref<!tpu.dma_semaphore, #tpu.memory_space<semaphore_mem>>
          %dma_start3A_57 = arith.constant 0 : i32
          %dma_start3A_58 = tpu.memref_slice %arg6[%add3A_46, %dma_start3A_57] : memref<106496x128xf32, #tpu.memory_space<hbm>> -> memref<128x128xf32, #tpu.memory_space<hbm>>
          %dma_start3A_59 = arith.constant 0 : i32
          %dma_start3A_60 = tpu.memref_slice %arg6[%add3A_46, %dma_start3A_59] : memref<106496x128xf32, #tpu.memory_space<hbm>> -> memref<128x128xf32, #tpu.memory_space<hbm>>
          tpu.enqueue_dma source(%arg10 : memref<128x128xf32, #tpu.memory_space<vmem>>) target(%dma_start3A_60 : memref<128x128xf32, #tpu.memory_space<hbm>>) target_semaphore(%run_scoped3A : memref<!tpu.dma_semaphore, #tpu.memory_space<semaphore_mem>>)
          %dma_wait3A_61 = arith.constant 0 : i32
          %dma_wait3A_62 = tpu.memref_slice %arg6[%add3A_46, %dma_wait3A_61] : memref<106496x128xf32, #tpu.memory_space<hbm>> -> memref<128x128xf32, #tpu.memory_space<hbm>>
          %dma_wait3A_63 = arith.constant 0 : i32
          %dma_wait3A_64 = tpu.memref_slice %arg6[%add3A_46, %dma_wait3A_63] : memref<106496x128xf32, #tpu.memory_space<hbm>> -> memref<128x128xf32, #tpu.memory_space<hbm>>
          tpu.wait_dma2 semaphore(%run_scoped3A : memref<!tpu.dma_semaphore, #tpu.memory_space<semaphore_mem>>) src(%arg10 : memref<128x128xf32, #tpu.memory_space<vmem>>) dst(%dma_wait3A_64 : memref<128x128xf32, #tpu.memory_space<hbm>>)
          tpu.yield
        }) : () -> ()
        %dma_wait3A_47 = arith.constant 0 : i32
        %dma_wait3A_48 = tpu.memref_slice %arg9[%add3A_27, %dma_wait3A_47] : memref<52x128xi32, #tpu.memory_space<vmem>> -> memref<1x128xi32, #tpu.memory_space<vmem>>
        %dma_wait3A_49 = tpu.memref_squeeze %dma_wait3A_48 : memref<1x128xi32, #tpu.memory_space<vmem>> -> memref<128xi32, #tpu.memory_space<vmem>>
        %dma_wait3A_50 = arith.constant 0 : i32
        %dma_wait3A_51 = arith.constant 0 : i32
        %dma_wait3A_52 = tpu.memref_slice %arg8[%dma_wait3A_50, %dma_wait3A_51] : memref<10112x128xf32, #tpu.memory_space<vmem_shared>> -> memref<10112x128xf32, #tpu.memory_space<vmem_shared>>
        tpu.wait_indirect_dma semaphore(%arg13 : memref<!tpu.dma_semaphore, #tpu.memory_space<semaphore_mem>>) src(%dma_wait3A_52 : memref<10112x128xf32, #tpu.memory_space<vmem_shared>>) dst(%arg11 : memref<128x128xf32, #tpu.memory_space<vmem>>)
        %mul3A_53 = arith.constant 128 : i32
        %mul3A_54 = arith.muli %add3A_27, %mul3A_53 : i32
        %add3A_55 = arith.addi %mul3A_16, %mul3A_54 : i32
        "tpu.region"() ({
          %run_scoped3A = tpu.sem_alloc : memref<!tpu.dma_semaphore, #tpu.memory_space<semaphore_mem>>
          %dma_start3A_57 = arith.constant 0 : i32
          %dma_start3A_58 = tpu.memref_slice %arg6[%add3A_55, %dma_start3A_57] : memref<106496x128xf32, #tpu.memory_space<hbm>> -> memref<128x128xf32, #tpu.memory_space<hbm>>
          %dma_start3A_59 = arith.constant 0 : i32
          %dma_start3A_60 = tpu.memref_slice %arg6[%add3A_55, %dma_start3A_59] : memref<106496x128xf32, #tpu.memory_space<hbm>> -> memref<128x128xf32, #tpu.memory_space<hbm>>
          tpu.enqueue_dma source(%arg11 : memref<128x128xf32, #tpu.memory_space<vmem>>) target(%dma_start3A_60 : memref<128x128xf32, #tpu.memory_space<hbm>>) target_semaphore(%run_scoped3A : memref<!tpu.dma_semaphore, #tpu.memory_space<semaphore_mem>>)
          %dma_wait3A_61 = arith.constant 0 : i32
          %dma_wait3A_62 = tpu.memref_slice %arg6[%add3A_55, %dma_wait3A_61] : memref<106496x128xf32, #tpu.memory_space<hbm>> -> memref<128x128xf32, #tpu.memory_space<hbm>>
          %dma_wait3A_63 = arith.constant 0 : i32
          %dma_wait3A_64 = tpu.memref_slice %arg6[%add3A_55, %dma_wait3A_63] : memref<106496x128xf32, #tpu.memory_space<hbm>> -> memref<128x128xf32, #tpu.memory_space<hbm>>
          tpu.wait_dma2 semaphore(%run_scoped3A : memref<!tpu.dma_semaphore, #tpu.memory_space<semaphore_mem>>) src(%arg11 : memref<128x128xf32, #tpu.memory_space<vmem>>) dst(%dma_wait3A_64 : memref<128x128xf32, #tpu.memory_space<hbm>>)
          tpu.yield
        }) : () -> ()
        %scan3A_56 = arith.constant 0 : i32
        scf.yield %scan3A_56 : i32
      }
      %scan3A_22 = arith.constant 26 : i32
    } else {
    }
    %eq3A_2 = arith.constant 1 : i32
    %eq3A_3 = arith.cmpi eq, %arg0, %eq3A_2 : i32
    %convert_element_type3A_4 = arith.extui %eq3A_3 : i1 to i32
    %cond3A_5 = arith.constant 0 : i32
    %cond3A_6 = arith.cmpi ne, %convert_element_type3A_4, %cond3A_5 : i32
    scf.if %cond3A_6 {
      %lt3A = arith.constant 15 : i32
      %lt3A_7 = arith.cmpi slt, %arg1, %lt3A : i32
      %convert_element_type3A_8 = arith.extui %lt3A_7 : i1 to i32
      %cond3A_9 = arith.constant 0 : i32
      %cond3A_10 = arith.cmpi ne, %convert_element_type3A_8, %cond3A_9 : i32
      scf.if %cond3A_10 {
        %mul3A_23 = arith.constant 632 : i32
        %mul3A_24 = arith.muli %arg1, %mul3A_23 : i32
        %mul3A_25 = arith.constant 632 : i32
        %mul3A_26 = arith.muli %arg1, %mul3A_25 : i32
        "tpu.region"() ({
          %run_scoped3A = tpu.sem_alloc : memref<!tpu.dma_semaphore, #tpu.memory_space<semaphore_mem>>
          %dma_start3A = arith.constant 0 : i32
          %dma_start3A_27 = tpu.memref_slice %arg8[%mul3A_26, %dma_start3A] : memref<10112x128xf32, #tpu.memory_space<vmem_shared>> -> memref<632x128xf32, #tpu.memory_space<vmem_shared>>
          %dma_start3A_28 = arith.constant 0 : i32
          %dma_start3A_29 = tpu.memref_slice %arg3[%mul3A_24, %dma_start3A_28] : memref<10000x128xf32, #tpu.memory_space<hbm>> -> memref<632x128xf32, #tpu.memory_space<hbm>>
          tpu.enqueue_dma source(%dma_start3A_29 : memref<632x128xf32, #tpu.memory_space<hbm>>) target(%dma_start3A_27 : memref<632x128xf32, #tpu.memory_space<vmem_shared>>) target_semaphore(%run_scoped3A : memref<!tpu.dma_semaphore, #tpu.memory_space<semaphore_mem>>)
          %dma_wait3A = arith.constant 0 : i32
          %dma_wait3A_30 = tpu.memref_slice %arg8[%mul3A_26, %dma_wait3A] : memref<10112x128xf32, #tpu.memory_space<vmem_shared>> -> memref<632x128xf32, #tpu.memory_space<vmem_shared>>
          %dma_wait3A_31 = arith.constant 0 : i32
          %dma_wait3A_32 = tpu.memref_slice %arg3[%mul3A_24, %dma_wait3A_31] : memref<10000x128xf32, #tpu.memory_space<hbm>> -> memref<632x128xf32, #tpu.memory_space<hbm>>
          tpu.wait_dma2 semaphore(%run_scoped3A : memref<!tpu.dma_semaphore, #tpu.memory_space<semaphore_mem>>) src(%dma_wait3A_32 : memref<632x128xf32, #tpu.memory_space<hbm>>) dst(%dma_wait3A_30 : memref<632x128xf32, #tpu.memory_space<vmem_shared>>)
          tpu.yield
        }) : () -> ()
      } else {
      }
      %eq3A_11 = arith.constant 15 : i32
      %eq3A_12 = arith.cmpi eq, %arg1, %eq3A_11 : i32
      %convert_element_type3A_13 = arith.extui %eq3A_12 : i1 to i32
      %cond3A_14 = arith.constant 0 : i32
      %cond3A_15 = arith.cmpi ne, %convert_element_type3A_13, %cond3A_14 : i32
      scf.if %cond3A_15 {
        "tpu.region"() ({
          %run_scoped3A = tpu.sem_alloc : memref<!tpu.dma_semaphore, #tpu.memory_space<semaphore_mem>>
          %dma_start3A = arith.constant 9480 : i32
          %dma_start3A_23 = arith.constant 0 : i32
          %dma_start3A_24 = tpu.memref_slice %arg8[%dma_start3A, %dma_start3A_23] : memref<10112x128xf32, #tpu.memory_space<vmem_shared>> -> memref<520x128xf32, #tpu.memory_space<vmem_shared>>
          %dma_start3A_25 = arith.constant 9480 : i32
          %dma_start3A_26 = arith.constant 0 : i32
          %dma_start3A_27 = tpu.memref_slice %arg3[%dma_start3A_25, %dma_start3A_26] : memref<10000x128xf32, #tpu.memory_space<hbm>> -> memref<520x128xf32, #tpu.memory_space<hbm>>
          tpu.enqueue_dma source(%dma_start3A_27 : memref<520x128xf32, #tpu.memory_space<hbm>>) target(%dma_start3A_24 : memref<520x128xf32, #tpu.memory_space<vmem_shared>>) target_semaphore(%run_scoped3A : memref<!tpu.dma_semaphore, #tpu.memory_space<semaphore_mem>>)
          %dma_wait3A = arith.constant 9480 : i32
          %dma_wait3A_28 = arith.constant 0 : i32
          %dma_wait3A_29 = tpu.memref_slice %arg8[%dma_wait3A, %dma_wait3A_28] : memref<10112x128xf32, #tpu.memory_space<vmem_shared>> -> memref<520x128xf32, #tpu.memory_space<vmem_shared>>
          %dma_wait3A_30 = arith.constant 9480 : i32
          %dma_wait3A_31 = arith.constant 0 : i32
          %dma_wait3A_32 = tpu.memref_slice %arg3[%dma_wait3A_30, %dma_wait3A_31] : memref<10000x128xf32, #tpu.memory_space<hbm>> -> memref<520x128xf32, #tpu.memory_space<hbm>>
          tpu.wait_dma2 semaphore(%run_scoped3A : memref<!tpu.dma_semaphore, #tpu.memory_space<semaphore_mem>>) src(%dma_wait3A_32 : memref<520x128xf32, #tpu.memory_space<hbm>>) dst(%dma_wait3A_29 : memref<520x128xf32, #tpu.memory_space<vmem_shared>>)
          tpu.yield
        }) : () -> ()
      } else {
      }
      "tpu.region"() ({
        %run_scoped3A = tpu.sem_alloc : memref<!tpu.dma_semaphore, #tpu.memory_space<semaphore_mem>>
        %dma_start3A = arith.constant 0 : i32
        %dma_start3A_23 = arith.constant 0 : i32
        %dma_start3A_24 = tpu.memref_slice %arg5[%arg1, %dma_start3A, %dma_start3A_23] : memref<16x52x128xi32, #tpu.memory_space<hbm>> -> memref<1x52x128xi32, #tpu.memory_space<hbm>>
        %dma_start3A_25 = tpu.memref_squeeze %dma_start3A_24 : memref<1x52x128xi32, #tpu.memory_space<hbm>> -> memref<52x128xi32, #tpu.memory_space<hbm>>
        %dma_start3A_26 = arith.constant 0 : i32
        %dma_start3A_27 = arith.constant 0 : i32
        %dma_start3A_28 = tpu.memref_slice %arg5[%arg1, %dma_start3A_26, %dma_start3A_27] : memref<16x52x128xi32, #tpu.memory_space<hbm>> -> memref<1x52x128xi32, #tpu.memory_space<hbm>>
        %dma_start3A_29 = tpu.memref_squeeze %dma_start3A_28 : memref<1x52x128xi32, #tpu.memory_space<hbm>> -> memref<52x128xi32, #tpu.memory_space<hbm>>
        tpu.enqueue_dma source(%dma_start3A_29 : memref<52x128xi32, #tpu.memory_space<hbm>>) target(%arg9 : memref<52x128xi32, #tpu.memory_space<vmem>>) target_semaphore(%run_scoped3A : memref<!tpu.dma_semaphore, #tpu.memory_space<semaphore_mem>>)
        %dma_wait3A = arith.constant 0 : i32
        %dma_wait3A_30 = arith.constant 0 : i32
        %dma_wait3A_31 = tpu.memref_slice %arg5[%arg1, %dma_wait3A, %dma_wait3A_30] : memref<16x52x128xi32, #tpu.memory_space<hbm>> -> memref<1x52x128xi32, #tpu.memory_space<hbm>>
        %dma_wait3A_32 = tpu.memref_squeeze %dma_wait3A_31 : memref<1x52x128xi32, #tpu.memory_space<hbm>> -> memref<52x128xi32, #tpu.memory_space<hbm>>
        %dma_wait3A_33 = arith.constant 0 : i32
        %dma_wait3A_34 = arith.constant 0 : i32
        %dma_wait3A_35 = tpu.memref_slice %arg5[%arg1, %dma_wait3A_33, %dma_wait3A_34] : memref<16x52x128xi32, #tpu.memory_space<hbm>> -> memref<1x52x128xi32, #tpu.memory_space<hbm>>
        %dma_wait3A_36 = tpu.memref_squeeze %dma_wait3A_35 : memref<1x52x128xi32, #tpu.memory_space<hbm>> -> memref<52x128xi32, #tpu.memory_space<hbm>>
        tpu.wait_dma2 semaphore(%run_scoped3A : memref<!tpu.dma_semaphore, #tpu.memory_space<semaphore_mem>>) src(%dma_wait3A_36 : memref<52x128xi32, #tpu.memory_space<hbm>>) dst(%arg9 : memref<52x128xi32, #tpu.memory_space<vmem>>)
        tpu.yield
      }) : () -> ()
      %barrier3A = arith.constant 0 : index
      tpu.barrier barrier_id(%barrier3A)
      %mul3A = arith.constant 6656 : i32
      %mul3A_16 = arith.muli %arg1, %mul3A : i32
      %scan3A = arith.constant 0 : i32
      %scan3A_17 = arith.constant 0 : i32
      %scan3A_18 = arith.constant 26 : i32
      %scan3A_19 = arith.addi %scan3A_17, %scan3A_18 : i32
      %scan3A_20 = arith.constant 1 : i32
      %scan3A_21 = scf.for %scan3A_23 = %scan3A_17 to %scan3A_19 step %scan3A_20 iter_args(%scan3A_24 = %scan3A) -> (i32)  : i32 {
        %mul3A_25 = arith.constant 2 : i32
        %mul3A_26 = arith.muli %mul3A_25, %scan3A_23 : i32
        %add3A = arith.constant 1 : i32
        %add3A_27 = arith.addi %mul3A_26, %add3A : i32
        %dma_start3A = arith.constant 0 : i32
        %dma_start3A_28 = tpu.memref_slice %arg9[%mul3A_26, %dma_start3A] : memref<52x128xi32, #tpu.memory_space<vmem>> -> memref<1x128xi32, #tpu.memory_space<vmem>>
        %dma_start3A_29 = tpu.memref_squeeze %dma_start3A_28 : memref<1x128xi32, #tpu.memory_space<vmem>> -> memref<128xi32, #tpu.memory_space<vmem>>
        %dma_start3A_30 = arith.constant 0 : i32
        %dma_start3A_31 = arith.constant 0 : i32
        %dma_start3A_32 = tpu.memref_slice %arg8[%dma_start3A_30, %dma_start3A_31] : memref<10112x128xf32, #tpu.memory_space<vmem_shared>> -> memref<10112x128xf32, #tpu.memory_space<vmem_shared>>
        tpu.enqueue_indirect_dma source(%dma_start3A_32 : memref<10112x128xf32, #tpu.memory_space<vmem_shared>>) target(%arg10 : memref<128x128xf32, #tpu.memory_space<vmem>>) offsets(%dma_start3A_29 : memref<128xi32, #tpu.memory_space<vmem>>) semaphore(%arg12 : memref<!tpu.dma_semaphore, #tpu.memory_space<semaphore_mem>>)
        %dma_start3A_33 = arith.constant 0 : i32
        %dma_start3A_34 = tpu.memref_slice %arg9[%add3A_27, %dma_start3A_33] : memref<52x128xi32, #tpu.memory_space<vmem>> -> memref<1x128xi32, #tpu.memory_space<vmem>>
        %dma_start3A_35 = tpu.memref_squeeze %dma_start3A_34 : memref<1x128xi32, #tpu.memory_space<vmem>> -> memref<128xi32, #tpu.memory_space<vmem>>
        %dma_start3A_36 = arith.constant 0 : i32
        %dma_start3A_37 = arith.constant 0 : i32
        %dma_start3A_38 = tpu.memref_slice %arg8[%dma_start3A_36, %dma_start3A_37] : memref<10112x128xf32, #tpu.memory_space<vmem_shared>> -> memref<10112x128xf32, #tpu.memory_space<vmem_shared>>
        tpu.enqueue_indirect_dma source(%dma_start3A_38 : memref<10112x128xf32, #tpu.memory_space<vmem_shared>>) target(%arg11 : memref<128x128xf32, #tpu.memory_space<vmem>>) offsets(%dma_start3A_35 : memref<128xi32, #tpu.memory_space<vmem>>) semaphore(%arg13 : memref<!tpu.dma_semaphore, #tpu.memory_space<semaphore_mem>>)
        %dma_wait3A = arith.constant 0 : i32
        %dma_wait3A_39 = tpu.memref_slice %arg9[%mul3A_26, %dma_wait3A] : memref<52x128xi32, #tpu.memory_space<vmem>> -> memref<1x128xi32, #tpu.memory_space<vmem>>
        %dma_wait3A_40 = tpu.memref_squeeze %dma_wait3A_39 : memref<1x128xi32, #tpu.memory_space<vmem>> -> memref<128xi32, #tpu.memory_space<vmem>>
        %dma_wait3A_41 = arith.constant 0 : i32
        %dma_wait3A_42 = arith.constant 0 : i32
        %dma_wait3A_43 = tpu.memref_slice %arg8[%dma_wait3A_41, %dma_wait3A_42] : memref<10112x128xf32, #tpu.memory_space<vmem_shared>> -> memref<10112x128xf32, #tpu.memory_space<vmem_shared>>
        tpu.wait_indirect_dma semaphore(%arg12 : memref<!tpu.dma_semaphore, #tpu.memory_space<semaphore_mem>>) src(%dma_wait3A_43 : memref<10112x128xf32, #tpu.memory_space<vmem_shared>>) dst(%arg10 : memref<128x128xf32, #tpu.memory_space<vmem>>)
        %mul3A_44 = arith.constant 128 : i32
        %mul3A_45 = arith.muli %mul3A_26, %mul3A_44 : i32
        %add3A_46 = arith.addi %mul3A_16, %mul3A_45 : i32
        "tpu.region"() ({
          %run_scoped3A = tpu.sem_alloc : memref<!tpu.dma_semaphore, #tpu.memory_space<semaphore_mem>>
          %dma_start3A_57 = arith.constant 0 : i32
          %dma_start3A_58 = tpu.memref_slice %arg7[%add3A_46, %dma_start3A_57] : memref<106496x128xf32, #tpu.memory_space<hbm>> -> memref<128x128xf32, #tpu.memory_space<hbm>>
          %dma_start3A_59 = arith.constant 0 : i32
          %dma_start3A_60 = tpu.memref_slice %arg7[%add3A_46, %dma_start3A_59] : memref<106496x128xf32, #tpu.memory_space<hbm>> -> memref<128x128xf32, #tpu.memory_space<hbm>>
          tpu.enqueue_dma source(%arg10 : memref<128x128xf32, #tpu.memory_space<vmem>>) target(%dma_start3A_60 : memref<128x128xf32, #tpu.memory_space<hbm>>) target_semaphore(%run_scoped3A : memref<!tpu.dma_semaphore, #tpu.memory_space<semaphore_mem>>)
          %dma_wait3A_61 = arith.constant 0 : i32
          %dma_wait3A_62 = tpu.memref_slice %arg7[%add3A_46, %dma_wait3A_61] : memref<106496x128xf32, #tpu.memory_space<hbm>> -> memref<128x128xf32, #tpu.memory_space<hbm>>
          %dma_wait3A_63 = arith.constant 0 : i32
          %dma_wait3A_64 = tpu.memref_slice %arg7[%add3A_46, %dma_wait3A_63] : memref<106496x128xf32, #tpu.memory_space<hbm>> -> memref<128x128xf32, #tpu.memory_space<hbm>>
          tpu.wait_dma2 semaphore(%run_scoped3A : memref<!tpu.dma_semaphore, #tpu.memory_space<semaphore_mem>>) src(%arg10 : memref<128x128xf32, #tpu.memory_space<vmem>>) dst(%dma_wait3A_64 : memref<128x128xf32, #tpu.memory_space<hbm>>)
          tpu.yield
        }) : () -> ()
        %dma_wait3A_47 = arith.constant 0 : i32
        %dma_wait3A_48 = tpu.memref_slice %arg9[%add3A_27, %dma_wait3A_47] : memref<52x128xi32, #tpu.memory_space<vmem>> -> memref<1x128xi32, #tpu.memory_space<vmem>>
        %dma_wait3A_49 = tpu.memref_squeeze %dma_wait3A_48 : memref<1x128xi32, #tpu.memory_space<vmem>> -> memref<128xi32, #tpu.memory_space<vmem>>
        %dma_wait3A_50 = arith.constant 0 : i32
        %dma_wait3A_51 = arith.constant 0 : i32
        %dma_wait3A_52 = tpu.memref_slice %arg8[%dma_wait3A_50, %dma_wait3A_51] : memref<10112x128xf32, #tpu.memory_space<vmem_shared>> -> memref<10112x128xf32, #tpu.memory_space<vmem_shared>>
        tpu.wait_indirect_dma semaphore(%arg13 : memref<!tpu.dma_semaphore, #tpu.memory_space<semaphore_mem>>) src(%dma_wait3A_52 : memref<10112x128xf32, #tpu.memory_space<vmem_shared>>) dst(%arg11 : memref<128x128xf32, #tpu.memory_space<vmem>>)
        %mul3A_53 = arith.constant 128 : i32
        %mul3A_54 = arith.muli %add3A_27, %mul3A_53 : i32
        %add3A_55 = arith.addi %mul3A_16, %mul3A_54 : i32
        "tpu.region"() ({
          %run_scoped3A = tpu.sem_alloc : memref<!tpu.dma_semaphore, #tpu.memory_space<semaphore_mem>>
          %dma_start3A_57 = arith.constant 0 : i32
          %dma_start3A_58 = tpu.memref_slice %arg7[%add3A_55, %dma_start3A_57] : memref<106496x128xf32, #tpu.memory_space<hbm>> -> memref<128x128xf32, #tpu.memory_space<hbm>>
          %dma_start3A_59 = arith.constant 0 : i32
          %dma_start3A_60 = tpu.memref_slice %arg7[%add3A_55, %dma_start3A_59] : memref<106496x128xf32, #tpu.memory_space<hbm>> -> memref<128x128xf32, #tpu.memory_space<hbm>>
          tpu.enqueue_dma source(%arg11 : memref<128x128xf32, #tpu.memory_space<vmem>>) target(%dma_start3A_60 : memref<128x128xf32, #tpu.memory_space<hbm>>) target_semaphore(%run_scoped3A : memref<!tpu.dma_semaphore, #tpu.memory_space<semaphore_mem>>)
          %dma_wait3A_61 = arith.constant 0 : i32
          %dma_wait3A_62 = tpu.memref_slice %arg7[%add3A_55, %dma_wait3A_61] : memref<106496x128xf32, #tpu.memory_space<hbm>> -> memref<128x128xf32, #tpu.memory_space<hbm>>
          %dma_wait3A_63 = arith.constant 0 : i32
          %dma_wait3A_64 = tpu.memref_slice %arg7[%add3A_55, %dma_wait3A_63] : memref<106496x128xf32, #tpu.memory_space<hbm>> -> memref<128x128xf32, #tpu.memory_space<hbm>>
          tpu.wait_dma2 semaphore(%run_scoped3A : memref<!tpu.dma_semaphore, #tpu.memory_space<semaphore_mem>>) src(%arg11 : memref<128x128xf32, #tpu.memory_space<vmem>>) dst(%dma_wait3A_64 : memref<128x128xf32, #tpu.memory_space<hbm>>)
          tpu.yield
        }) : () -> ()
        %scan3A_56 = arith.constant 0 : i32
        scf.yield %scan3A_56 : i32
      }
      %scan3A_22 = arith.constant 26 : i32
    } else {
    }
    return
  }
}

#map = affine_map<(d0, d1) -> (0, 0)>
#map1 = affine_map<(d0, d1) -> (0, 0, 0)>
module attributes {stable_mosaic.version = 14 : i64} {
  func.func @_sc_aggregate(%arg0: i32, %arg1: i32, %arg2: memref<10000x128xf32, #tpu.memory_space<hbm>>, %arg3: memref<10000x128xf32, #tpu.memory_space<hbm>>, %arg4: memref<16x160x128xi32, #tpu.memory_space<hbm>>, %arg5: memref<16x160x128xi32, #tpu.memory_space<hbm>>, %arg6: memref<16x160x128xi32, #tpu.memory_space<hbm>>, %arg7: memref<16x160x128xi32, #tpu.memory_space<hbm>>, %arg8: memref<10112x128xf32, #tpu.memory_space<hbm>>, %arg9: memref<10112x128xf32, #tpu.memory_space<hbm>>, %arg10: memref<10112x128xf32, #tpu.memory_space<vmem_shared>>, %arg11: memref<16x128xi32, #tpu.memory_space<vmem>>, %arg12: memref<16x128xi32, #tpu.memory_space<vmem>>, %arg13: memref<128x128xf32, #tpu.memory_space<vmem>>, %arg14: memref<128x128xf32, #tpu.memory_space<vmem>>, %arg15: memref<!tpu.dma_semaphore, #tpu.memory_space<semaphore_mem>>, %arg16: memref<!tpu.dma_semaphore, #tpu.memory_space<semaphore_mem>>, %arg17: memref<!tpu.dma_semaphore, #tpu.memory_space<semaphore_mem>>, %arg18: memref<!tpu.dma_semaphore, #tpu.memory_space<semaphore_mem>>) attributes {dimension_semantics = [#tpu.dimension_semantics<core_parallel>, #tpu.dimension_semantics<subcore_parallel>], iteration_bounds = array<i64: 2, 16>, scalar_prefetch = 0 : i64, scratch_operands = 9 : i64, tpu.core_type = #tpu.core_type<sc_vector_subcore>, window_params = [{transform_indices = #map}, {transform_indices = #map}, {transform_indices = #map1}, {transform_indices = #map1}, {transform_indices = #map1}, {transform_indices = #map1}, {transform_indices = #map}, {transform_indices = #map}]} {
    %eq3A = arith.constant 0 : i32
    %eq3A_0 = arith.cmpi eq, %arg0, %eq3A : i32
    %convert_element_type3A = arith.extui %eq3A_0 : i1 to i32
    %cond3A = arith.constant 0 : i32
    %cond3A_1 = arith.cmpi ne, %convert_element_type3A, %cond3A : i32
    scf.if %cond3A_1 {
      %scan3A = arith.constant 0 : i32
      %scan3A_7 = arith.constant 0 : i32
      %scan3A_8 = arith.constant 1024 : i32
      %scan3A_9 = arith.addi %scan3A_7, %scan3A_8 : i32
      %scan3A_10 = arith.constant 1 : i32
      %scan3A_11 = scf.for %scan3A_44 = %scan3A_7 to %scan3A_9 step %scan3A_10 iter_args(%scan3A_45 = %scan3A) -> (i32)  : i32 {
        %jit3A = arith.constant 8 : i32
        %div3A = arith.divsi %scan3A_44, %jit3A : i32
        %sign3A = arith.constant 0 : i32
        %sign3A_46 = arith.cmpi sgt, %scan3A_44, %sign3A : i32
        %sign3A_47 = arith.extui %sign3A_46 : i1 to i32
        %sign3A_48 = arith.constant 0 : i32
        %sign3A_49 = arith.cmpi slt, %scan3A_44, %sign3A_48 : i32
        %sign3A_50 = arith.extui %sign3A_49 : i1 to i32
        %sign3A_51 = arith.subi %sign3A_47, %sign3A_50 : i32
        %sign3A_52 = arith.constant 0 : i32
        %sign3A_53 = arith.cmpi sgt, %jit3A, %sign3A_52 : i32
        %sign3A_54 = arith.extui %sign3A_53 : i1 to i32
        %sign3A_55 = arith.constant 0 : i32
        %sign3A_56 = arith.cmpi slt, %jit3A, %sign3A_55 : i32
        %sign3A_57 = arith.extui %sign3A_56 : i1 to i32
        %sign3A_58 = arith.subi %sign3A_54, %sign3A_57 : i32
        %ne3A = arith.cmpi ne, %sign3A_51, %sign3A_58 : i32
        %rem3A = arith.remsi %scan3A_44, %jit3A : i32
        %ne3A_59 = arith.constant 0 : i32
        %ne3A_60 = arith.cmpi ne, %rem3A, %ne3A_59 : i32
        %and3A = arith.andi %ne3A, %ne3A_60 : i1
        %sub3A = arith.constant 1 : i32
        %sub3A_61 = arith.subi %div3A, %sub3A : i32
        %select_n3A = arith.select %and3A, %sub3A_61, %div3A : i32
        %jit3A_62 = arith.constant 8 : i32
        %eq3A_63 = arith.constant 0 : i32
        %eq3A_64 = arith.cmpi eq, %jit3A_62, %eq3A_63 : i32
        %jit3A_65 = arith.constant 1 : i32
        %select_n3A_66 = arith.select %eq3A_64, %jit3A_65, %jit3A_62 : i32
        %rem3A_67 = arith.remsi %scan3A_44, %select_n3A_66 : i32
        %ne3A_68 = arith.constant 0 : i32
        %ne3A_69 = arith.cmpi ne, %rem3A_67, %ne3A_68 : i32
        %lt3A = arith.constant 0 : i32
        %lt3A_70 = arith.cmpi slt, %rem3A_67, %lt3A : i32
        %lt3A_71 = arith.constant 0 : i32
        %lt3A_72 = arith.cmpi slt, %select_n3A_66, %lt3A_71 : i32
        %ne3A_73 = arith.xori %lt3A_70, %lt3A_72 : i1
        %and3A_74 = arith.andi %ne3A_73, %ne3A_69 : i1
        %add3A_75 = arith.addi %rem3A_67, %select_n3A_66 : i32
        %select_n3A_76 = arith.select %and3A_74, %add3A_75, %rem3A_67 : i32
        %broadcast_in_dim3A = arith.constant 0.000000e+00 : f32
        %broadcast_in_dim3A_77 = vector.broadcast %broadcast_in_dim3A : f32 to vector<16xf32>
        %mul3A_78 = arith.constant 16 : i32
        %mul3A_79 = arith.muli %select_n3A_76, %mul3A_78 : i32
        %swap3A = arith.index_cast %select_n3A : i32 to index
        %swap3A_80 = arith.index_cast %mul3A_79 : i32 to index
        %swap3A_81 = tpu.vector_load %arg13[%swap3A, %swap3A_80] {strides = array<i32>} : memref<128x128xf32, #tpu.memory_space<vmem>>, vector<1x16xf32>,
        %swap3A_82 = vector.shape_cast %swap3A_81 : vector<1x16xf32> to vector<16xf32>
        %swap3A_83 = vector.shape_cast %broadcast_in_dim3A_77 : vector<16xf32> to vector<1x16xf32>
        tpu.vector_store %arg13[%swap3A, %swap3A_80], %swap3A_83 {strides = array<i32>} : memref<128x128xf32, #tpu.memory_space<vmem>>, vector<1x16xf32>,
        %scan3A_84 = arith.constant 0 : i32
        scf.yield %scan3A_84 : i32
      }
      %scan3A_12 = arith.constant 1024 : i32
      %mul3A = arith.constant 632 : i32
      %mul3A_13 = arith.muli %arg1, %mul3A : i32
      %add3A = arith.constant 0 : i32
      %add3A_14 = arith.addi %mul3A_13, %add3A : i32
      "tpu.region"() ({
        %run_scoped3A = tpu.sem_alloc : memref<!tpu.dma_semaphore, #tpu.memory_space<semaphore_mem>>
        %dma_start3A = arith.constant 0 : i32
        %dma_start3A_44 = arith.constant 0 : i32
        %dma_start3A_45 = tpu.memref_slice %arg13[%dma_start3A, %dma_start3A_44] : memref<128x128xf32, #tpu.memory_space<vmem>> -> memref<128x128xf32, #tpu.memory_space<vmem>>
        %dma_start3A_46 = arith.constant 0 : i32
        %dma_start3A_47 = tpu.memref_slice %arg10[%add3A_14, %dma_start3A_46] : memref<10112x128xf32, #tpu.memory_space<vmem_shared>> -> memref<128x128xf32, #tpu.memory_space<vmem_shared>>
        %dma_start3A_48 = arith.constant 0 : i32
        %dma_start3A_49 = tpu.memref_slice %arg10[%add3A_14, %dma_start3A_48] : memref<10112x128xf32, #tpu.memory_space<vmem_shared>> -> memref<128x128xf32, #tpu.memory_space<vmem_shared>>
        %dma_start3A_50 = arith.constant 0 : i32
        %dma_start3A_51 = arith.constant 0 : i32
        %dma_start3A_52 = tpu.memref_slice %arg13[%dma_start3A_50, %dma_start3A_51] : memref<128x128xf32, #tpu.memory_space<vmem>> -> memref<128x128xf32, #tpu.memory_space<vmem>>
        tpu.enqueue_dma source(%dma_start3A_52 : memref<128x128xf32, #tpu.memory_space<vmem>>) target(%dma_start3A_49 : memref<128x128xf32, #tpu.memory_space<vmem_shared>>) target_semaphore(%run_scoped3A : memref<!tpu.dma_semaphore, #tpu.memory_space<semaphore_mem>>)
        %dma_wait3A_53 = arith.constant 0 : i32
        %dma_wait3A_54 = arith.constant 0 : i32
        %dma_wait3A_55 = tpu.memref_slice %arg13[%dma_wait3A_53, %dma_wait3A_54] : memref<128x128xf32, #tpu.memory_space<vmem>> -> memref<128x128xf32, #tpu.memory_space<vmem>>
        %dma_wait3A_56 = arith.constant 0 : i32
        %dma_wait3A_57 = tpu.memref_slice %arg10[%add3A_14, %dma_wait3A_56] : memref<10112x128xf32, #tpu.memory_space<vmem_shared>> -> memref<128x128xf32, #tpu.memory_space<vmem_shared>>
        %dma_wait3A_58 = arith.constant 0 : i32
        %dma_wait3A_59 = tpu.memref_slice %arg10[%add3A_14, %dma_wait3A_58] : memref<10112x128xf32, #tpu.memory_space<vmem_shared>> -> memref<128x128xf32, #tpu.memory_space<vmem_shared>>
        %dma_wait3A_60 = arith.constant 0 : i32
        %dma_wait3A_61 = arith.constant 0 : i32
        %dma_wait3A_62 = tpu.memref_slice %arg13[%dma_wait3A_60, %dma_wait3A_61] : memref<128x128xf32, #tpu.memory_space<vmem>> -> memref<128x128xf32, #tpu.memory_space<vmem>>
        tpu.wait_dma2 semaphore(%run_scoped3A : memref<!tpu.dma_semaphore, #tpu.memory_space<semaphore_mem>>) src(%dma_wait3A_62 : memref<128x128xf32, #tpu.memory_space<vmem>>) dst(%dma_wait3A_59 : memref<128x128xf32, #tpu.memory_space<vmem_shared>>)
        tpu.yield
      }) : () -> ()
      %add3A_15 = arith.constant 128 : i32
      %add3A_16 = arith.addi %mul3A_13, %add3A_15 : i32
      "tpu.region"() ({
        %run_scoped3A = tpu.sem_alloc : memref<!tpu.dma_semaphore, #tpu.memory_space<semaphore_mem>>
        %dma_start3A = arith.constant 0 : i32
        %dma_start3A_44 = arith.constant 0 : i32
        %dma_start3A_45 = tpu.memref_slice %arg13[%dma_start3A, %dma_start3A_44] : memref<128x128xf32, #tpu.memory_space<vmem>> -> memref<128x128xf32, #tpu.memory_space<vmem>>
        %dma_start3A_46 = arith.constant 0 : i32
        %dma_start3A_47 = tpu.memref_slice %arg10[%add3A_16, %dma_start3A_46] : memref<10112x128xf32, #tpu.memory_space<vmem_shared>> -> memref<128x128xf32, #tpu.memory_space<vmem_shared>>
        %dma_start3A_48 = arith.constant 0 : i32
        %dma_start3A_49 = tpu.memref_slice %arg10[%add3A_16, %dma_start3A_48] : memref<10112x128xf32, #tpu.memory_space<vmem_shared>> -> memref<128x128xf32, #tpu.memory_space<vmem_shared>>
        %dma_start3A_50 = arith.constant 0 : i32
        %dma_start3A_51 = arith.constant 0 : i32
        %dma_start3A_52 = tpu.memref_slice %arg13[%dma_start3A_50, %dma_start3A_51] : memref<128x128xf32, #tpu.memory_space<vmem>> -> memref<128x128xf32, #tpu.memory_space<vmem>>
        tpu.enqueue_dma source(%dma_start3A_52 : memref<128x128xf32, #tpu.memory_space<vmem>>) target(%dma_start3A_49 : memref<128x128xf32, #tpu.memory_space<vmem_shared>>) target_semaphore(%run_scoped3A : memref<!tpu.dma_semaphore, #tpu.memory_space<semaphore_mem>>)
        %dma_wait3A_53 = arith.constant 0 : i32
        %dma_wait3A_54 = arith.constant 0 : i32
        %dma_wait3A_55 = tpu.memref_slice %arg13[%dma_wait3A_53, %dma_wait3A_54] : memref<128x128xf32, #tpu.memory_space<vmem>> -> memref<128x128xf32, #tpu.memory_space<vmem>>
        %dma_wait3A_56 = arith.constant 0 : i32
        %dma_wait3A_57 = tpu.memref_slice %arg10[%add3A_16, %dma_wait3A_56] : memref<10112x128xf32, #tpu.memory_space<vmem_shared>> -> memref<128x128xf32, #tpu.memory_space<vmem_shared>>
        %dma_wait3A_58 = arith.constant 0 : i32
        %dma_wait3A_59 = tpu.memref_slice %arg10[%add3A_16, %dma_wait3A_58] : memref<10112x128xf32, #tpu.memory_space<vmem_shared>> -> memref<128x128xf32, #tpu.memory_space<vmem_shared>>
        %dma_wait3A_60 = arith.constant 0 : i32
        %dma_wait3A_61 = arith.constant 0 : i32
        %dma_wait3A_62 = tpu.memref_slice %arg13[%dma_wait3A_60, %dma_wait3A_61] : memref<128x128xf32, #tpu.memory_space<vmem>> -> memref<128x128xf32, #tpu.memory_space<vmem>>
        tpu.wait_dma2 semaphore(%run_scoped3A : memref<!tpu.dma_semaphore, #tpu.memory_space<semaphore_mem>>) src(%dma_wait3A_62 : memref<128x128xf32, #tpu.memory_space<vmem>>) dst(%dma_wait3A_59 : memref<128x128xf32, #tpu.memory_space<vmem_shared>>)
        tpu.yield
      }) : () -> ()
      %add3A_17 = arith.constant 256 : i32
      %add3A_18 = arith.addi %mul3A_13, %add3A_17 : i32
      "tpu.region"() ({
        %run_scoped3A = tpu.sem_alloc : memref<!tpu.dma_semaphore, #tpu.memory_space<semaphore_mem>>
        %dma_start3A = arith.constant 0 : i32
        %dma_start3A_44 = arith.constant 0 : i32
        %dma_start3A_45 = tpu.memref_slice %arg13[%dma_start3A, %dma_start3A_44] : memref<128x128xf32, #tpu.memory_space<vmem>> -> memref<128x128xf32, #tpu.memory_space<vmem>>
        %dma_start3A_46 = arith.constant 0 : i32
        %dma_start3A_47 = tpu.memref_slice %arg10[%add3A_18, %dma_start3A_46] : memref<10112x128xf32, #tpu.memory_space<vmem_shared>> -> memref<128x128xf32, #tpu.memory_space<vmem_shared>>
        %dma_start3A_48 = arith.constant 0 : i32
        %dma_start3A_49 = tpu.memref_slice %arg10[%add3A_18, %dma_start3A_48] : memref<10112x128xf32, #tpu.memory_space<vmem_shared>> -> memref<128x128xf32, #tpu.memory_space<vmem_shared>>
        %dma_start3A_50 = arith.constant 0 : i32
        %dma_start3A_51 = arith.constant 0 : i32
        %dma_start3A_52 = tpu.memref_slice %arg13[%dma_start3A_50, %dma_start3A_51] : memref<128x128xf32, #tpu.memory_space<vmem>> -> memref<128x128xf32, #tpu.memory_space<vmem>>
        tpu.enqueue_dma source(%dma_start3A_52 : memref<128x128xf32, #tpu.memory_space<vmem>>) target(%dma_start3A_49 : memref<128x128xf32, #tpu.memory_space<vmem_shared>>) target_semaphore(%run_scoped3A : memref<!tpu.dma_semaphore, #tpu.memory_space<semaphore_mem>>)
        %dma_wait3A_53 = arith.constant 0 : i32
        %dma_wait3A_54 = arith.constant 0 : i32
        %dma_wait3A_55 = tpu.memref_slice %arg13[%dma_wait3A_53, %dma_wait3A_54] : memref<128x128xf32, #tpu.memory_space<vmem>> -> memref<128x128xf32, #tpu.memory_space<vmem>>
        %dma_wait3A_56 = arith.constant 0 : i32
        %dma_wait3A_57 = tpu.memref_slice %arg10[%add3A_18, %dma_wait3A_56] : memref<10112x128xf32, #tpu.memory_space<vmem_shared>> -> memref<128x128xf32, #tpu.memory_space<vmem_shared>>
        %dma_wait3A_58 = arith.constant 0 : i32
        %dma_wait3A_59 = tpu.memref_slice %arg10[%add3A_18, %dma_wait3A_58] : memref<10112x128xf32, #tpu.memory_space<vmem_shared>> -> memref<128x128xf32, #tpu.memory_space<vmem_shared>>
        %dma_wait3A_60 = arith.constant 0 : i32
        %dma_wait3A_61 = arith.constant 0 : i32
        %dma_wait3A_62 = tpu.memref_slice %arg13[%dma_wait3A_60, %dma_wait3A_61] : memref<128x128xf32, #tpu.memory_space<vmem>> -> memref<128x128xf32, #tpu.memory_space<vmem>>
        tpu.wait_dma2 semaphore(%run_scoped3A : memref<!tpu.dma_semaphore, #tpu.memory_space<semaphore_mem>>) src(%dma_wait3A_62 : memref<128x128xf32, #tpu.memory_space<vmem>>) dst(%dma_wait3A_59 : memref<128x128xf32, #tpu.memory_space<vmem_shared>>)
        tpu.yield
      }) : () -> ()
      %add3A_19 = arith.constant 384 : i32
      %add3A_20 = arith.addi %mul3A_13, %add3A_19 : i32
      "tpu.region"() ({
        %run_scoped3A = tpu.sem_alloc : memref<!tpu.dma_semaphore, #tpu.memory_space<semaphore_mem>>
        %dma_start3A = arith.constant 0 : i32
        %dma_start3A_44 = arith.constant 0 : i32
        %dma_start3A_45 = tpu.memref_slice %arg13[%dma_start3A, %dma_start3A_44] : memref<128x128xf32, #tpu.memory_space<vmem>> -> memref<128x128xf32, #tpu.memory_space<vmem>>
        %dma_start3A_46 = arith.constant 0 : i32
        %dma_start3A_47 = tpu.memref_slice %arg10[%add3A_20, %dma_start3A_46] : memref<10112x128xf32, #tpu.memory_space<vmem_shared>> -> memref<128x128xf32, #tpu.memory_space<vmem_shared>>
        %dma_start3A_48 = arith.constant 0 : i32
        %dma_start3A_49 = tpu.memref_slice %arg10[%add3A_20, %dma_start3A_48] : memref<10112x128xf32, #tpu.memory_space<vmem_shared>> -> memref<128x128xf32, #tpu.memory_space<vmem_shared>>
        %dma_start3A_50 = arith.constant 0 : i32
        %dma_start3A_51 = arith.constant 0 : i32
        %dma_start3A_52 = tpu.memref_slice %arg13[%dma_start3A_50, %dma_start3A_51] : memref<128x128xf32, #tpu.memory_space<vmem>> -> memref<128x128xf32, #tpu.memory_space<vmem>>
        tpu.enqueue_dma source(%dma_start3A_52 : memref<128x128xf32, #tpu.memory_space<vmem>>) target(%dma_start3A_49 : memref<128x128xf32, #tpu.memory_space<vmem_shared>>) target_semaphore(%run_scoped3A : memref<!tpu.dma_semaphore, #tpu.memory_space<semaphore_mem>>)
        %dma_wait3A_53 = arith.constant 0 : i32
        %dma_wait3A_54 = arith.constant 0 : i32
        %dma_wait3A_55 = tpu.memref_slice %arg13[%dma_wait3A_53, %dma_wait3A_54] : memref<128x128xf32, #tpu.memory_space<vmem>> -> memref<128x128xf32, #tpu.memory_space<vmem>>
        %dma_wait3A_56 = arith.constant 0 : i32
        %dma_wait3A_57 = tpu.memref_slice %arg10[%add3A_20, %dma_wait3A_56] : memref<10112x128xf32, #tpu.memory_space<vmem_shared>> -> memref<128x128xf32, #tpu.memory_space<vmem_shared>>
        %dma_wait3A_58 = arith.constant 0 : i32
        %dma_wait3A_59 = tpu.memref_slice %arg10[%add3A_20, %dma_wait3A_58] : memref<10112x128xf32, #tpu.memory_space<vmem_shared>> -> memref<128x128xf32, #tpu.memory_space<vmem_shared>>
        %dma_wait3A_60 = arith.constant 0 : i32
        %dma_wait3A_61 = arith.constant 0 : i32
        %dma_wait3A_62 = tpu.memref_slice %arg13[%dma_wait3A_60, %dma_wait3A_61] : memref<128x128xf32, #tpu.memory_space<vmem>> -> memref<128x128xf32, #tpu.memory_space<vmem>>
        tpu.wait_dma2 semaphore(%run_scoped3A : memref<!tpu.dma_semaphore, #tpu.memory_space<semaphore_mem>>) src(%dma_wait3A_62 : memref<128x128xf32, #tpu.memory_space<vmem>>) dst(%dma_wait3A_59 : memref<128x128xf32, #tpu.memory_space<vmem_shared>>)
        tpu.yield
      }) : () -> ()
      %add3A_21 = arith.constant 512 : i32
      %add3A_22 = arith.addi %mul3A_13, %add3A_21 : i32
      "tpu.region"() ({
        %run_scoped3A = tpu.sem_alloc : memref<!tpu.dma_semaphore, #tpu.memory_space<semaphore_mem>>
        %dma_start3A = arith.constant 0 : i32
        %dma_start3A_44 = arith.constant 0 : i32
        %dma_start3A_45 = tpu.memref_slice %arg13[%dma_start3A, %dma_start3A_44] : memref<128x128xf32, #tpu.memory_space<vmem>> -> memref<120x128xf32, #tpu.memory_space<vmem>>
        %dma_start3A_46 = arith.constant 0 : i32
        %dma_start3A_47 = tpu.memref_slice %arg10[%add3A_22, %dma_start3A_46] : memref<10112x128xf32, #tpu.memory_space<vmem_shared>> -> memref<120x128xf32, #tpu.memory_space<vmem_shared>>
        %dma_start3A_48 = arith.constant 0 : i32
        %dma_start3A_49 = tpu.memref_slice %arg10[%add3A_22, %dma_start3A_48] : memref<10112x128xf32, #tpu.memory_space<vmem_shared>> -> memref<120x128xf32, #tpu.memory_space<vmem_shared>>
        %dma_start3A_50 = arith.constant 0 : i32
        %dma_start3A_51 = arith.constant 0 : i32
        %dma_start3A_52 = tpu.memref_slice %arg13[%dma_start3A_50, %dma_start3A_51] : memref<128x128xf32, #tpu.memory_space<vmem>> -> memref<120x128xf32, #tpu.memory_space<vmem>>
        tpu.enqueue_dma source(%dma_start3A_52 : memref<120x128xf32, #tpu.memory_space<vmem>>) target(%dma_start3A_49 : memref<120x128xf32, #tpu.memory_space<vmem_shared>>) target_semaphore(%run_scoped3A : memref<!tpu.dma_semaphore, #tpu.memory_space<semaphore_mem>>)
        %dma_wait3A_53 = arith.constant 0 : i32
        %dma_wait3A_54 = arith.constant 0 : i32
        %dma_wait3A_55 = tpu.memref_slice %arg13[%dma_wait3A_53, %dma_wait3A_54] : memref<128x128xf32, #tpu.memory_space<vmem>> -> memref<120x128xf32, #tpu.memory_space<vmem>>
        %dma_wait3A_56 = arith.constant 0 : i32
        %dma_wait3A_57 = tpu.memref_slice %arg10[%add3A_22, %dma_wait3A_56] : memref<10112x128xf32, #tpu.memory_space<vmem_shared>> -> memref<120x128xf32, #tpu.memory_space<vmem_shared>>
        %dma_wait3A_58 = arith.constant 0 : i32
        %dma_wait3A_59 = tpu.memref_slice %arg10[%add3A_22, %dma_wait3A_58] : memref<10112x128xf32, #tpu.memory_space<vmem_shared>> -> memref<120x128xf32, #tpu.memory_space<vmem_shared>>
        %dma_wait3A_60 = arith.constant 0 : i32
        %dma_wait3A_61 = arith.constant 0 : i32
        %dma_wait3A_62 = tpu.memref_slice %arg13[%dma_wait3A_60, %dma_wait3A_61] : memref<128x128xf32, #tpu.memory_space<vmem>> -> memref<120x128xf32, #tpu.memory_space<vmem>>
        tpu.wait_dma2 semaphore(%run_scoped3A : memref<!tpu.dma_semaphore, #tpu.memory_space<semaphore_mem>>) src(%dma_wait3A_62 : memref<120x128xf32, #tpu.memory_space<vmem>>) dst(%dma_wait3A_59 : memref<120x128xf32, #tpu.memory_space<vmem_shared>>)
        tpu.yield
      }) : () -> ()
      %barrier3A = arith.constant 0 : index
      tpu.barrier barrier_id(%barrier3A)
      %scan3A_23 = arith.constant 0 : i32
      %scan3A_24 = arith.constant 0 : i32
      %scan3A_25 = arith.constant 10 : i32
      %scan3A_26 = arith.addi %scan3A_24, %scan3A_25 : i32
      %scan3A_27 = arith.constant 1 : i32
      %scan3A_28 = scf.for %scan3A_44 = %scan3A_24 to %scan3A_26 step %scan3A_27 iter_args(%scan3A_45 = %scan3A_23) -> (i32)  : i32 {
        %gt3A = arith.constant 0 : i32
        %gt3A_46 = arith.cmpi sgt, %scan3A_44, %gt3A : i32
        %convert_element_type3A_47 = arith.extui %gt3A_46 : i1 to i32
        %cond3A_48 = arith.constant 0 : i32
        %cond3A_49 = arith.cmpi ne, %convert_element_type3A_47, %cond3A_48 : i32
        scf.if %cond3A_49 {
          %dma_wait3A_62 = arith.constant 0 : i32
          %dma_wait3A_63 = arith.constant 0 : i32
          %dma_wait3A_64 = tpu.memref_slice %arg12[%dma_wait3A_62, %dma_wait3A_63] : memref<16x128xi32, #tpu.memory_space<vmem>> -> memref<1x128xi32, #tpu.memory_space<vmem>>
          %dma_wait3A_65 = tpu.memref_squeeze %dma_wait3A_64 : memref<1x128xi32, #tpu.memory_space<vmem>> -> memref<128xi32, #tpu.memory_space<vmem>>
          %dma_wait3A_66 = arith.constant 0 : i32
          %dma_wait3A_67 = arith.constant 0 : i32
          %dma_wait3A_68 = tpu.memref_slice %arg10[%dma_wait3A_66, %dma_wait3A_67] : memref<10112x128xf32, #tpu.memory_space<vmem_shared>> -> memref<10112x128xf32, #tpu.memory_space<vmem_shared>>
          tpu.wait_indirect_dma semaphore(%arg17 : memref<!tpu.dma_semaphore, #tpu.memory_space<semaphore_mem>>) src(%arg13 : memref<128x128xf32, #tpu.memory_space<vmem>>) dst(%dma_wait3A_68 : memref<10112x128xf32, #tpu.memory_space<vmem_shared>>)
          %dma_wait3A_69 = arith.constant 1 : i32
          %dma_wait3A_70 = arith.constant 0 : i32
          %dma_wait3A_71 = tpu.memref_slice %arg12[%dma_wait3A_69, %dma_wait3A_70] : memref<16x128xi32, #tpu.memory_space<vmem>> -> memref<1x128xi32, #tpu.memory_space<vmem>>
          %dma_wait3A_72 = tpu.memref_squeeze %dma_wait3A_71 : memref<1x128xi32, #tpu.memory_space<vmem>> -> memref<128xi32, #tpu.memory_space<vmem>>
          %dma_wait3A_73 = arith.constant 0 : i32
          %dma_wait3A_74 = arith.constant 0 : i32
          %dma_wait3A_75 = tpu.memref_slice %arg10[%dma_wait3A_73, %dma_wait3A_74] : memref<10112x128xf32, #tpu.memory_space<vmem_shared>> -> memref<10112x128xf32, #tpu.memory_space<vmem_shared>>
          tpu.wait_indirect_dma semaphore(%arg18 : memref<!tpu.dma_semaphore, #tpu.memory_space<semaphore_mem>>) src(%arg14 : memref<128x128xf32, #tpu.memory_space<vmem>>) dst(%dma_wait3A_75 : memref<10112x128xf32, #tpu.memory_space<vmem_shared>>)
        } else {
        }
        %mul3A_50 = arith.constant 16 : i32
        %mul3A_51 = arith.muli %scan3A_44, %mul3A_50 : i32
        "tpu.region"() ({
          %run_scoped3A = tpu.sem_alloc : memref<!tpu.dma_semaphore, #tpu.memory_space<semaphore_mem>>
          %dma_start3A = arith.constant 0 : i32
          %dma_start3A_62 = tpu.memref_slice %arg4[%arg1, %mul3A_51, %dma_start3A] : memref<16x160x128xi32, #tpu.memory_space<hbm>> -> memref<1x16x128xi32, #tpu.memory_space<hbm>>
          %dma_start3A_63 = tpu.memref_squeeze %dma_start3A_62 : memref<1x16x128xi32, #tpu.memory_space<hbm>> -> memref<16x128xi32, #tpu.memory_space<hbm>>
          %dma_start3A_64 = arith.constant 0 : i32
          %dma_start3A_65 = tpu.memref_slice %arg4[%arg1, %mul3A_51, %dma_start3A_64] : memref<16x160x128xi32, #tpu.memory_space<hbm>> -> memref<1x16x128xi32, #tpu.memory_space<hbm>>
          %dma_start3A_66 = tpu.memref_squeeze %dma_start3A_65 : memref<1x16x128xi32, #tpu.memory_space<hbm>> -> memref<16x128xi32, #tpu.memory_space<hbm>>
          tpu.enqueue_dma source(%dma_start3A_66 : memref<16x128xi32, #tpu.memory_space<hbm>>) target(%arg11 : memref<16x128xi32, #tpu.memory_space<vmem>>) target_semaphore(%run_scoped3A : memref<!tpu.dma_semaphore, #tpu.memory_space<semaphore_mem>>)
          %dma_wait3A_67 = arith.constant 0 : i32
          %dma_wait3A_68 = tpu.memref_slice %arg4[%arg1, %mul3A_51, %dma_wait3A_67] : memref<16x160x128xi32, #tpu.memory_space<hbm>> -> memref<1x16x128xi32, #tpu.memory_space<hbm>>
          %dma_wait3A_69 = tpu.memref_squeeze %dma_wait3A_68 : memref<1x16x128xi32, #tpu.memory_space<hbm>> -> memref<16x128xi32, #tpu.memory_space<hbm>>
          %dma_wait3A_70 = arith.constant 0 : i32
          %dma_wait3A_71 = tpu.memref_slice %arg4[%arg1, %mul3A_51, %dma_wait3A_70] : memref<16x160x128xi32, #tpu.memory_space<hbm>> -> memref<1x16x128xi32, #tpu.memory_space<hbm>>
          %dma_wait3A_72 = tpu.memref_squeeze %dma_wait3A_71 : memref<1x16x128xi32, #tpu.memory_space<hbm>> -> memref<16x128xi32, #tpu.memory_space<hbm>>
          tpu.wait_dma2 semaphore(%run_scoped3A : memref<!tpu.dma_semaphore, #tpu.memory_space<semaphore_mem>>) src(%dma_wait3A_72 : memref<16x128xi32, #tpu.memory_space<hbm>>) dst(%arg11 : memref<16x128xi32, #tpu.memory_space<vmem>>)
          tpu.yield
        }) : () -> ()
        %mul3A_52 = arith.constant 16 : i32
        %mul3A_53 = arith.muli %scan3A_44, %mul3A_52 : i32
        "tpu.region"() ({
          %run_scoped3A = tpu.sem_alloc : memref<!tpu.dma_semaphore, #tpu.memory_space<semaphore_mem>>
          %dma_start3A = arith.constant 0 : i32
          %dma_start3A_62 = tpu.memref_slice %arg5[%arg1, %mul3A_53, %dma_start3A] : memref<16x160x128xi32, #tpu.memory_space<hbm>> -> memref<1x16x128xi32, #tpu.memory_space<hbm>>
          %dma_start3A_63 = tpu.memref_squeeze %dma_start3A_62 : memref<1x16x128xi32, #tpu.memory_space<hbm>> -> memref<16x128xi32, #tpu.memory_space<hbm>>
          %dma_start3A_64 = arith.constant 0 : i32
          %dma_start3A_65 = tpu.memref_slice %arg5[%arg1, %mul3A_53, %dma_start3A_64] : memref<16x160x128xi32, #tpu.memory_space<hbm>> -> memref<1x16x128xi32, #tpu.memory_space<hbm>>
          %dma_start3A_66 = tpu.memref_squeeze %dma_start3A_65 : memref<1x16x128xi32, #tpu.memory_space<hbm>> -> memref<16x128xi32, #tpu.memory_space<hbm>>
          tpu.enqueue_dma source(%dma_start3A_66 : memref<16x128xi32, #tpu.memory_space<hbm>>) target(%arg12 : memref<16x128xi32, #tpu.memory_space<vmem>>) target_semaphore(%run_scoped3A : memref<!tpu.dma_semaphore, #tpu.memory_space<semaphore_mem>>)
          %dma_wait3A_67 = arith.constant 0 : i32
          %dma_wait3A_68 = tpu.memref_slice %arg5[%arg1, %mul3A_53, %dma_wait3A_67] : memref<16x160x128xi32, #tpu.memory_space<hbm>> -> memref<1x16x128xi32, #tpu.memory_space<hbm>>
          %dma_wait3A_69 = tpu.memref_squeeze %dma_wait3A_68 : memref<1x16x128xi32, #tpu.memory_space<hbm>> -> memref<16x128xi32, #tpu.memory_space<hbm>>
          %dma_wait3A_70 = arith.constant 0 : i32
          %dma_wait3A_71 = tpu.memref_slice %arg5[%arg1, %mul3A_53, %dma_wait3A_70] : memref<16x160x128xi32, #tpu.memory_space<hbm>> -> memref<1x16x128xi32, #tpu.memory_space<hbm>>
          %dma_wait3A_72 = tpu.memref_squeeze %dma_wait3A_71 : memref<1x16x128xi32, #tpu.memory_space<hbm>> -> memref<16x128xi32, #tpu.memory_space<hbm>>
          tpu.wait_dma2 semaphore(%run_scoped3A : memref<!tpu.dma_semaphore, #tpu.memory_space<semaphore_mem>>) src(%dma_wait3A_72 : memref<16x128xi32, #tpu.memory_space<hbm>>) dst(%arg12 : memref<16x128xi32, #tpu.memory_space<vmem>>)
          tpu.yield
        }) : () -> ()
        %scan3A_54 = arith.constant 0 : i32
        %scan3A_55 = arith.constant 0 : i32
        %scan3A_56 = arith.constant 8 : i32
        %scan3A_57 = arith.addi %scan3A_55, %scan3A_56 : i32
        %scan3A_58 = arith.constant 1 : i32
        %scan3A_59 = scf.for %scan3A_62 = %scan3A_55 to %scan3A_57 step %scan3A_58 iter_args(%scan3A_63 = %scan3A_54) -> (i32)  : i32 {
          %mul3A_64 = arith.constant 2 : i32
          %mul3A_65 = arith.muli %mul3A_64, %scan3A_62 : i32
          %add3A_66 = arith.constant 1 : i32
          %add3A_67 = arith.addi %mul3A_65, %add3A_66 : i32
          %eq3A_68 = arith.constant 0 : i32
          %eq3A_69 = arith.cmpi eq, %scan3A_62, %eq3A_68 : i32
          %not3A = arith.constant true
          %not3A_70 = arith.xori %eq3A_69, %not3A : i1
          %convert_element_type3A_71 = arith.extui %not3A_70 : i1 to i32
          %cond3A_72 = arith.constant 0 : i32
          %cond3A_73 = arith.cmpi ne, %convert_element_type3A_71, %cond3A_72 : i32
          scf.if %cond3A_73 {
            %dma_wait3A_115 = arith.constant 0 : i32
            %dma_wait3A_116 = tpu.memref_slice %arg12[%mul3A_65, %dma_wait3A_115] : memref<16x128xi32, #tpu.memory_space<vmem>> -> memref<1x128xi32, #tpu.memory_space<vmem>>
            %dma_wait3A_117 = tpu.memref_squeeze %dma_wait3A_116 : memref<1x128xi32, #tpu.memory_space<vmem>> -> memref<128xi32, #tpu.memory_space<vmem>>
            %dma_wait3A_118 = arith.constant 0 : i32
            %dma_wait3A_119 = arith.constant 0 : i32
            %dma_wait3A_120 = tpu.memref_slice %arg10[%dma_wait3A_118, %dma_wait3A_119] : memref<10112x128xf32, #tpu.memory_space<vmem_shared>> -> memref<10112x128xf32, #tpu.memory_space<vmem_shared>>
            tpu.wait_indirect_dma semaphore(%arg17 : memref<!tpu.dma_semaphore, #tpu.memory_space<semaphore_mem>>) src(%arg13 : memref<128x128xf32, #tpu.memory_space<vmem>>) dst(%dma_wait3A_120 : memref<10112x128xf32, #tpu.memory_space<vmem_shared>>)
          } else {
          }
          %dma_start3A = arith.constant 0 : i32
          %dma_start3A_74 = tpu.memref_slice %arg11[%mul3A_65, %dma_start3A] : memref<16x128xi32, #tpu.memory_space<vmem>> -> memref<1x128xi32, #tpu.memory_space<vmem>>
          %dma_start3A_75 = tpu.memref_squeeze %dma_start3A_74 : memref<1x128xi32, #tpu.memory_space<vmem>> -> memref<128xi32, #tpu.memory_space<vmem>>
          %dma_start3A_76 = arith.constant 0 : i32
          %dma_start3A_77 = arith.constant 0 : i32
          %dma_start3A_78 = tpu.memref_slice %arg3[%dma_start3A_76, %dma_start3A_77] : memref<10000x128xf32, #tpu.memory_space<hbm>> -> memref<10000x128xf32, #tpu.memory_space<hbm>>
          tpu.enqueue_indirect_dma source(%dma_start3A_78 : memref<10000x128xf32, #tpu.memory_space<hbm>>) target(%arg13 : memref<128x128xf32, #tpu.memory_space<vmem>>) offsets(%dma_start3A_75 : memref<128xi32, #tpu.memory_space<vmem>>) semaphore(%arg15 : memref<!tpu.dma_semaphore, #tpu.memory_space<semaphore_mem>>)
          %not3A_79 = arith.constant true
          %not3A_80 = arith.xori %eq3A_69, %not3A_79 : i1
          %convert_element_type3A_81 = arith.extui %not3A_80 : i1 to i32
          %cond3A_82 = arith.constant 0 : i32
          %cond3A_83 = arith.cmpi ne, %convert_element_type3A_81, %cond3A_82 : i32
          scf.if %cond3A_83 {
            %dma_wait3A_115 = arith.constant 0 : i32
            %dma_wait3A_116 = tpu.memref_slice %arg12[%add3A_67, %dma_wait3A_115] : memref<16x128xi32, #tpu.memory_space<vmem>> -> memref<1x128xi32, #tpu.memory_space<vmem>>
            %dma_wait3A_117 = tpu.memref_squeeze %dma_wait3A_116 : memref<1x128xi32, #tpu.memory_space<vmem>> -> memref<128xi32, #tpu.memory_space<vmem>>
            %dma_wait3A_118 = arith.constant 0 : i32
            %dma_wait3A_119 = arith.constant 0 : i32
            %dma_wait3A_120 = tpu.memref_slice %arg10[%dma_wait3A_118, %dma_wait3A_119] : memref<10112x128xf32, #tpu.memory_space<vmem_shared>> -> memref<10112x128xf32, #tpu.memory_space<vmem_shared>>
            tpu.wait_indirect_dma semaphore(%arg18 : memref<!tpu.dma_semaphore, #tpu.memory_space<semaphore_mem>>) src(%arg14 : memref<128x128xf32, #tpu.memory_space<vmem>>) dst(%dma_wait3A_120 : memref<10112x128xf32, #tpu.memory_space<vmem_shared>>)
          } else {
          }
          %dma_start3A_84 = arith.constant 0 : i32
          %dma_start3A_85 = tpu.memref_slice %arg11[%add3A_67, %dma_start3A_84] : memref<16x128xi32, #tpu.memory_space<vmem>> -> memref<1x128xi32, #tpu.memory_space<vmem>>
          %dma_start3A_86 = tpu.memref_squeeze %dma_start3A_85 : memref<1x128xi32, #tpu.memory_space<vmem>> -> memref<128xi32, #tpu.memory_space<vmem>>
          %dma_start3A_87 = arith.constant 0 : i32
          %dma_start3A_88 = arith.constant 0 : i32
          %dma_start3A_89 = tpu.memref_slice %arg3[%dma_start3A_87, %dma_start3A_88] : memref<10000x128xf32, #tpu.memory_space<hbm>> -> memref<10000x128xf32, #tpu.memory_space<hbm>>
          tpu.enqueue_indirect_dma source(%dma_start3A_89 : memref<10000x128xf32, #tpu.memory_space<hbm>>) target(%arg14 : memref<128x128xf32, #tpu.memory_space<vmem>>) offsets(%dma_start3A_86 : memref<128xi32, #tpu.memory_space<vmem>>) semaphore(%arg16 : memref<!tpu.dma_semaphore, #tpu.memory_space<semaphore_mem>>)
          %dma_wait3A_90 = arith.constant 0 : i32
          %dma_wait3A_91 = tpu.memref_slice %arg11[%mul3A_65, %dma_wait3A_90] : memref<16x128xi32, #tpu.memory_space<vmem>> -> memref<1x128xi32, #tpu.memory_space<vmem>>
          %dma_wait3A_92 = tpu.memref_squeeze %dma_wait3A_91 : memref<1x128xi32, #tpu.memory_space<vmem>> -> memref<128xi32, #tpu.memory_space<vmem>>
          %dma_wait3A_93 = arith.constant 0 : i32
          %dma_wait3A_94 = arith.constant 0 : i32
          %dma_wait3A_95 = tpu.memref_slice %arg3[%dma_wait3A_93, %dma_wait3A_94] : memref<10000x128xf32, #tpu.memory_space<hbm>> -> memref<10000x128xf32, #tpu.memory_space<hbm>>
          tpu.wait_indirect_dma semaphore(%arg15 : memref<!tpu.dma_semaphore, #tpu.memory_space<semaphore_mem>>) src(%dma_wait3A_95 : memref<10000x128xf32, #tpu.memory_space<hbm>>) dst(%arg13 : memref<128x128xf32, #tpu.memory_space<vmem>>)
          %dma_start3A_96 = arith.constant 0 : i32
          %dma_start3A_97 = tpu.memref_slice %arg12[%mul3A_65, %dma_start3A_96] : memref<16x128xi32, #tpu.memory_space<vmem>> -> memref<1x128xi32, #tpu.memory_space<vmem>>
          %dma_start3A_98 = tpu.memref_squeeze %dma_start3A_97 : memref<1x128xi32, #tpu.memory_space<vmem>> -> memref<128xi32, #tpu.memory_space<vmem>>
          %dma_start3A_99 = arith.constant 0 : i32
          %dma_start3A_100 = arith.constant 0 : i32
          %dma_start3A_101 = tpu.memref_slice %arg10[%dma_start3A_99, %dma_start3A_100] : memref<10112x128xf32, #tpu.memory_space<vmem_shared>> -> memref<10112x128xf32, #tpu.memory_space<vmem_shared>>
          tpu.enqueue_indirect_dma source(%arg13 : memref<128x128xf32, #tpu.memory_space<vmem>>) target(%dma_start3A_101 : memref<10112x128xf32, #tpu.memory_space<vmem_shared>>) offsets(%dma_start3A_98 : memref<128xi32, #tpu.memory_space<vmem>>) semaphore(%arg17 : memref<!tpu.dma_semaphore, #tpu.memory_space<semaphore_mem>>) {add = true}
          %dma_wait3A_102 = arith.constant 0 : i32
          %dma_wait3A_103 = tpu.memref_slice %arg11[%add3A_67, %dma_wait3A_102] : memref<16x128xi32, #tpu.memory_space<vmem>> -> memref<1x128xi32, #tpu.memory_space<vmem>>
          %dma_wait3A_104 = tpu.memref_squeeze %dma_wait3A_103 : memref<1x128xi32, #tpu.memory_space<vmem>> -> memref<128xi32, #tpu.memory_space<vmem>>
          %dma_wait3A_105 = arith.constant 0 : i32
          %dma_wait3A_106 = arith.constant 0 : i32
          %dma_wait3A_107 = tpu.memref_slice %arg3[%dma_wait3A_105, %dma_wait3A_106] : memref<10000x128xf32, #tpu.memory_space<hbm>> -> memref<10000x128xf32, #tpu.memory_space<hbm>>
          tpu.wait_indirect_dma semaphore(%arg16 : memref<!tpu.dma_semaphore, #tpu.memory_space<semaphore_mem>>) src(%dma_wait3A_107 : memref<10000x128xf32, #tpu.memory_space<hbm>>) dst(%arg14 : memref<128x128xf32, #tpu.memory_space<vmem>>)
          %dma_start3A_108 = arith.constant 0 : i32
          %dma_start3A_109 = tpu.memref_slice %arg12[%add3A_67, %dma_start3A_108] : memref<16x128xi32, #tpu.memory_space<vmem>> -> memref<1x128xi32, #tpu.memory_space<vmem>>
          %dma_start3A_110 = tpu.memref_squeeze %dma_start3A_109 : memref<1x128xi32, #tpu.memory_space<vmem>> -> memref<128xi32, #tpu.memory_space<vmem>>
          %dma_start3A_111 = arith.constant 0 : i32
          %dma_start3A_112 = arith.constant 0 : i32
          %dma_start3A_113 = tpu.memref_slice %arg10[%dma_start3A_111, %dma_start3A_112] : memref<10112x128xf32, #tpu.memory_space<vmem_shared>> -> memref<10112x128xf32, #tpu.memory_space<vmem_shared>>
          tpu.enqueue_indirect_dma source(%arg14 : memref<128x128xf32, #tpu.memory_space<vmem>>) target(%dma_start3A_113 : memref<10112x128xf32, #tpu.memory_space<vmem_shared>>) offsets(%dma_start3A_110 : memref<128xi32, #tpu.memory_space<vmem>>) semaphore(%arg18 : memref<!tpu.dma_semaphore, #tpu.memory_space<semaphore_mem>>) {add = true}
          %scan3A_114 = arith.constant 0 : i32
          scf.yield %scan3A_114 : i32
        }
        %scan3A_60 = arith.constant 8 : i32
        %scan3A_61 = arith.constant 0 : i32
        scf.yield %scan3A_61 : i32
      }
      %scan3A_29 = arith.constant 10 : i32
      %dma_wait3A = arith.constant 0 : i32
      %dma_wait3A_30 = arith.constant 0 : i32
      %dma_wait3A_31 = tpu.memref_slice %arg12[%dma_wait3A, %dma_wait3A_30] : memref<16x128xi32, #tpu.memory_space<vmem>> -> memref<1x128xi32, #tpu.memory_space<vmem>>
      %dma_wait3A_32 = tpu.memref_squeeze %dma_wait3A_31 : memref<1x128xi32, #tpu.memory_space<vmem>> -> memref<128xi32, #tpu.memory_space<vmem>>
      %dma_wait3A_33 = arith.constant 0 : i32
      %dma_wait3A_34 = arith.constant 0 : i32
      %dma_wait3A_35 = tpu.memref_slice %arg10[%dma_wait3A_33, %dma_wait3A_34] : memref<10112x128xf32, #tpu.memory_space<vmem_shared>> -> memref<10112x128xf32, #tpu.memory_space<vmem_shared>>
      tpu.wait_indirect_dma semaphore(%arg17 : memref<!tpu.dma_semaphore, #tpu.memory_space<semaphore_mem>>) src(%arg13 : memref<128x128xf32, #tpu.memory_space<vmem>>) dst(%dma_wait3A_35 : memref<10112x128xf32, #tpu.memory_space<vmem_shared>>)
      %dma_wait3A_36 = arith.constant 1 : i32
      %dma_wait3A_37 = arith.constant 0 : i32
      %dma_wait3A_38 = tpu.memref_slice %arg12[%dma_wait3A_36, %dma_wait3A_37] : memref<16x128xi32, #tpu.memory_space<vmem>> -> memref<1x128xi32, #tpu.memory_space<vmem>>
      %dma_wait3A_39 = tpu.memref_squeeze %dma_wait3A_38 : memref<1x128xi32, #tpu.memory_space<vmem>> -> memref<128xi32, #tpu.memory_space<vmem>>
      %dma_wait3A_40 = arith.constant 0 : i32
      %dma_wait3A_41 = arith.constant 0 : i32
      %dma_wait3A_42 = tpu.memref_slice %arg10[%dma_wait3A_40, %dma_wait3A_41] : memref<10112x128xf32, #tpu.memory_space<vmem_shared>> -> memref<10112x128xf32, #tpu.memory_space<vmem_shared>>
      tpu.wait_indirect_dma semaphore(%arg18 : memref<!tpu.dma_semaphore, #tpu.memory_space<semaphore_mem>>) src(%arg14 : memref<128x128xf32, #tpu.memory_space<vmem>>) dst(%dma_wait3A_42 : memref<10112x128xf32, #tpu.memory_space<vmem_shared>>)
      %barrier3A_43 = arith.constant 0 : index
      tpu.barrier barrier_id(%barrier3A_43)
      "tpu.region"() ({
        %run_scoped3A = tpu.sem_alloc : memref<!tpu.dma_semaphore, #tpu.memory_space<semaphore_mem>>
        %dma_start3A = arith.constant 0 : i32
        %dma_start3A_44 = tpu.memref_slice %arg8[%mul3A_13, %dma_start3A] : memref<10112x128xf32, #tpu.memory_space<hbm>> -> memref<632x128xf32, #tpu.memory_space<hbm>>
        %dma_start3A_45 = arith.constant 0 : i32
        %dma_start3A_46 = tpu.memref_slice %arg10[%mul3A_13, %dma_start3A_45] : memref<10112x128xf32, #tpu.memory_space<vmem_shared>> -> memref<632x128xf32, #tpu.memory_space<vmem_shared>>
        tpu.enqueue_dma source(%dma_start3A_46 : memref<632x128xf32, #tpu.memory_space<vmem_shared>>) target(%dma_start3A_44 : memref<632x128xf32, #tpu.memory_space<hbm>>) target_semaphore(%run_scoped3A : memref<!tpu.dma_semaphore, #tpu.memory_space<semaphore_mem>>)
        %dma_wait3A_47 = arith.constant 0 : i32
        %dma_wait3A_48 = tpu.memref_slice %arg8[%mul3A_13, %dma_wait3A_47] : memref<10112x128xf32, #tpu.memory_space<hbm>> -> memref<632x128xf32, #tpu.memory_space<hbm>>
        %dma_wait3A_49 = arith.constant 0 : i32
        %dma_wait3A_50 = tpu.memref_slice %arg10[%mul3A_13, %dma_wait3A_49] : memref<10112x128xf32, #tpu.memory_space<vmem_shared>> -> memref<632x128xf32, #tpu.memory_space<vmem_shared>>
        tpu.wait_dma2 semaphore(%run_scoped3A : memref<!tpu.dma_semaphore, #tpu.memory_space<semaphore_mem>>) src(%dma_wait3A_50 : memref<632x128xf32, #tpu.memory_space<vmem_shared>>) dst(%dma_wait3A_48 : memref<632x128xf32, #tpu.memory_space<hbm>>)
        tpu.yield
      }) : () -> ()
    } else {
    }
    %eq3A_2 = arith.constant 1 : i32
    %eq3A_3 = arith.cmpi eq, %arg0, %eq3A_2 : i32
    %convert_element_type3A_4 = arith.extui %eq3A_3 : i1 to i32
    %cond3A_5 = arith.constant 0 : i32
    %cond3A_6 = arith.cmpi ne, %convert_element_type3A_4, %cond3A_5 : i32
    scf.if %cond3A_6 {
      %scan3A = arith.constant 0 : i32
      %scan3A_7 = arith.constant 0 : i32
      %scan3A_8 = arith.constant 1024 : i32
      %scan3A_9 = arith.addi %scan3A_7, %scan3A_8 : i32
      %scan3A_10 = arith.constant 1 : i32
      %scan3A_11 = scf.for %scan3A_44 = %scan3A_7 to %scan3A_9 step %scan3A_10 iter_args(%scan3A_45 = %scan3A) -> (i32)  : i32 {
        %jit3A = arith.constant 8 : i32
        %div3A = arith.divsi %scan3A_44, %jit3A : i32
        %sign3A = arith.constant 0 : i32
        %sign3A_46 = arith.cmpi sgt, %scan3A_44, %sign3A : i32
        %sign3A_47 = arith.extui %sign3A_46 : i1 to i32
        %sign3A_48 = arith.constant 0 : i32
        %sign3A_49 = arith.cmpi slt, %scan3A_44, %sign3A_48 : i32
        %sign3A_50 = arith.extui %sign3A_49 : i1 to i32
        %sign3A_51 = arith.subi %sign3A_47, %sign3A_50 : i32
        %sign3A_52 = arith.constant 0 : i32
        %sign3A_53 = arith.cmpi sgt, %jit3A, %sign3A_52 : i32
        %sign3A_54 = arith.extui %sign3A_53 : i1 to i32
        %sign3A_55 = arith.constant 0 : i32
        %sign3A_56 = arith.cmpi slt, %jit3A, %sign3A_55 : i32
        %sign3A_57 = arith.extui %sign3A_56 : i1 to i32
        %sign3A_58 = arith.subi %sign3A_54, %sign3A_57 : i32
        %ne3A = arith.cmpi ne, %sign3A_51, %sign3A_58 : i32
        %rem3A = arith.remsi %scan3A_44, %jit3A : i32
        %ne3A_59 = arith.constant 0 : i32
        %ne3A_60 = arith.cmpi ne, %rem3A, %ne3A_59 : i32
        %and3A = arith.andi %ne3A, %ne3A_60 : i1
        %sub3A = arith.constant 1 : i32
        %sub3A_61 = arith.subi %div3A, %sub3A : i32
        %select_n3A = arith.select %and3A, %sub3A_61, %div3A : i32
        %jit3A_62 = arith.constant 8 : i32
        %eq3A_63 = arith.constant 0 : i32
        %eq3A_64 = arith.cmpi eq, %jit3A_62, %eq3A_63 : i32
        %jit3A_65 = arith.constant 1 : i32
        %select_n3A_66 = arith.select %eq3A_64, %jit3A_65, %jit3A_62 : i32
        %rem3A_67 = arith.remsi %scan3A_44, %select_n3A_66 : i32
        %ne3A_68 = arith.constant 0 : i32
        %ne3A_69 = arith.cmpi ne, %rem3A_67, %ne3A_68 : i32
        %lt3A = arith.constant 0 : i32
        %lt3A_70 = arith.cmpi slt, %rem3A_67, %lt3A : i32
        %lt3A_71 = arith.constant 0 : i32
        %lt3A_72 = arith.cmpi slt, %select_n3A_66, %lt3A_71 : i32
        %ne3A_73 = arith.xori %lt3A_70, %lt3A_72 : i1
        %and3A_74 = arith.andi %ne3A_73, %ne3A_69 : i1
        %add3A_75 = arith.addi %rem3A_67, %select_n3A_66 : i32
        %select_n3A_76 = arith.select %and3A_74, %add3A_75, %rem3A_67 : i32
        %broadcast_in_dim3A = arith.constant 0.000000e+00 : f32
        %broadcast_in_dim3A_77 = vector.broadcast %broadcast_in_dim3A : f32 to vector<16xf32>
        %mul3A_78 = arith.constant 16 : i32
        %mul3A_79 = arith.muli %select_n3A_76, %mul3A_78 : i32
        %swap3A = arith.index_cast %select_n3A : i32 to index
        %swap3A_80 = arith.index_cast %mul3A_79 : i32 to index
        %swap3A_81 = tpu.vector_load %arg13[%swap3A, %swap3A_80] {strides = array<i32>} : memref<128x128xf32, #tpu.memory_space<vmem>>, vector<1x16xf32>,
        %swap3A_82 = vector.shape_cast %swap3A_81 : vector<1x16xf32> to vector<16xf32>
        %swap3A_83 = vector.shape_cast %broadcast_in_dim3A_77 : vector<16xf32> to vector<1x16xf32>
        tpu.vector_store %arg13[%swap3A, %swap3A_80], %swap3A_83 {strides = array<i32>} : memref<128x128xf32, #tpu.memory_space<vmem>>, vector<1x16xf32>,
        %scan3A_84 = arith.constant 0 : i32
        scf.yield %scan3A_84 : i32
      }
      %scan3A_12 = arith.constant 1024 : i32
      %mul3A = arith.constant 632 : i32
      %mul3A_13 = arith.muli %arg1, %mul3A : i32
      %add3A = arith.constant 0 : i32
      %add3A_14 = arith.addi %mul3A_13, %add3A : i32
      "tpu.region"() ({
        %run_scoped3A = tpu.sem_alloc : memref<!tpu.dma_semaphore, #tpu.memory_space<semaphore_mem>>
        %dma_start3A = arith.constant 0 : i32
        %dma_start3A_44 = arith.constant 0 : i32
        %dma_start3A_45 = tpu.memref_slice %arg13[%dma_start3A, %dma_start3A_44] : memref<128x128xf32, #tpu.memory_space<vmem>> -> memref<128x128xf32, #tpu.memory_space<vmem>>
        %dma_start3A_46 = arith.constant 0 : i32
        %dma_start3A_47 = tpu.memref_slice %arg10[%add3A_14, %dma_start3A_46] : memref<10112x128xf32, #tpu.memory_space<vmem_shared>> -> memref<128x128xf32, #tpu.memory_space<vmem_shared>>
        %dma_start3A_48 = arith.constant 0 : i32
        %dma_start3A_49 = tpu.memref_slice %arg10[%add3A_14, %dma_start3A_48] : memref<10112x128xf32, #tpu.memory_space<vmem_shared>> -> memref<128x128xf32, #tpu.memory_space<vmem_shared>>
        %dma_start3A_50 = arith.constant 0 : i32
        %dma_start3A_51 = arith.constant 0 : i32
        %dma_start3A_52 = tpu.memref_slice %arg13[%dma_start3A_50, %dma_start3A_51] : memref<128x128xf32, #tpu.memory_space<vmem>> -> memref<128x128xf32, #tpu.memory_space<vmem>>
        tpu.enqueue_dma source(%dma_start3A_52 : memref<128x128xf32, #tpu.memory_space<vmem>>) target(%dma_start3A_49 : memref<128x128xf32, #tpu.memory_space<vmem_shared>>) target_semaphore(%run_scoped3A : memref<!tpu.dma_semaphore, #tpu.memory_space<semaphore_mem>>)
        %dma_wait3A_53 = arith.constant 0 : i32
        %dma_wait3A_54 = arith.constant 0 : i32
        %dma_wait3A_55 = tpu.memref_slice %arg13[%dma_wait3A_53, %dma_wait3A_54] : memref<128x128xf32, #tpu.memory_space<vmem>> -> memref<128x128xf32, #tpu.memory_space<vmem>>
        %dma_wait3A_56 = arith.constant 0 : i32
        %dma_wait3A_57 = tpu.memref_slice %arg10[%add3A_14, %dma_wait3A_56] : memref<10112x128xf32, #tpu.memory_space<vmem_shared>> -> memref<128x128xf32, #tpu.memory_space<vmem_shared>>
        %dma_wait3A_58 = arith.constant 0 : i32
        %dma_wait3A_59 = tpu.memref_slice %arg10[%add3A_14, %dma_wait3A_58] : memref<10112x128xf32, #tpu.memory_space<vmem_shared>> -> memref<128x128xf32, #tpu.memory_space<vmem_shared>>
        %dma_wait3A_60 = arith.constant 0 : i32
        %dma_wait3A_61 = arith.constant 0 : i32
        %dma_wait3A_62 = tpu.memref_slice %arg13[%dma_wait3A_60, %dma_wait3A_61] : memref<128x128xf32, #tpu.memory_space<vmem>> -> memref<128x128xf32, #tpu.memory_space<vmem>>
        tpu.wait_dma2 semaphore(%run_scoped3A : memref<!tpu.dma_semaphore, #tpu.memory_space<semaphore_mem>>) src(%dma_wait3A_62 : memref<128x128xf32, #tpu.memory_space<vmem>>) dst(%dma_wait3A_59 : memref<128x128xf32, #tpu.memory_space<vmem_shared>>)
        tpu.yield
      }) : () -> ()
      %add3A_15 = arith.constant 128 : i32
      %add3A_16 = arith.addi %mul3A_13, %add3A_15 : i32
      "tpu.region"() ({
        %run_scoped3A = tpu.sem_alloc : memref<!tpu.dma_semaphore, #tpu.memory_space<semaphore_mem>>
        %dma_start3A = arith.constant 0 : i32
        %dma_start3A_44 = arith.constant 0 : i32
        %dma_start3A_45 = tpu.memref_slice %arg13[%dma_start3A, %dma_start3A_44] : memref<128x128xf32, #tpu.memory_space<vmem>> -> memref<128x128xf32, #tpu.memory_space<vmem>>
        %dma_start3A_46 = arith.constant 0 : i32
        %dma_start3A_47 = tpu.memref_slice %arg10[%add3A_16, %dma_start3A_46] : memref<10112x128xf32, #tpu.memory_space<vmem_shared>> -> memref<128x128xf32, #tpu.memory_space<vmem_shared>>
        %dma_start3A_48 = arith.constant 0 : i32
        %dma_start3A_49 = tpu.memref_slice %arg10[%add3A_16, %dma_start3A_48] : memref<10112x128xf32, #tpu.memory_space<vmem_shared>> -> memref<128x128xf32, #tpu.memory_space<vmem_shared>>
        %dma_start3A_50 = arith.constant 0 : i32
        %dma_start3A_51 = arith.constant 0 : i32
        %dma_start3A_52 = tpu.memref_slice %arg13[%dma_start3A_50, %dma_start3A_51] : memref<128x128xf32, #tpu.memory_space<vmem>> -> memref<128x128xf32, #tpu.memory_space<vmem>>
        tpu.enqueue_dma source(%dma_start3A_52 : memref<128x128xf32, #tpu.memory_space<vmem>>) target(%dma_start3A_49 : memref<128x128xf32, #tpu.memory_space<vmem_shared>>) target_semaphore(%run_scoped3A : memref<!tpu.dma_semaphore, #tpu.memory_space<semaphore_mem>>)
        %dma_wait3A_53 = arith.constant 0 : i32
        %dma_wait3A_54 = arith.constant 0 : i32
        %dma_wait3A_55 = tpu.memref_slice %arg13[%dma_wait3A_53, %dma_wait3A_54] : memref<128x128xf32, #tpu.memory_space<vmem>> -> memref<128x128xf32, #tpu.memory_space<vmem>>
        %dma_wait3A_56 = arith.constant 0 : i32
        %dma_wait3A_57 = tpu.memref_slice %arg10[%add3A_16, %dma_wait3A_56] : memref<10112x128xf32, #tpu.memory_space<vmem_shared>> -> memref<128x128xf32, #tpu.memory_space<vmem_shared>>
        %dma_wait3A_58 = arith.constant 0 : i32
        %dma_wait3A_59 = tpu.memref_slice %arg10[%add3A_16, %dma_wait3A_58] : memref<10112x128xf32, #tpu.memory_space<vmem_shared>> -> memref<128x128xf32, #tpu.memory_space<vmem_shared>>
        %dma_wait3A_60 = arith.constant 0 : i32
        %dma_wait3A_61 = arith.constant 0 : i32
        %dma_wait3A_62 = tpu.memref_slice %arg13[%dma_wait3A_60, %dma_wait3A_61] : memref<128x128xf32, #tpu.memory_space<vmem>> -> memref<128x128xf32, #tpu.memory_space<vmem>>
        tpu.wait_dma2 semaphore(%run_scoped3A : memref<!tpu.dma_semaphore, #tpu.memory_space<semaphore_mem>>) src(%dma_wait3A_62 : memref<128x128xf32, #tpu.memory_space<vmem>>) dst(%dma_wait3A_59 : memref<128x128xf32, #tpu.memory_space<vmem_shared>>)
        tpu.yield
      }) : () -> ()
      %add3A_17 = arith.constant 256 : i32
      %add3A_18 = arith.addi %mul3A_13, %add3A_17 : i32
      "tpu.region"() ({
        %run_scoped3A = tpu.sem_alloc : memref<!tpu.dma_semaphore, #tpu.memory_space<semaphore_mem>>
        %dma_start3A = arith.constant 0 : i32
        %dma_start3A_44 = arith.constant 0 : i32
        %dma_start3A_45 = tpu.memref_slice %arg13[%dma_start3A, %dma_start3A_44] : memref<128x128xf32, #tpu.memory_space<vmem>> -> memref<128x128xf32, #tpu.memory_space<vmem>>
        %dma_start3A_46 = arith.constant 0 : i32
        %dma_start3A_47 = tpu.memref_slice %arg10[%add3A_18, %dma_start3A_46] : memref<10112x128xf32, #tpu.memory_space<vmem_shared>> -> memref<128x128xf32, #tpu.memory_space<vmem_shared>>
        %dma_start3A_48 = arith.constant 0 : i32
        %dma_start3A_49 = tpu.memref_slice %arg10[%add3A_18, %dma_start3A_48] : memref<10112x128xf32, #tpu.memory_space<vmem_shared>> -> memref<128x128xf32, #tpu.memory_space<vmem_shared>>
        %dma_start3A_50 = arith.constant 0 : i32
        %dma_start3A_51 = arith.constant 0 : i32
        %dma_start3A_52 = tpu.memref_slice %arg13[%dma_start3A_50, %dma_start3A_51] : memref<128x128xf32, #tpu.memory_space<vmem>> -> memref<128x128xf32, #tpu.memory_space<vmem>>
        tpu.enqueue_dma source(%dma_start3A_52 : memref<128x128xf32, #tpu.memory_space<vmem>>) target(%dma_start3A_49 : memref<128x128xf32, #tpu.memory_space<vmem_shared>>) target_semaphore(%run_scoped3A : memref<!tpu.dma_semaphore, #tpu.memory_space<semaphore_mem>>)
        %dma_wait3A_53 = arith.constant 0 : i32
        %dma_wait3A_54 = arith.constant 0 : i32
        %dma_wait3A_55 = tpu.memref_slice %arg13[%dma_wait3A_53, %dma_wait3A_54] : memref<128x128xf32, #tpu.memory_space<vmem>> -> memref<128x128xf32, #tpu.memory_space<vmem>>
        %dma_wait3A_56 = arith.constant 0 : i32
        %dma_wait3A_57 = tpu.memref_slice %arg10[%add3A_18, %dma_wait3A_56] : memref<10112x128xf32, #tpu.memory_space<vmem_shared>> -> memref<128x128xf32, #tpu.memory_space<vmem_shared>>
        %dma_wait3A_58 = arith.constant 0 : i32
        %dma_wait3A_59 = tpu.memref_slice %arg10[%add3A_18, %dma_wait3A_58] : memref<10112x128xf32, #tpu.memory_space<vmem_shared>> -> memref<128x128xf32, #tpu.memory_space<vmem_shared>>
        %dma_wait3A_60 = arith.constant 0 : i32
        %dma_wait3A_61 = arith.constant 0 : i32
        %dma_wait3A_62 = tpu.memref_slice %arg13[%dma_wait3A_60, %dma_wait3A_61] : memref<128x128xf32, #tpu.memory_space<vmem>> -> memref<128x128xf32, #tpu.memory_space<vmem>>
        tpu.wait_dma2 semaphore(%run_scoped3A : memref<!tpu.dma_semaphore, #tpu.memory_space<semaphore_mem>>) src(%dma_wait3A_62 : memref<128x128xf32, #tpu.memory_space<vmem>>) dst(%dma_wait3A_59 : memref<128x128xf32, #tpu.memory_space<vmem_shared>>)
        tpu.yield
      }) : () -> ()
      %add3A_19 = arith.constant 384 : i32
      %add3A_20 = arith.addi %mul3A_13, %add3A_19 : i32
      "tpu.region"() ({
        %run_scoped3A = tpu.sem_alloc : memref<!tpu.dma_semaphore, #tpu.memory_space<semaphore_mem>>
        %dma_start3A = arith.constant 0 : i32
        %dma_start3A_44 = arith.constant 0 : i32
        %dma_start3A_45 = tpu.memref_slice %arg13[%dma_start3A, %dma_start3A_44] : memref<128x128xf32, #tpu.memory_space<vmem>> -> memref<128x128xf32, #tpu.memory_space<vmem>>
        %dma_start3A_46 = arith.constant 0 : i32
        %dma_start3A_47 = tpu.memref_slice %arg10[%add3A_20, %dma_start3A_46] : memref<10112x128xf32, #tpu.memory_space<vmem_shared>> -> memref<128x128xf32, #tpu.memory_space<vmem_shared>>
        %dma_start3A_48 = arith.constant 0 : i32
        %dma_start3A_49 = tpu.memref_slice %arg10[%add3A_20, %dma_start3A_48] : memref<10112x128xf32, #tpu.memory_space<vmem_shared>> -> memref<128x128xf32, #tpu.memory_space<vmem_shared>>
        %dma_start3A_50 = arith.constant 0 : i32
        %dma_start3A_51 = arith.constant 0 : i32
        %dma_start3A_52 = tpu.memref_slice %arg13[%dma_start3A_50, %dma_start3A_51] : memref<128x128xf32, #tpu.memory_space<vmem>> -> memref<128x128xf32, #tpu.memory_space<vmem>>
        tpu.enqueue_dma source(%dma_start3A_52 : memref<128x128xf32, #tpu.memory_space<vmem>>) target(%dma_start3A_49 : memref<128x128xf32, #tpu.memory_space<vmem_shared>>) target_semaphore(%run_scoped3A : memref<!tpu.dma_semaphore, #tpu.memory_space<semaphore_mem>>)
        %dma_wait3A_53 = arith.constant 0 : i32
        %dma_wait3A_54 = arith.constant 0 : i32
        %dma_wait3A_55 = tpu.memref_slice %arg13[%dma_wait3A_53, %dma_wait3A_54] : memref<128x128xf32, #tpu.memory_space<vmem>> -> memref<128x128xf32, #tpu.memory_space<vmem>>
        %dma_wait3A_56 = arith.constant 0 : i32
        %dma_wait3A_57 = tpu.memref_slice %arg10[%add3A_20, %dma_wait3A_56] : memref<10112x128xf32, #tpu.memory_space<vmem_shared>> -> memref<128x128xf32, #tpu.memory_space<vmem_shared>>
        %dma_wait3A_58 = arith.constant 0 : i32
        %dma_wait3A_59 = tpu.memref_slice %arg10[%add3A_20, %dma_wait3A_58] : memref<10112x128xf32, #tpu.memory_space<vmem_shared>> -> memref<128x128xf32, #tpu.memory_space<vmem_shared>>
        %dma_wait3A_60 = arith.constant 0 : i32
        %dma_wait3A_61 = arith.constant 0 : i32
        %dma_wait3A_62 = tpu.memref_slice %arg13[%dma_wait3A_60, %dma_wait3A_61] : memref<128x128xf32, #tpu.memory_space<vmem>> -> memref<128x128xf32, #tpu.memory_space<vmem>>
        tpu.wait_dma2 semaphore(%run_scoped3A : memref<!tpu.dma_semaphore, #tpu.memory_space<semaphore_mem>>) src(%dma_wait3A_62 : memref<128x128xf32, #tpu.memory_space<vmem>>) dst(%dma_wait3A_59 : memref<128x128xf32, #tpu.memory_space<vmem_shared>>)
        tpu.yield
      }) : () -> ()
      %add3A_21 = arith.constant 512 : i32
      %add3A_22 = arith.addi %mul3A_13, %add3A_21 : i32
      "tpu.region"() ({
        %run_scoped3A = tpu.sem_alloc : memref<!tpu.dma_semaphore, #tpu.memory_space<semaphore_mem>>
        %dma_start3A = arith.constant 0 : i32
        %dma_start3A_44 = arith.constant 0 : i32
        %dma_start3A_45 = tpu.memref_slice %arg13[%dma_start3A, %dma_start3A_44] : memref<128x128xf32, #tpu.memory_space<vmem>> -> memref<120x128xf32, #tpu.memory_space<vmem>>
        %dma_start3A_46 = arith.constant 0 : i32
        %dma_start3A_47 = tpu.memref_slice %arg10[%add3A_22, %dma_start3A_46] : memref<10112x128xf32, #tpu.memory_space<vmem_shared>> -> memref<120x128xf32, #tpu.memory_space<vmem_shared>>
        %dma_start3A_48 = arith.constant 0 : i32
        %dma_start3A_49 = tpu.memref_slice %arg10[%add3A_22, %dma_start3A_48] : memref<10112x128xf32, #tpu.memory_space<vmem_shared>> -> memref<120x128xf32, #tpu.memory_space<vmem_shared>>
        %dma_start3A_50 = arith.constant 0 : i32
        %dma_start3A_51 = arith.constant 0 : i32
        %dma_start3A_52 = tpu.memref_slice %arg13[%dma_start3A_50, %dma_start3A_51] : memref<128x128xf32, #tpu.memory_space<vmem>> -> memref<120x128xf32, #tpu.memory_space<vmem>>
        tpu.enqueue_dma source(%dma_start3A_52 : memref<120x128xf32, #tpu.memory_space<vmem>>) target(%dma_start3A_49 : memref<120x128xf32, #tpu.memory_space<vmem_shared>>) target_semaphore(%run_scoped3A : memref<!tpu.dma_semaphore, #tpu.memory_space<semaphore_mem>>)
        %dma_wait3A_53 = arith.constant 0 : i32
        %dma_wait3A_54 = arith.constant 0 : i32
        %dma_wait3A_55 = tpu.memref_slice %arg13[%dma_wait3A_53, %dma_wait3A_54] : memref<128x128xf32, #tpu.memory_space<vmem>> -> memref<120x128xf32, #tpu.memory_space<vmem>>
        %dma_wait3A_56 = arith.constant 0 : i32
        %dma_wait3A_57 = tpu.memref_slice %arg10[%add3A_22, %dma_wait3A_56] : memref<10112x128xf32, #tpu.memory_space<vmem_shared>> -> memref<120x128xf32, #tpu.memory_space<vmem_shared>>
        %dma_wait3A_58 = arith.constant 0 : i32
        %dma_wait3A_59 = tpu.memref_slice %arg10[%add3A_22, %dma_wait3A_58] : memref<10112x128xf32, #tpu.memory_space<vmem_shared>> -> memref<120x128xf32, #tpu.memory_space<vmem_shared>>
        %dma_wait3A_60 = arith.constant 0 : i32
        %dma_wait3A_61 = arith.constant 0 : i32
        %dma_wait3A_62 = tpu.memref_slice %arg13[%dma_wait3A_60, %dma_wait3A_61] : memref<128x128xf32, #tpu.memory_space<vmem>> -> memref<120x128xf32, #tpu.memory_space<vmem>>
        tpu.wait_dma2 semaphore(%run_scoped3A : memref<!tpu.dma_semaphore, #tpu.memory_space<semaphore_mem>>) src(%dma_wait3A_62 : memref<120x128xf32, #tpu.memory_space<vmem>>) dst(%dma_wait3A_59 : memref<120x128xf32, #tpu.memory_space<vmem_shared>>)
        tpu.yield
      }) : () -> ()
      %barrier3A = arith.constant 0 : index
      tpu.barrier barrier_id(%barrier3A)
      %scan3A_23 = arith.constant 0 : i32
      %scan3A_24 = arith.constant 0 : i32
      %scan3A_25 = arith.constant 10 : i32
      %scan3A_26 = arith.addi %scan3A_24, %scan3A_25 : i32
      %scan3A_27 = arith.constant 1 : i32
      %scan3A_28 = scf.for %scan3A_44 = %scan3A_24 to %scan3A_26 step %scan3A_27 iter_args(%scan3A_45 = %scan3A_23) -> (i32)  : i32 {
        %gt3A = arith.constant 0 : i32
        %gt3A_46 = arith.cmpi sgt, %scan3A_44, %gt3A : i32
        %convert_element_type3A_47 = arith.extui %gt3A_46 : i1 to i32
        %cond3A_48 = arith.constant 0 : i32
        %cond3A_49 = arith.cmpi ne, %convert_element_type3A_47, %cond3A_48 : i32
        scf.if %cond3A_49 {
          %dma_wait3A_62 = arith.constant 0 : i32
          %dma_wait3A_63 = arith.constant 0 : i32
          %dma_wait3A_64 = tpu.memref_slice %arg12[%dma_wait3A_62, %dma_wait3A_63] : memref<16x128xi32, #tpu.memory_space<vmem>> -> memref<1x128xi32, #tpu.memory_space<vmem>>
          %dma_wait3A_65 = tpu.memref_squeeze %dma_wait3A_64 : memref<1x128xi32, #tpu.memory_space<vmem>> -> memref<128xi32, #tpu.memory_space<vmem>>
          %dma_wait3A_66 = arith.constant 0 : i32
          %dma_wait3A_67 = arith.constant 0 : i32
          %dma_wait3A_68 = tpu.memref_slice %arg10[%dma_wait3A_66, %dma_wait3A_67] : memref<10112x128xf32, #tpu.memory_space<vmem_shared>> -> memref<10112x128xf32, #tpu.memory_space<vmem_shared>>
          tpu.wait_indirect_dma semaphore(%arg17 : memref<!tpu.dma_semaphore, #tpu.memory_space<semaphore_mem>>) src(%arg13 : memref<128x128xf32, #tpu.memory_space<vmem>>) dst(%dma_wait3A_68 : memref<10112x128xf32, #tpu.memory_space<vmem_shared>>)
          %dma_wait3A_69 = arith.constant 1 : i32
          %dma_wait3A_70 = arith.constant 0 : i32
          %dma_wait3A_71 = tpu.memref_slice %arg12[%dma_wait3A_69, %dma_wait3A_70] : memref<16x128xi32, #tpu.memory_space<vmem>> -> memref<1x128xi32, #tpu.memory_space<vmem>>
          %dma_wait3A_72 = tpu.memref_squeeze %dma_wait3A_71 : memref<1x128xi32, #tpu.memory_space<vmem>> -> memref<128xi32, #tpu.memory_space<vmem>>
          %dma_wait3A_73 = arith.constant 0 : i32
          %dma_wait3A_74 = arith.constant 0 : i32
          %dma_wait3A_75 = tpu.memref_slice %arg10[%dma_wait3A_73, %dma_wait3A_74] : memref<10112x128xf32, #tpu.memory_space<vmem_shared>> -> memref<10112x128xf32, #tpu.memory_space<vmem_shared>>
          tpu.wait_indirect_dma semaphore(%arg18 : memref<!tpu.dma_semaphore, #tpu.memory_space<semaphore_mem>>) src(%arg14 : memref<128x128xf32, #tpu.memory_space<vmem>>) dst(%dma_wait3A_75 : memref<10112x128xf32, #tpu.memory_space<vmem_shared>>)
        } else {
        }
        %mul3A_50 = arith.constant 16 : i32
        %mul3A_51 = arith.muli %scan3A_44, %mul3A_50 : i32
        "tpu.region"() ({
          %run_scoped3A = tpu.sem_alloc : memref<!tpu.dma_semaphore, #tpu.memory_space<semaphore_mem>>
          %dma_start3A = arith.constant 0 : i32
          %dma_start3A_62 = tpu.memref_slice %arg6[%arg1, %mul3A_51, %dma_start3A] : memref<16x160x128xi32, #tpu.memory_space<hbm>> -> memref<1x16x128xi32, #tpu.memory_space<hbm>>
          %dma_start3A_63 = tpu.memref_squeeze %dma_start3A_62 : memref<1x16x128xi32, #tpu.memory_space<hbm>> -> memref<16x128xi32, #tpu.memory_space<hbm>>
          %dma_start3A_64 = arith.constant 0 : i32
          %dma_start3A_65 = tpu.memref_slice %arg6[%arg1, %mul3A_51, %dma_start3A_64] : memref<16x160x128xi32, #tpu.memory_space<hbm>> -> memref<1x16x128xi32, #tpu.memory_space<hbm>>
          %dma_start3A_66 = tpu.memref_squeeze %dma_start3A_65 : memref<1x16x128xi32, #tpu.memory_space<hbm>> -> memref<16x128xi32, #tpu.memory_space<hbm>>
          tpu.enqueue_dma source(%dma_start3A_66 : memref<16x128xi32, #tpu.memory_space<hbm>>) target(%arg11 : memref<16x128xi32, #tpu.memory_space<vmem>>) target_semaphore(%run_scoped3A : memref<!tpu.dma_semaphore, #tpu.memory_space<semaphore_mem>>)
          %dma_wait3A_67 = arith.constant 0 : i32
          %dma_wait3A_68 = tpu.memref_slice %arg6[%arg1, %mul3A_51, %dma_wait3A_67] : memref<16x160x128xi32, #tpu.memory_space<hbm>> -> memref<1x16x128xi32, #tpu.memory_space<hbm>>
          %dma_wait3A_69 = tpu.memref_squeeze %dma_wait3A_68 : memref<1x16x128xi32, #tpu.memory_space<hbm>> -> memref<16x128xi32, #tpu.memory_space<hbm>>
          %dma_wait3A_70 = arith.constant 0 : i32
          %dma_wait3A_71 = tpu.memref_slice %arg6[%arg1, %mul3A_51, %dma_wait3A_70] : memref<16x160x128xi32, #tpu.memory_space<hbm>> -> memref<1x16x128xi32, #tpu.memory_space<hbm>>
          %dma_wait3A_72 = tpu.memref_squeeze %dma_wait3A_71 : memref<1x16x128xi32, #tpu.memory_space<hbm>> -> memref<16x128xi32, #tpu.memory_space<hbm>>
          tpu.wait_dma2 semaphore(%run_scoped3A : memref<!tpu.dma_semaphore, #tpu.memory_space<semaphore_mem>>) src(%dma_wait3A_72 : memref<16x128xi32, #tpu.memory_space<hbm>>) dst(%arg11 : memref<16x128xi32, #tpu.memory_space<vmem>>)
          tpu.yield
        }) : () -> ()
        %mul3A_52 = arith.constant 16 : i32
        %mul3A_53 = arith.muli %scan3A_44, %mul3A_52 : i32
        "tpu.region"() ({
          %run_scoped3A = tpu.sem_alloc : memref<!tpu.dma_semaphore, #tpu.memory_space<semaphore_mem>>
          %dma_start3A = arith.constant 0 : i32
          %dma_start3A_62 = tpu.memref_slice %arg7[%arg1, %mul3A_53, %dma_start3A] : memref<16x160x128xi32, #tpu.memory_space<hbm>> -> memref<1x16x128xi32, #tpu.memory_space<hbm>>
          %dma_start3A_63 = tpu.memref_squeeze %dma_start3A_62 : memref<1x16x128xi32, #tpu.memory_space<hbm>> -> memref<16x128xi32, #tpu.memory_space<hbm>>
          %dma_start3A_64 = arith.constant 0 : i32
          %dma_start3A_65 = tpu.memref_slice %arg7[%arg1, %mul3A_53, %dma_start3A_64] : memref<16x160x128xi32, #tpu.memory_space<hbm>> -> memref<1x16x128xi32, #tpu.memory_space<hbm>>
          %dma_start3A_66 = tpu.memref_squeeze %dma_start3A_65 : memref<1x16x128xi32, #tpu.memory_space<hbm>> -> memref<16x128xi32, #tpu.memory_space<hbm>>
          tpu.enqueue_dma source(%dma_start3A_66 : memref<16x128xi32, #tpu.memory_space<hbm>>) target(%arg12 : memref<16x128xi32, #tpu.memory_space<vmem>>) target_semaphore(%run_scoped3A : memref<!tpu.dma_semaphore, #tpu.memory_space<semaphore_mem>>)
          %dma_wait3A_67 = arith.constant 0 : i32
          %dma_wait3A_68 = tpu.memref_slice %arg7[%arg1, %mul3A_53, %dma_wait3A_67] : memref<16x160x128xi32, #tpu.memory_space<hbm>> -> memref<1x16x128xi32, #tpu.memory_space<hbm>>
          %dma_wait3A_69 = tpu.memref_squeeze %dma_wait3A_68 : memref<1x16x128xi32, #tpu.memory_space<hbm>> -> memref<16x128xi32, #tpu.memory_space<hbm>>
          %dma_wait3A_70 = arith.constant 0 : i32
          %dma_wait3A_71 = tpu.memref_slice %arg7[%arg1, %mul3A_53, %dma_wait3A_70] : memref<16x160x128xi32, #tpu.memory_space<hbm>> -> memref<1x16x128xi32, #tpu.memory_space<hbm>>
          %dma_wait3A_72 = tpu.memref_squeeze %dma_wait3A_71 : memref<1x16x128xi32, #tpu.memory_space<hbm>> -> memref<16x128xi32, #tpu.memory_space<hbm>>
          tpu.wait_dma2 semaphore(%run_scoped3A : memref<!tpu.dma_semaphore, #tpu.memory_space<semaphore_mem>>) src(%dma_wait3A_72 : memref<16x128xi32, #tpu.memory_space<hbm>>) dst(%arg12 : memref<16x128xi32, #tpu.memory_space<vmem>>)
          tpu.yield
        }) : () -> ()
        %scan3A_54 = arith.constant 0 : i32
        %scan3A_55 = arith.constant 0 : i32
        %scan3A_56 = arith.constant 8 : i32
        %scan3A_57 = arith.addi %scan3A_55, %scan3A_56 : i32
        %scan3A_58 = arith.constant 1 : i32
        %scan3A_59 = scf.for %scan3A_62 = %scan3A_55 to %scan3A_57 step %scan3A_58 iter_args(%scan3A_63 = %scan3A_54) -> (i32)  : i32 {
          %mul3A_64 = arith.constant 2 : i32
          %mul3A_65 = arith.muli %mul3A_64, %scan3A_62 : i32
          %add3A_66 = arith.constant 1 : i32
          %add3A_67 = arith.addi %mul3A_65, %add3A_66 : i32
          %eq3A_68 = arith.constant 0 : i32
          %eq3A_69 = arith.cmpi eq, %scan3A_62, %eq3A_68 : i32
          %not3A = arith.constant true
          %not3A_70 = arith.xori %eq3A_69, %not3A : i1
          %convert_element_type3A_71 = arith.extui %not3A_70 : i1 to i32
          %cond3A_72 = arith.constant 0 : i32
          %cond3A_73 = arith.cmpi ne, %convert_element_type3A_71, %cond3A_72 : i32
          scf.if %cond3A_73 {
            %dma_wait3A_115 = arith.constant 0 : i32
            %dma_wait3A_116 = tpu.memref_slice %arg12[%mul3A_65, %dma_wait3A_115] : memref<16x128xi32, #tpu.memory_space<vmem>> -> memref<1x128xi32, #tpu.memory_space<vmem>>
            %dma_wait3A_117 = tpu.memref_squeeze %dma_wait3A_116 : memref<1x128xi32, #tpu.memory_space<vmem>> -> memref<128xi32, #tpu.memory_space<vmem>>
            %dma_wait3A_118 = arith.constant 0 : i32
            %dma_wait3A_119 = arith.constant 0 : i32
            %dma_wait3A_120 = tpu.memref_slice %arg10[%dma_wait3A_118, %dma_wait3A_119] : memref<10112x128xf32, #tpu.memory_space<vmem_shared>> -> memref<10112x128xf32, #tpu.memory_space<vmem_shared>>
            tpu.wait_indirect_dma semaphore(%arg17 : memref<!tpu.dma_semaphore, #tpu.memory_space<semaphore_mem>>) src(%arg13 : memref<128x128xf32, #tpu.memory_space<vmem>>) dst(%dma_wait3A_120 : memref<10112x128xf32, #tpu.memory_space<vmem_shared>>)
          } else {
          }
          %dma_start3A = arith.constant 0 : i32
          %dma_start3A_74 = tpu.memref_slice %arg11[%mul3A_65, %dma_start3A] : memref<16x128xi32, #tpu.memory_space<vmem>> -> memref<1x128xi32, #tpu.memory_space<vmem>>
          %dma_start3A_75 = tpu.memref_squeeze %dma_start3A_74 : memref<1x128xi32, #tpu.memory_space<vmem>> -> memref<128xi32, #tpu.memory_space<vmem>>
          %dma_start3A_76 = arith.constant 0 : i32
          %dma_start3A_77 = arith.constant 0 : i32
          %dma_start3A_78 = tpu.memref_slice %arg2[%dma_start3A_76, %dma_start3A_77] : memref<10000x128xf32, #tpu.memory_space<hbm>> -> memref<10000x128xf32, #tpu.memory_space<hbm>>
          tpu.enqueue_indirect_dma source(%dma_start3A_78 : memref<10000x128xf32, #tpu.memory_space<hbm>>) target(%arg13 : memref<128x128xf32, #tpu.memory_space<vmem>>) offsets(%dma_start3A_75 : memref<128xi32, #tpu.memory_space<vmem>>) semaphore(%arg15 : memref<!tpu.dma_semaphore, #tpu.memory_space<semaphore_mem>>)
          %not3A_79 = arith.constant true
          %not3A_80 = arith.xori %eq3A_69, %not3A_79 : i1
          %convert_element_type3A_81 = arith.extui %not3A_80 : i1 to i32
          %cond3A_82 = arith.constant 0 : i32
          %cond3A_83 = arith.cmpi ne, %convert_element_type3A_81, %cond3A_82 : i32
          scf.if %cond3A_83 {
            %dma_wait3A_115 = arith.constant 0 : i32
            %dma_wait3A_116 = tpu.memref_slice %arg12[%add3A_67, %dma_wait3A_115] : memref<16x128xi32, #tpu.memory_space<vmem>> -> memref<1x128xi32, #tpu.memory_space<vmem>>
            %dma_wait3A_117 = tpu.memref_squeeze %dma_wait3A_116 : memref<1x128xi32, #tpu.memory_space<vmem>> -> memref<128xi32, #tpu.memory_space<vmem>>
            %dma_wait3A_118 = arith.constant 0 : i32
            %dma_wait3A_119 = arith.constant 0 : i32
            %dma_wait3A_120 = tpu.memref_slice %arg10[%dma_wait3A_118, %dma_wait3A_119] : memref<10112x128xf32, #tpu.memory_space<vmem_shared>> -> memref<10112x128xf32, #tpu.memory_space<vmem_shared>>
            tpu.wait_indirect_dma semaphore(%arg18 : memref<!tpu.dma_semaphore, #tpu.memory_space<semaphore_mem>>) src(%arg14 : memref<128x128xf32, #tpu.memory_space<vmem>>) dst(%dma_wait3A_120 : memref<10112x128xf32, #tpu.memory_space<vmem_shared>>)
          } else {
          }
          %dma_start3A_84 = arith.constant 0 : i32
          %dma_start3A_85 = tpu.memref_slice %arg11[%add3A_67, %dma_start3A_84] : memref<16x128xi32, #tpu.memory_space<vmem>> -> memref<1x128xi32, #tpu.memory_space<vmem>>
          %dma_start3A_86 = tpu.memref_squeeze %dma_start3A_85 : memref<1x128xi32, #tpu.memory_space<vmem>> -> memref<128xi32, #tpu.memory_space<vmem>>
          %dma_start3A_87 = arith.constant 0 : i32
          %dma_start3A_88 = arith.constant 0 : i32
          %dma_start3A_89 = tpu.memref_slice %arg2[%dma_start3A_87, %dma_start3A_88] : memref<10000x128xf32, #tpu.memory_space<hbm>> -> memref<10000x128xf32, #tpu.memory_space<hbm>>
          tpu.enqueue_indirect_dma source(%dma_start3A_89 : memref<10000x128xf32, #tpu.memory_space<hbm>>) target(%arg14 : memref<128x128xf32, #tpu.memory_space<vmem>>) offsets(%dma_start3A_86 : memref<128xi32, #tpu.memory_space<vmem>>) semaphore(%arg16 : memref<!tpu.dma_semaphore, #tpu.memory_space<semaphore_mem>>)
          %dma_wait3A_90 = arith.constant 0 : i32
          %dma_wait3A_91 = tpu.memref_slice %arg11[%mul3A_65, %dma_wait3A_90] : memref<16x128xi32, #tpu.memory_space<vmem>> -> memref<1x128xi32, #tpu.memory_space<vmem>>
          %dma_wait3A_92 = tpu.memref_squeeze %dma_wait3A_91 : memref<1x128xi32, #tpu.memory_space<vmem>> -> memref<128xi32, #tpu.memory_space<vmem>>
          %dma_wait3A_93 = arith.constant 0 : i32
          %dma_wait3A_94 = arith.constant 0 : i32
          %dma_wait3A_95 = tpu.memref_slice %arg2[%dma_wait3A_93, %dma_wait3A_94] : memref<10000x128xf32, #tpu.memory_space<hbm>> -> memref<10000x128xf32, #tpu.memory_space<hbm>>
          tpu.wait_indirect_dma semaphore(%arg15 : memref<!tpu.dma_semaphore, #tpu.memory_space<semaphore_mem>>) src(%dma_wait3A_95 : memref<10000x128xf32, #tpu.memory_space<hbm>>) dst(%arg13 : memref<128x128xf32, #tpu.memory_space<vmem>>)
          %dma_start3A_96 = arith.constant 0 : i32
          %dma_start3A_97 = tpu.memref_slice %arg12[%mul3A_65, %dma_start3A_96] : memref<16x128xi32, #tpu.memory_space<vmem>> -> memref<1x128xi32, #tpu.memory_space<vmem>>
          %dma_start3A_98 = tpu.memref_squeeze %dma_start3A_97 : memref<1x128xi32, #tpu.memory_space<vmem>> -> memref<128xi32, #tpu.memory_space<vmem>>
          %dma_start3A_99 = arith.constant 0 : i32
          %dma_start3A_100 = arith.constant 0 : i32
          %dma_start3A_101 = tpu.memref_slice %arg10[%dma_start3A_99, %dma_start3A_100] : memref<10112x128xf32, #tpu.memory_space<vmem_shared>> -> memref<10112x128xf32, #tpu.memory_space<vmem_shared>>
          tpu.enqueue_indirect_dma source(%arg13 : memref<128x128xf32, #tpu.memory_space<vmem>>) target(%dma_start3A_101 : memref<10112x128xf32, #tpu.memory_space<vmem_shared>>) offsets(%dma_start3A_98 : memref<128xi32, #tpu.memory_space<vmem>>) semaphore(%arg17 : memref<!tpu.dma_semaphore, #tpu.memory_space<semaphore_mem>>) {add = true}
          %dma_wait3A_102 = arith.constant 0 : i32
          %dma_wait3A_103 = tpu.memref_slice %arg11[%add3A_67, %dma_wait3A_102] : memref<16x128xi32, #tpu.memory_space<vmem>> -> memref<1x128xi32, #tpu.memory_space<vmem>>
          %dma_wait3A_104 = tpu.memref_squeeze %dma_wait3A_103 : memref<1x128xi32, #tpu.memory_space<vmem>> -> memref<128xi32, #tpu.memory_space<vmem>>
          %dma_wait3A_105 = arith.constant 0 : i32
          %dma_wait3A_106 = arith.constant 0 : i32
          %dma_wait3A_107 = tpu.memref_slice %arg2[%dma_wait3A_105, %dma_wait3A_106] : memref<10000x128xf32, #tpu.memory_space<hbm>> -> memref<10000x128xf32, #tpu.memory_space<hbm>>
          tpu.wait_indirect_dma semaphore(%arg16 : memref<!tpu.dma_semaphore, #tpu.memory_space<semaphore_mem>>) src(%dma_wait3A_107 : memref<10000x128xf32, #tpu.memory_space<hbm>>) dst(%arg14 : memref<128x128xf32, #tpu.memory_space<vmem>>)
          %dma_start3A_108 = arith.constant 0 : i32
          %dma_start3A_109 = tpu.memref_slice %arg12[%add3A_67, %dma_start3A_108] : memref<16x128xi32, #tpu.memory_space<vmem>> -> memref<1x128xi32, #tpu.memory_space<vmem>>
          %dma_start3A_110 = tpu.memref_squeeze %dma_start3A_109 : memref<1x128xi32, #tpu.memory_space<vmem>> -> memref<128xi32, #tpu.memory_space<vmem>>
          %dma_start3A_111 = arith.constant 0 : i32
          %dma_start3A_112 = arith.constant 0 : i32
          %dma_start3A_113 = tpu.memref_slice %arg10[%dma_start3A_111, %dma_start3A_112] : memref<10112x128xf32, #tpu.memory_space<vmem_shared>> -> memref<10112x128xf32, #tpu.memory_space<vmem_shared>>
          tpu.enqueue_indirect_dma source(%arg14 : memref<128x128xf32, #tpu.memory_space<vmem>>) target(%dma_start3A_113 : memref<10112x128xf32, #tpu.memory_space<vmem_shared>>) offsets(%dma_start3A_110 : memref<128xi32, #tpu.memory_space<vmem>>) semaphore(%arg18 : memref<!tpu.dma_semaphore, #tpu.memory_space<semaphore_mem>>) {add = true}
          %scan3A_114 = arith.constant 0 : i32
          scf.yield %scan3A_114 : i32
        }
        %scan3A_60 = arith.constant 8 : i32
        %scan3A_61 = arith.constant 0 : i32
        scf.yield %scan3A_61 : i32
      }
      %scan3A_29 = arith.constant 10 : i32
      %dma_wait3A = arith.constant 0 : i32
      %dma_wait3A_30 = arith.constant 0 : i32
      %dma_wait3A_31 = tpu.memref_slice %arg12[%dma_wait3A, %dma_wait3A_30] : memref<16x128xi32, #tpu.memory_space<vmem>> -> memref<1x128xi32, #tpu.memory_space<vmem>>
      %dma_wait3A_32 = tpu.memref_squeeze %dma_wait3A_31 : memref<1x128xi32, #tpu.memory_space<vmem>> -> memref<128xi32, #tpu.memory_space<vmem>>
      %dma_wait3A_33 = arith.constant 0 : i32
      %dma_wait3A_34 = arith.constant 0 : i32
      %dma_wait3A_35 = tpu.memref_slice %arg10[%dma_wait3A_33, %dma_wait3A_34] : memref<10112x128xf32, #tpu.memory_space<vmem_shared>> -> memref<10112x128xf32, #tpu.memory_space<vmem_shared>>
      tpu.wait_indirect_dma semaphore(%arg17 : memref<!tpu.dma_semaphore, #tpu.memory_space<semaphore_mem>>) src(%arg13 : memref<128x128xf32, #tpu.memory_space<vmem>>) dst(%dma_wait3A_35 : memref<10112x128xf32, #tpu.memory_space<vmem_shared>>)
      %dma_wait3A_36 = arith.constant 1 : i32
      %dma_wait3A_37 = arith.constant 0 : i32
      %dma_wait3A_38 = tpu.memref_slice %arg12[%dma_wait3A_36, %dma_wait3A_37] : memref<16x128xi32, #tpu.memory_space<vmem>> -> memref<1x128xi32, #tpu.memory_space<vmem>>
      %dma_wait3A_39 = tpu.memref_squeeze %dma_wait3A_38 : memref<1x128xi32, #tpu.memory_space<vmem>> -> memref<128xi32, #tpu.memory_space<vmem>>
      %dma_wait3A_40 = arith.constant 0 : i32
      %dma_wait3A_41 = arith.constant 0 : i32
      %dma_wait3A_42 = tpu.memref_slice %arg10[%dma_wait3A_40, %dma_wait3A_41] : memref<10112x128xf32, #tpu.memory_space<vmem_shared>> -> memref<10112x128xf32, #tpu.memory_space<vmem_shared>>
      tpu.wait_indirect_dma semaphore(%arg18 : memref<!tpu.dma_semaphore, #tpu.memory_space<semaphore_mem>>) src(%arg14 : memref<128x128xf32, #tpu.memory_space<vmem>>) dst(%dma_wait3A_42 : memref<10112x128xf32, #tpu.memory_space<vmem_shared>>)
      %barrier3A_43 = arith.constant 0 : index
      tpu.barrier barrier_id(%barrier3A_43)
      "tpu.region"() ({
        %run_scoped3A = tpu.sem_alloc : memref<!tpu.dma_semaphore, #tpu.memory_space<semaphore_mem>>
        %dma_start3A = arith.constant 0 : i32
        %dma_start3A_44 = tpu.memref_slice %arg9[%mul3A_13, %dma_start3A] : memref<10112x128xf32, #tpu.memory_space<hbm>> -> memref<632x128xf32, #tpu.memory_space<hbm>>
        %dma_start3A_45 = arith.constant 0 : i32
        %dma_start3A_46 = tpu.memref_slice %arg10[%mul3A_13, %dma_start3A_45] : memref<10112x128xf32, #tpu.memory_space<vmem_shared>> -> memref<632x128xf32, #tpu.memory_space<vmem_shared>>
        tpu.enqueue_dma source(%dma_start3A_46 : memref<632x128xf32, #tpu.memory_space<vmem_shared>>) target(%dma_start3A_44 : memref<632x128xf32, #tpu.memory_space<hbm>>) target_semaphore(%run_scoped3A : memref<!tpu.dma_semaphore, #tpu.memory_space<semaphore_mem>>)
        %dma_wait3A_47 = arith.constant 0 : i32
        %dma_wait3A_48 = tpu.memref_slice %arg9[%mul3A_13, %dma_wait3A_47] : memref<10112x128xf32, #tpu.memory_space<hbm>> -> memref<632x128xf32, #tpu.memory_space<hbm>>
        %dma_wait3A_49 = arith.constant 0 : i32
        %dma_wait3A_50 = tpu.memref_slice %arg10[%mul3A_13, %dma_wait3A_49] : memref<10112x128xf32, #tpu.memory_space<vmem_shared>> -> memref<632x128xf32, #tpu.memory_space<vmem_shared>>
        tpu.wait_dma2 semaphore(%run_scoped3A : memref<!tpu.dma_semaphore, #tpu.memory_space<semaphore_mem>>) src(%dma_wait3A_50 : memref<632x128xf32, #tpu.memory_space<vmem_shared>>) dst(%dma_wait3A_48 : memref<632x128xf32, #tpu.memory_space<hbm>>)
        tpu.yield
      }) : () -> ()
    } else {
    }
    return
  }
}

module attributes {stable_mosaic.version = 14 : i64} {
  func.func @_count_body(%arg0: i32, %arg1: memref<1x1x4000xi32, #tpu.memory_space<vmem>>, %arg2: memref<1x1x4000xi32, #tpu.memory_space<vmem>>, %arg3: memref<80x128xf32, #tpu.memory_space<vmem>>, %arg4: memref<80x128xf32, #tpu.memory_space<vmem>>) attributes {dimension_semantics = [#tpu.dimension_semantics<arbitrary>], iteration_bounds = array<i64: 80>, scalar_prefetch = 0 : i64, scratch_operands = 0 : i64, tpu.core_type = #tpu.core_type<tc>, window_params = [{transform_indices = @transform_0, window_bounds = array<i64: 1, 1, 4000>}, {transform_indices = @transform_1, window_bounds = array<i64: 1, 1, 4000>}, {pipeline_mode = #tpu.pipeline_mode<synchronous>, transform_indices = @transform_2, window_bounds = array<i64: 80, 128>}, {pipeline_mode = #tpu.pipeline_mode<synchronous>, transform_indices = @transform_3, window_bounds = array<i64: 80, 128>}]} {
    %eq3A = arith.constant 0 : i32
    %eq3A_0 = arith.cmpi eq, %arg0, %eq3A : i32
    %convert_element_type3A = arith.extui %eq3A_0 : i1 to i32
    %cond3A = arith.constant 0 : i32
    %cond3A_1 = arith.cmpi ne, %convert_element_type3A, %cond3A : i32
    scf.if %cond3A_1 {
      %broadcast_in_dim3A_56 = arith.constant 0.000000e+00 : f32
      %broadcast_in_dim3A_57 = vector.broadcast %broadcast_in_dim3A_56 : f32 to vector<80x128xf32>
      %swap3A_58 = arith.constant 0 : index
      %swap3A_59 = arith.constant 0 : index
      %swap3A_60 = vector.load %arg3[%swap3A_58, %swap3A_59] : memref<80x128xf32, #tpu.memory_space<vmem>>, vector<80x128xf32>
      tpu.vector_store %arg3[%swap3A_58, %swap3A_59], %broadcast_in_dim3A_57 {strides = array<i32>} : memref<80x128xf32, #tpu.memory_space<vmem>>, vector<80x128xf32>,
      %broadcast_in_dim3A_61 = arith.constant 0.000000e+00 : f32
      %broadcast_in_dim3A_62 = vector.broadcast %broadcast_in_dim3A_61 : f32 to vector<80x128xf32>
      %swap3A_63 = arith.constant 0 : index
      %swap3A_64 = arith.constant 0 : index
      %swap3A_65 = vector.load %arg4[%swap3A_63, %swap3A_64] : memref<80x128xf32, #tpu.memory_space<vmem>>, vector<80x128xf32>
      tpu.vector_store %arg4[%swap3A_63, %swap3A_64], %broadcast_in_dim3A_62 {strides = array<i32>} : memref<80x128xf32, #tpu.memory_space<vmem>>, vector<80x128xf32>,
    } else {
    }
    %get3A = arith.constant 0 : index
    %get3A_2 = arith.constant 0 : index
    %get3A_3 = arith.constant 0 : index
    %get3A_4 = vector.load %arg1[%get3A, %get3A_2, %get3A_3] : memref<1x1x4000xi32, #tpu.memory_space<vmem>>, vector<1x1x4000xi32>
    %get3A_5 = vector.shape_cast %get3A_4 : vector<1x1x4000xi32> to vector<4000xi32>
    %shift_right_arithmetic3A = arith.constant 7 : i32
    %shift_right_arithmetic3A_6 = vector.broadcast %shift_right_arithmetic3A : i32 to vector<4000xi32>
    %shift_right_arithmetic3A_7 = arith.shrsi %get3A_5, %shift_right_arithmetic3A_6 : vector<4000xi32>
    %and3A = arith.constant 127 : i32
    %and3A_8 = vector.broadcast %and3A : i32 to vector<4000xi32>
    %and3A_9 = arith.andi %get3A_5, %and3A_8 : vector<4000xi32>
    %iota3A = tpu.iota {dimensions = array<i32: 0>} : vector<80x4000xi32>
    %broadcast_in_dim3A = vector.shape_cast %shift_right_arithmetic3A_7 : vector<4000xi32> to vector<1x4000xi32>
    %eq3A_10 = vector.broadcast %broadcast_in_dim3A : vector<1x4000xi32> to vector<80x4000xi32>
    %eq3A_11 = arith.cmpi eq, %iota3A, %eq3A_10 : vector<80x4000xi32>
    %convert_element_type3A_12 = arith.extui %eq3A_11 : vector<80x4000xi1> to vector<80x4000xi8>
    %iota3A_13 = tpu.iota {dimensions = array<i32: 1>} : vector<4000x128xi32>
    %broadcast_in_dim3A_14 = vector.shape_cast %and3A_9 : vector<4000xi32> to vector<4000x1xi32>
    %eq3A_15 = vector.broadcast %broadcast_in_dim3A_14 : vector<4000x1xi32> to vector<4000x128xi32>
    %eq3A_16 = arith.cmpi eq, %iota3A_13, %eq3A_15 : vector<4000x128xi32>
    %convert_element_type3A_17 = arith.extui %eq3A_16 : vector<4000x128xi1> to vector<4000x128xi8>
    %get3A_18 = arith.constant 0 : index
    %get3A_19 = arith.constant 0 : index
    %get3A_20 = vector.load %arg3[%get3A_18, %get3A_19] : memref<80x128xf32, #tpu.memory_space<vmem>>, vector<80x128xf32>
    %dot_general3A = arith.constant dense<0> : vector<80x128xi32>
    %dot_general3A_21 = tpu.matmul %convert_element_type3A_12, %convert_element_type3A_17, %dot_general3A {dimension_numbers = #tpu.dot_dimension_numbers<[1], [0], [0], [1], [0, 0, 1, 1], [], []>, transpose_lhs_hint = false} : vector<80x4000xi8>, vector<4000x128xi8>, vector<80x128xi32> -> vector<80x128xi32>
    %convert_element_type3A_22 = arith.sitofp %dot_general3A_21 : vector<80x128xi32> to vector<80x128xf32>
    %add3A = arith.addf %get3A_20, %convert_element_type3A_22 : vector<80x128xf32>
    %swap3A = arith.constant 0 : index
    %swap3A_23 = arith.constant 0 : index
    %swap3A_24 = vector.load %arg3[%swap3A, %swap3A_23] : memref<80x128xf32, #tpu.memory_space<vmem>>, vector<80x128xf32>
    tpu.vector_store %arg3[%swap3A, %swap3A_23], %add3A {strides = array<i32>} : memref<80x128xf32, #tpu.memory_space<vmem>>, vector<80x128xf32>,
    %get3A_25 = arith.constant 0 : index
    %get3A_26 = arith.constant 0 : index
    %get3A_27 = arith.constant 0 : index
    %get3A_28 = vector.load %arg2[%get3A_25, %get3A_26, %get3A_27] : memref<1x1x4000xi32, #tpu.memory_space<vmem>>, vector<1x1x4000xi32>
    %get3A_29 = vector.shape_cast %get3A_28 : vector<1x1x4000xi32> to vector<4000xi32>
    %shift_right_arithmetic3A_30 = arith.constant 7 : i32
    %shift_right_arithmetic3A_31 = vector.broadcast %shift_right_arithmetic3A_30 : i32 to vector<4000xi32>
    %shift_right_arithmetic3A_32 = arith.shrsi %get3A_29, %shift_right_arithmetic3A_31 : vector<4000xi32>
    %and3A_33 = arith.constant 127 : i32
    %and3A_34 = vector.broadcast %and3A_33 : i32 to vector<4000xi32>
    %and3A_35 = arith.andi %get3A_29, %and3A_34 : vector<4000xi32>
    %iota3A_36 = tpu.iota {dimensions = array<i32: 0>} : vector<80x4000xi32>
    %broadcast_in_dim3A_37 = vector.shape_cast %shift_right_arithmetic3A_32 : vector<4000xi32> to vector<1x4000xi32>
    %eq3A_38 = vector.broadcast %broadcast_in_dim3A_37 : vector<1x4000xi32> to vector<80x4000xi32>
    %eq3A_39 = arith.cmpi eq, %iota3A_36, %eq3A_38 : vector<80x4000xi32>
    %convert_element_type3A_40 = arith.extui %eq3A_39 : vector<80x4000xi1> to vector<80x4000xi8>
    %iota3A_41 = tpu.iota {dimensions = array<i32: 1>} : vector<4000x128xi32>
    %broadcast_in_dim3A_42 = vector.shape_cast %and3A_35 : vector<4000xi32> to vector<4000x1xi32>
    %eq3A_43 = vector.broadcast %broadcast_in_dim3A_42 : vector<4000x1xi32> to vector<4000x128xi32>
    %eq3A_44 = arith.cmpi eq, %iota3A_41, %eq3A_43 : vector<4000x128xi32>
    %convert_element_type3A_45 = arith.extui %eq3A_44 : vector<4000x128xi1> to vector<4000x128xi8>
    %get3A_46 = arith.constant 0 : index
    %get3A_47 = arith.constant 0 : index
    %get3A_48 = vector.load %arg4[%get3A_46, %get3A_47] : memref<80x128xf32, #tpu.memory_space<vmem>>, vector<80x128xf32>
    %dot_general3A_49 = arith.constant dense<0> : vector<80x128xi32>
    %dot_general3A_50 = tpu.matmul %convert_element_type3A_40, %convert_element_type3A_45, %dot_general3A_49 {dimension_numbers = #tpu.dot_dimension_numbers<[1], [0], [0], [1], [0, 0, 1, 1], [], []>, transpose_lhs_hint = false} : vector<80x4000xi8>, vector<4000x128xi8>, vector<80x128xi32> -> vector<80x128xi32>
    %convert_element_type3A_51 = arith.sitofp %dot_general3A_50 : vector<80x128xi32> to vector<80x128xf32>
    %add3A_52 = arith.addf %get3A_48, %convert_element_type3A_51 : vector<80x128xf32>
    %swap3A_53 = arith.constant 0 : index
    %swap3A_54 = arith.constant 0 : index
    %swap3A_55 = vector.load %arg4[%swap3A_53, %swap3A_54] : memref<80x128xf32, #tpu.memory_space<vmem>>, vector<80x128xf32>
    tpu.vector_store %arg4[%swap3A_53, %swap3A_54], %add3A_52 {strides = array<i32>} : memref<80x128xf32, #tpu.memory_space<vmem>>, vector<80x128xf32>,
    return
  }
  func.func @transform_0(%arg0: i32) -> (i32, i32, i32) {
    %c0_i32 = arith.constant 0 : i32
    %c0_i32_0 = arith.constant 0 : i32
    %c0_i32_1 = arith.constant 0 : i32
    return %arg0, %c0_i32, %c0_i32_0 : i32, i32, i32
  }
  func.func @transform_1(%arg0: i32) -> (i32, i32, i32) {
    %c0_i32 = arith.constant 0 : i32
    %c0_i32_0 = arith.constant 0 : i32
    %c0_i32_1 = arith.constant 0 : i32
    return %arg0, %c0_i32, %c0_i32_0 : i32, i32, i32
  }
  func.func @transform_2(%arg0: i32) -> (i32, i32) {
    %c0_i32 = arith.constant 0 : i32
    %c0_i32_0 = arith.constant 0 : i32
    %c0_i32_1 = arith.constant 0 : i32
    return %c0_i32, %c0_i32_0 : i32, i32
  }
  func.func @transform_3(%arg0: i32) -> (i32, i32) {
    %c0_i32 = arith.constant 0 : i32
    %c0_i32_0 = arith.constant 0 : i32
    %c0_i32_1 = arith.constant 0 : i32
    return %c0_i32, %c0_i32_0 : i32, i32
  }
}

module attributes {stable_mosaic.version = 14 : i64} {
  func.func @_encode_body(%arg0: i32, %arg1: memref<2000x128xf32, #tpu.memory_space<vmem>>, %arg2: memref<2000x128xf32, #tpu.memory_space<vmem>>, %arg3: memref<2000x1xf32, #tpu.memory_space<vmem>>, %arg4: memref<2000x128xf32, #tpu.memory_space<vmem>>, %arg5: memref<2000x128xf32, #tpu.memory_space<vmem>>, %arg6: memref<2000x1xf32, #tpu.memory_space<vmem>>, %arg7: memref<128x128xf32, #tpu.memory_space<vmem>>, %arg8: memref<128x128xf32, #tpu.memory_space<vmem>>, %arg9: memref<128x128xf32, #tpu.memory_space<vmem>>, %arg10: memref<128x128xf32, #tpu.memory_space<vmem>>, %arg11: memref<128x128xf32, #tpu.memory_space<vmem>>, %arg12: memref<128x128xf32, #tpu.memory_space<vmem>>, %arg13: memref<1x128xf32, #tpu.memory_space<vmem>>, %arg14: memref<2000x128xf32, #tpu.memory_space<vmem>>, %arg15: memref<2000x128xf32, #tpu.memory_space<vmem>>) attributes {dimension_semantics = [#tpu.dimension_semantics<arbitrary>], iteration_bounds = array<i64: 5>, scalar_prefetch = 0 : i64, scratch_operands = 0 : i64, tpu.core_type = #tpu.core_type<tc>, window_params = [{transform_indices = @transform_0, window_bounds = array<i64: 2000, 128>}, {transform_indices = @transform_1, window_bounds = array<i64: 2000, 128>}, {transform_indices = @transform_2, window_bounds = array<i64: 2000, 1>}, {transform_indices = @transform_3, window_bounds = array<i64: 2000, 128>}, {transform_indices = @transform_4, window_bounds = array<i64: 2000, 128>}, {transform_indices = @transform_5, window_bounds = array<i64: 2000, 1>}, {pipeline_mode = #tpu.pipeline_mode<synchronous>, transform_indices = @transform_6, window_bounds = array<i64: 128, 128>}, {pipeline_mode = #tpu.pipeline_mode<synchronous>, transform_indices = @transform_7, window_bounds = array<i64: 128, 128>}, {pipeline_mode = #tpu.pipeline_mode<synchronous>, transform_indices = @transform_8, window_bounds = array<i64: 128, 128>}, {pipeline_mode = #tpu.pipeline_mode<synchronous>, transform_indices = @transform_9, window_bounds = array<i64: 128, 128>}, {pipeline_mode = #tpu.pipeline_mode<synchronous>, transform_indices = @transform_10, window_bounds = array<i64: 128, 128>}, {pipeline_mode = #tpu.pipeline_mode<synchronous>, transform_indices = @transform_11, window_bounds = array<i64: 128, 128>}, {pipeline_mode = #tpu.pipeline_mode<synchronous>, transform_indices = @transform_12, window_bounds = array<i64: 1, 128>}, {transform_indices = @transform_13, window_bounds = array<i64: 2000, 128>}, {transform_indices = @transform_14, window_bounds = array<i64: 2000, 128>}]} {
    %get3A = arith.constant 0 : index
    %get3A_0 = arith.constant 0 : index
    %get3A_1 = vector.load %arg2[%get3A, %get3A_0] : memref<2000x128xf32, #tpu.memory_space<vmem>>, vector<2000x128xf32>
    %get3A_2 = arith.constant 0 : index
    %get3A_3 = arith.constant 0 : index
    %get3A_4 = vector.load %arg3[%get3A_2, %get3A_3] : memref<2000x1xf32, #tpu.memory_space<vmem>>, vector<2000x1xf32>
    %max3A = arith.constant 1.000000e+00 : f32
    %max3A_5 = vector.broadcast %max3A : f32 to vector<2000x1xf32>
    %max3A_6 = arith.maximumf %get3A_4, %max3A_5 : vector<2000x1xf32>
    %div3A = vector.broadcast %max3A_6 : vector<2000x1xf32> to vector<2000x128xf32>
    %div3A_7 = arith.divf %get3A_1, %div3A : vector<2000x128xf32>
    %get3A_8 = arith.constant 0 : index
    %get3A_9 = arith.constant 0 : index
    %get3A_10 = vector.load %arg1[%get3A_8, %get3A_9] : memref<2000x128xf32, #tpu.memory_space<vmem>>, vector<2000x128xf32>
    %get3A_11 = arith.constant 0 : index
    %get3A_12 = arith.constant 0 : index
    %get3A_13 = vector.load %arg7[%get3A_11, %get3A_12] : memref<128x128xf32, #tpu.memory_space<vmem>>, vector<128x128xf32>
    %dot_general3A = arith.constant dense<0.000000e+00> : vector<2000x128xf32>
    %dot_general3A_14 = tpu.matmul %get3A_10, %get3A_13, %dot_general3A {dimension_numbers = #tpu.dot_dimension_numbers<[1], [0], [0], [1], [0, 0, 1, 1], [], []>, transpose_lhs_hint = false} : vector<2000x128xf32>, vector<128x128xf32>, vector<2000x128xf32> -> vector<2000x128xf32>
    %get3A_15 = arith.constant 0 : index
    %get3A_16 = arith.constant 0 : index
    %get3A_17 = vector.load %arg8[%get3A_15, %get3A_16] : memref<128x128xf32, #tpu.memory_space<vmem>>, vector<128x128xf32>
    %dot_general3A_18 = arith.constant dense<0.000000e+00> : vector<2000x128xf32>
    %dot_general3A_19 = tpu.matmul %div3A_7, %get3A_17, %dot_general3A_18 {dimension_numbers = #tpu.dot_dimension_numbers<[1], [0], [0], [1], [0, 0, 1, 1], [], []>, transpose_lhs_hint = false} : vector<2000x128xf32>, vector<128x128xf32>, vector<2000x128xf32> -> vector<2000x128xf32>
    %add3A = arith.addf %dot_general3A_14, %dot_general3A_19 : vector<2000x128xf32>
    %max3A_20 = arith.constant 0.000000e+00 : f32
    %max3A_21 = vector.broadcast %max3A_20 : f32 to vector<2000x128xf32>
    %max3A_22 = arith.maximumf %add3A, %max3A_21 : vector<2000x128xf32>
    %get3A_23 = arith.constant 0 : index
    %get3A_24 = arith.constant 0 : index
    %get3A_25 = vector.load %arg11[%get3A_23, %get3A_24] : memref<128x128xf32, #tpu.memory_space<vmem>>, vector<128x128xf32>
    %dot_general3A_26 = arith.constant dense<0.000000e+00> : vector<2000x128xf32>
    %dot_general3A_27 = tpu.matmul %max3A_22, %get3A_25, %dot_general3A_26 {dimension_numbers = #tpu.dot_dimension_numbers<[1], [0], [0], [1], [0, 0, 1, 1], [], []>, transpose_lhs_hint = false} : vector<2000x128xf32>, vector<128x128xf32>, vector<2000x128xf32> -> vector<2000x128xf32>
    %get3A_28 = arith.constant 0 : index
    %get3A_29 = arith.constant 0 : index
    %get3A_30 = vector.load %arg13[%get3A_28, %get3A_29] : memref<1x128xf32, #tpu.memory_space<vmem>>, vector<1x128xf32>
    %add3A_31 = vector.broadcast %get3A_30 : vector<1x128xf32> to vector<2000x128xf32>
    %add3A_32 = arith.addf %dot_general3A_27, %add3A_31 : vector<2000x128xf32>
    %swap3A = arith.constant 0 : index
    %swap3A_33 = arith.constant 0 : index
    %swap3A_34 = vector.load %arg14[%swap3A, %swap3A_33] : memref<2000x128xf32, #tpu.memory_space<vmem>>, vector<2000x128xf32>
    tpu.vector_store %arg14[%swap3A, %swap3A_33], %add3A_32 {strides = array<i32>} : memref<2000x128xf32, #tpu.memory_space<vmem>>, vector<2000x128xf32>,
    %get3A_35 = arith.constant 0 : index
    %get3A_36 = arith.constant 0 : index
    %get3A_37 = vector.load %arg5[%get3A_35, %get3A_36] : memref<2000x128xf32, #tpu.memory_space<vmem>>, vector<2000x128xf32>
    %get3A_38 = arith.constant 0 : index
    %get3A_39 = arith.constant 0 : index
    %get3A_40 = vector.load %arg6[%get3A_38, %get3A_39] : memref<2000x1xf32, #tpu.memory_space<vmem>>, vector<2000x1xf32>
    %max3A_41 = arith.constant 1.000000e+00 : f32
    %max3A_42 = vector.broadcast %max3A_41 : f32 to vector<2000x1xf32>
    %max3A_43 = arith.maximumf %get3A_40, %max3A_42 : vector<2000x1xf32>
    %div3A_44 = vector.broadcast %max3A_43 : vector<2000x1xf32> to vector<2000x128xf32>
    %div3A_45 = arith.divf %get3A_37, %div3A_44 : vector<2000x128xf32>
    %get3A_46 = arith.constant 0 : index
    %get3A_47 = arith.constant 0 : index
    %get3A_48 = vector.load %arg4[%get3A_46, %get3A_47] : memref<2000x128xf32, #tpu.memory_space<vmem>>, vector<2000x128xf32>
    %get3A_49 = arith.constant 0 : index
    %get3A_50 = arith.constant 0 : index
    %get3A_51 = vector.load %arg9[%get3A_49, %get3A_50] : memref<128x128xf32, #tpu.memory_space<vmem>>, vector<128x128xf32>
    %dot_general3A_52 = arith.constant dense<0.000000e+00> : vector<2000x128xf32>
    %dot_general3A_53 = tpu.matmul %get3A_48, %get3A_51, %dot_general3A_52 {dimension_numbers = #tpu.dot_dimension_numbers<[1], [0], [0], [1], [0, 0, 1, 1], [], []>, transpose_lhs_hint = false} : vector<2000x128xf32>, vector<128x128xf32>, vector<2000x128xf32> -> vector<2000x128xf32>
    %get3A_54 = arith.constant 0 : index
    %get3A_55 = arith.constant 0 : index
    %get3A_56 = vector.load %arg10[%get3A_54, %get3A_55] : memref<128x128xf32, #tpu.memory_space<vmem>>, vector<128x128xf32>
    %dot_general3A_57 = arith.constant dense<0.000000e+00> : vector<2000x128xf32>
    %dot_general3A_58 = tpu.matmul %div3A_45, %get3A_56, %dot_general3A_57 {dimension_numbers = #tpu.dot_dimension_numbers<[1], [0], [0], [1], [0, 0, 1, 1], [], []>, transpose_lhs_hint = false} : vector<2000x128xf32>, vector<128x128xf32>, vector<2000x128xf32> -> vector<2000x128xf32>
    %add3A_59 = arith.addf %dot_general3A_53, %dot_general3A_58 : vector<2000x128xf32>
    %max3A_60 = arith.constant 0.000000e+00 : f32
    %max3A_61 = vector.broadcast %max3A_60 : f32 to vector<2000x128xf32>
    %max3A_62 = arith.maximumf %add3A_59, %max3A_61 : vector<2000x128xf32>
    %get3A_63 = arith.constant 0 : index
    %get3A_64 = arith.constant 0 : index
    %get3A_65 = vector.load %arg12[%get3A_63, %get3A_64] : memref<128x128xf32, #tpu.memory_space<vmem>>, vector<128x128xf32>
    %dot_general3A_66 = arith.constant dense<0.000000e+00> : vector<2000x128xf32>
    %dot_general3A_67 = tpu.matmul %max3A_62, %get3A_65, %dot_general3A_66 {dimension_numbers = #tpu.dot_dimension_numbers<[1], [0], [0], [1], [0, 0, 1, 1], [], []>, transpose_lhs_hint = false} : vector<2000x128xf32>, vector<128x128xf32>, vector<2000x128xf32> -> vector<2000x128xf32>
    %swap3A_68 = arith.constant 0 : index
    %swap3A_69 = arith.constant 0 : index
    %swap3A_70 = vector.load %arg15[%swap3A_68, %swap3A_69] : memref<2000x128xf32, #tpu.memory_space<vmem>>, vector<2000x128xf32>
    tpu.vector_store %arg15[%swap3A_68, %swap3A_69], %dot_general3A_67 {strides = array<i32>} : memref<2000x128xf32, #tpu.memory_space<vmem>>, vector<2000x128xf32>,
    return
  }
  func.func @transform_0(%arg0: i32) -> (i32, i32) {
    %c0_i32 = arith.constant 0 : i32
    %c0_i32_0 = arith.constant 0 : i32
    return %arg0, %c0_i32 : i32, i32
  }
  func.func @transform_1(%arg0: i32) -> (i32, i32) {
    %c0_i32 = arith.constant 0 : i32
    %c0_i32_0 = arith.constant 0 : i32
    return %arg0, %c0_i32 : i32, i32
  }
  func.func @transform_2(%arg0: i32) -> (i32, i32) {
    %c0_i32 = arith.constant 0 : i32
    %c0_i32_0 = arith.constant 0 : i32
    return %arg0, %c0_i32 : i32, i32
  }
  func.func @transform_3(%arg0: i32) -> (i32, i32) {
    %c0_i32 = arith.constant 0 : i32
    %c0_i32_0 = arith.constant 0 : i32
    return %arg0, %c0_i32 : i32, i32
  }
  func.func @transform_4(%arg0: i32) -> (i32, i32) {
    %c0_i32 = arith.constant 0 : i32
    %c0_i32_0 = arith.constant 0 : i32
    return %arg0, %c0_i32 : i32, i32
  }
  func.func @transform_5(%arg0: i32) -> (i32, i32) {
    %c0_i32 = arith.constant 0 : i32
    %c0_i32_0 = arith.constant 0 : i32
    return %arg0, %c0_i32 : i32, i32
  }
  func.func @transform_6(%arg0: i32) -> (i32, i32) {
    %c0_i32 = arith.constant 0 : i32
    %c0_i32_0 = arith.constant 0 : i32
    %c0_i32_1 = arith.constant 0 : i32
    return %c0_i32, %c0_i32_0 : i32, i32
  }
  func.func @transform_7(%arg0: i32) -> (i32, i32) {
    %c0_i32 = arith.constant 0 : i32
    %c0_i32_0 = arith.constant 0 : i32
    %c0_i32_1 = arith.constant 0 : i32
    return %c0_i32, %c0_i32_0 : i32, i32
  }
  func.func @transform_8(%arg0: i32) -> (i32, i32) {
    %c0_i32 = arith.constant 0 : i32
    %c0_i32_0 = arith.constant 0 : i32
    %c0_i32_1 = arith.constant 0 : i32
    return %c0_i32, %c0_i32_0 : i32, i32
  }
  func.func @transform_9(%arg0: i32) -> (i32, i32) {
    %c0_i32 = arith.constant 0 : i32
    %c0_i32_0 = arith.constant 0 : i32
    %c0_i32_1 = arith.constant 0 : i32
    return %c0_i32, %c0_i32_0 : i32, i32
  }
  func.func @transform_10(%arg0: i32) -> (i32, i32) {
    %c0_i32 = arith.constant 0 : i32
    %c0_i32_0 = arith.constant 0 : i32
    %c0_i32_1 = arith.constant 0 : i32
    return %c0_i32, %c0_i32_0 : i32, i32
  }
  func.func @transform_11(%arg0: i32) -> (i32, i32) {
    %c0_i32 = arith.constant 0 : i32
    %c0_i32_0 = arith.constant 0 : i32
    %c0_i32_1 = arith.constant 0 : i32
    return %c0_i32, %c0_i32_0 : i32, i32
  }
  func.func @transform_12(%arg0: i32) -> (i32, i32) {
    %c0_i32 = arith.constant 0 : i32
    %c0_i32_0 = arith.constant 0 : i32
    %c0_i32_1 = arith.constant 0 : i32
    return %c0_i32, %c0_i32_0 : i32, i32
  }
  func.func @transform_13(%arg0: i32) -> (i32, i32) {
    %c0_i32 = arith.constant 0 : i32
    %c0_i32_0 = arith.constant 0 : i32
    return %arg0, %c0_i32 : i32, i32
  }
  func.func @transform_14(%arg0: i32) -> (i32, i32) {
    %c0_i32 = arith.constant 0 : i32
    %c0_i32_0 = arith.constant 0 : i32
    return %arg0, %c0_i32 : i32, i32
  }
}

module attributes {stable_mosaic.version = 14 : i64} {
  func.func @_decode_body(%arg0: i32, %arg1: memref<4000x128xf32, #tpu.memory_space<vmem>>, %arg2: memref<4000x128xf32, #tpu.memory_space<vmem>>, %arg3: memref<128x64xf32, #tpu.memory_space<vmem>>, %arg4: memref<1x64xf32, #tpu.memory_space<vmem>>, %arg5: memref<64x1xf32, #tpu.memory_space<vmem>>, %arg6: memref<1x1xf32, #tpu.memory_space<vmem>>, %arg7: memref<4000x2xf32, #tpu.memory_space<vmem>>) attributes {dimension_semantics = [#tpu.dimension_semantics<arbitrary>], iteration_bounds = array<i64: 25>, scalar_prefetch = 0 : i64, scratch_operands = 0 : i64, tpu.core_type = #tpu.core_type<tc>, window_params = [{transform_indices = @transform_0, window_bounds = array<i64: 4000, 128>}, {transform_indices = @transform_1, window_bounds = array<i64: 4000, 128>}, {pipeline_mode = #tpu.pipeline_mode<synchronous>, transform_indices = @transform_2, window_bounds = array<i64: 128, 64>}, {pipeline_mode = #tpu.pipeline_mode<synchronous>, transform_indices = @transform_3, window_bounds = array<i64: 1, 64>}, {pipeline_mode = #tpu.pipeline_mode<synchronous>, transform_indices = @transform_4, window_bounds = array<i64: 64, 1>}, {pipeline_mode = #tpu.pipeline_mode<synchronous>, transform_indices = @transform_5, window_bounds = array<i64: 1, 1>}, {transform_indices = @transform_6, window_bounds = array<i64: 4000, 2>}]} {
    %get3A = arith.constant 0 : index
    %get3A_0 = arith.constant 0 : index
    %get3A_1 = vector.load %arg1[%get3A, %get3A_0] : memref<4000x128xf32, #tpu.memory_space<vmem>>, vector<4000x128xf32>
    %get3A_2 = arith.constant 0 : index
    %get3A_3 = arith.constant 0 : index
    %get3A_4 = vector.load %arg2[%get3A_2, %get3A_3] : memref<4000x128xf32, #tpu.memory_space<vmem>>, vector<4000x128xf32>
    %add3A = arith.addf %get3A_1, %get3A_4 : vector<4000x128xf32>
    %ge3A = arith.constant 0.000000e+00 : f32
    %ge3A_5 = vector.broadcast %ge3A : f32 to vector<4000x128xf32>
    %ge3A_6 = arith.cmpf oge, %add3A, %ge3A_5 : vector<4000x128xf32>
    %mul3A = arith.constant 0.00999999977 : f32
    %mul3A_7 = vector.broadcast %mul3A : f32 to vector<4000x128xf32>
    %mul3A_8 = arith.mulf %mul3A_7, %add3A : vector<4000x128xf32>
    %select_n3A = arith.select %ge3A_6, %add3A, %mul3A_8 : vector<4000x128xi1>, vector<4000x128xf32>
    %get3A_9 = arith.constant 0 : index
    %get3A_10 = arith.constant 0 : index
    %get3A_11 = vector.load %arg3[%get3A_9, %get3A_10] : memref<128x64xf32, #tpu.memory_space<vmem>>, vector<128x64xf32>
    %dot_general3A = arith.constant dense<0.000000e+00> : vector<4000x64xf32>
    %dot_general3A_12 = tpu.matmul %select_n3A, %get3A_11, %dot_general3A {dimension_numbers = #tpu.dot_dimension_numbers<[1], [0], [0], [1], [0, 0, 1, 1], [], []>, transpose_lhs_hint = false} : vector<4000x128xf32>, vector<128x64xf32>, vector<4000x64xf32> -> vector<4000x64xf32>
    %get3A_13 = arith.constant 0 : index
    %get3A_14 = arith.constant 0 : index
    %get3A_15 = vector.load %arg4[%get3A_13, %get3A_14] : memref<1x64xf32, #tpu.memory_space<vmem>>, vector<1x64xf32>
    %add3A_16 = vector.broadcast %get3A_15 : vector<1x64xf32> to vector<4000x64xf32>
    %add3A_17 = arith.addf %dot_general3A_12, %add3A_16 : vector<4000x64xf32>
    %ge3A_18 = arith.constant 0.000000e+00 : f32
    %ge3A_19 = vector.broadcast %ge3A_18 : f32 to vector<4000x64xf32>
    %ge3A_20 = arith.cmpf oge, %add3A_17, %ge3A_19 : vector<4000x64xf32>
    %mul3A_21 = arith.constant 0.00999999977 : f32
    %mul3A_22 = vector.broadcast %mul3A_21 : f32 to vector<4000x64xf32>
    %mul3A_23 = arith.mulf %mul3A_22, %add3A_17 : vector<4000x64xf32>
    %select_n3A_24 = arith.select %ge3A_20, %add3A_17, %mul3A_23 : vector<4000x64xi1>, vector<4000x64xf32>
    %get3A_25 = arith.constant 0 : index
    %get3A_26 = arith.constant 0 : index
    %get3A_27 = vector.load %arg5[%get3A_25, %get3A_26] : memref<64x1xf32, #tpu.memory_space<vmem>>, vector<64x1xf32>
    %dot_general3A_28 = arith.constant dense<0.000000e+00> : vector<4000x1xf32>
    %dot_general3A_29 = tpu.matmul %select_n3A_24, %get3A_27, %dot_general3A_28 {dimension_numbers = #tpu.dot_dimension_numbers<[1], [0], [0], [1], [0, 0, 1, 1], [], []>, transpose_lhs_hint = false} : vector<4000x64xf32>, vector<64x1xf32>, vector<4000x1xf32> -> vector<4000x1xf32>
    %get3A_30 = arith.constant 0 : index
    %get3A_31 = arith.constant 0 : index
    %get3A_32 = vector.load %arg6[%get3A_30, %get3A_31] : memref<1x1xf32, #tpu.memory_space<vmem>>, vector<1x1xf32>
    %add3A_33 = vector.broadcast %get3A_32 : vector<1x1xf32> to vector<4000x1xf32>
    %add3A_34 = arith.addf %dot_general3A_29, %add3A_33 : vector<4000x1xf32>
    %logistic3A = arith.negf %add3A_34 : vector<4000x1xf32>
    %logistic3A_35 = math.exp %logistic3A : vector<4000x1xf32>
    %logistic3A_36 = arith.constant 1.000000e+00 : f32
    %logistic3A_37 = vector.broadcast %logistic3A_36 : f32 to vector<4000x1xf32>
    %logistic3A_38 = arith.addf %logistic3A_37, %logistic3A_35 : vector<4000x1xf32>
    %logistic3A_39 = arith.divf %logistic3A_37, %logistic3A_38 : vector<4000x1xf32>
    %sub3A = arith.constant 1.000000e+00 : f32
    %sub3A_40 = vector.broadcast %sub3A : f32 to vector<4000x1xf32>
    %sub3A_41 = arith.subf %sub3A_40, %logistic3A_39 : vector<4000x1xf32>
    %concatenate3A = tpu.concatenate %logistic3A_39, %sub3A_41 in 1 : vector<4000x1xf32>, vector<4000x1xf32> -> vector<4000x2xf32>
    %swap3A = arith.constant 0 : index
    %swap3A_42 = arith.constant 0 : index
    %swap3A_43 = vector.load %arg7[%swap3A, %swap3A_42] : memref<4000x2xf32, #tpu.memory_space<vmem>>, vector<4000x2xf32>
    tpu.vector_store %arg7[%swap3A, %swap3A_42], %concatenate3A {strides = array<i32>} : memref<4000x2xf32, #tpu.memory_space<vmem>>, vector<4000x2xf32>,
    return
  }
  func.func @transform_0(%arg0: i32) -> (i32, i32) {
    %c0_i32 = arith.constant 0 : i32
    %c0_i32_0 = arith.constant 0 : i32
    return %arg0, %c0_i32 : i32, i32
  }
  func.func @transform_1(%arg0: i32) -> (i32, i32) {
    %c0_i32 = arith.constant 0 : i32
    %c0_i32_0 = arith.constant 0 : i32
    return %arg0, %c0_i32 : i32, i32
  }
  func.func @transform_2(%arg0: i32) -> (i32, i32) {
    %c0_i32 = arith.constant 0 : i32
    %c0_i32_0 = arith.constant 0 : i32
    %c0_i32_1 = arith.constant 0 : i32
    return %c0_i32, %c0_i32_0 : i32, i32
  }
  func.func @transform_3(%arg0: i32) -> (i32, i32) {
    %c0_i32 = arith.constant 0 : i32
    %c0_i32_0 = arith.constant 0 : i32
    %c0_i32_1 = arith.constant 0 : i32
    return %c0_i32, %c0_i32_0 : i32, i32
  }
  func.func @transform_4(%arg0: i32) -> (i32, i32) {
    %c0_i32 = arith.constant 0 : i32
    %c0_i32_0 = arith.constant 0 : i32
    %c0_i32_1 = arith.constant 0 : i32
    return %c0_i32, %c0_i32_0 : i32, i32
  }
  func.func @transform_5(%arg0: i32) -> (i32, i32) {
    %c0_i32 = arith.constant 0 : i32
    %c0_i32_0 = arith.constant 0 : i32
    %c0_i32_1 = arith.constant 0 : i32
    return %c0_i32, %c0_i32_0 : i32, i32
  }
  func.func @transform_6(%arg0: i32) -> (i32, i32) {
    %c0_i32 = arith.constant 0 : i32
    %c0_i32_0 = arith.constant 0 : i32
    return %arg0, %c0_i32 : i32, i32
  }
}

</mosaic_0001>

<sc_bundles>
// kernel: kernel.10.cloned.1.call-start
scs
__scs_entry_jumppad:
0x0: {  	(pc) =	sbr.rel $0x88, $3  }
0x1: {  	(tag) =	ssettag $0x0;
	lr =	simm.s32 $0x1  }
0x2: {  	[smem:$0x3F92] =	sst lr;
	_ =	strace $0xD0000000  }
0x3: {  	_ = 	snop  }
0x4: {  	_ = 	snop  }
0x5: {  	_ = 	snop  }
0x6: {  	_ = 	snop  }
0x7: {  	_ = 	snop  }
__scs_overlays_trampoline_lowered:
0x8: {  	[smem:$0x3FA1] =	sst s0  }
0x9: {  	[smem:$0x3FA2] =	sst s1  }
0xa: {  	[smem:$0x3FA3] =	sst s2  }
0xb: {  	[smem:$0x3FA4] =	sst s3  }
0xc: {  	[smem:$0x3FA5] =	sst s4  }
0xd: {  	[smem:$0x3FA6] =	sst s5  }
0xe: {  	[smem:$0x3FA7] =	sst s6  }
0xf: {  	[smem:$0x3FA8] =	sst s7  }
0x10: {  	[smem:$0x3FA9] =	sst s8  }
0x11: {  	[smem:$0x3FAA] =	sst s9;
	s0 =	simm.s32 @!p0 $0x0  }
0x12: {  	s1 =	sld [smem:$0x3F90];
	s0 =	simm.s32 @p0 $0x1  }
0x13: {  	[smem:$0x3FAB] =	sst s0;
	s0 =	simm.s32 @!p1 $0x0  }
0x14: {  	s2 =	sld [smem:$0x3F8F];
	s0 =	simm.s32 @p1 $0x1  }
0x15: {  	[smem:$0x3FAC] =	sst s0;
	s0 =	simm.s32 @!p2 $0x0  }
0x16: {  	s3 =	sld [smem:$0x3FDB];
	s0 =	simm.s32 @p2 $0x1  }
0x17: {  	s4 =	simm.s32 $0x1BF5;
	[smem:$0x3FAE] =	sst s0  }
0x18: {  	s0 =	sld [smem:$0x3F91];
	_ =	swait.ge [sflag:s4], $0x0  }
0x19: {  	s7 =	sld [smem:$0x3F92]  }
0x1a: {  	s8 =	sadd.s32 $0xFFFFE003, lr  }
0x1b: {  	s9 =	sadd.s32 $0xFFFFFEF7, lr;
	s5 =	simm.s32 $0xFFFFFFFF;
	p2 =	slt.u32 s8, $0xFFFFF086  }
0x1c: {  	p1 =	slt.u32 s9, $0xF7A;
	s5 =	simm.s32 @!p2 $0x0  }
0x1d: {  	s5 =	simm.s32 @p1 $0x1;
	p0 =	seq.s32 s7, s2  }
0x1e: {  	s7 =	smul.u32 @!p0 $0xF7A, s2;
	p2 =	seq.s32 @!p0 s5, $0x0  }
0x1f: {  	s9 =	smul.u32 $0xF7A, s1;
	s8 =	simm.s32 @!p0 $0x1BF5;
	p2 =	por !p2, p0  }
0x20: {  	[sflag:s8] =	ssyncset.s32 @!p0 $0xFFFFF086;
	s6 =	sadd.s32 @!p0 s3, s7;
	s7 =	simm.s32 @!p0 $0x108  }
0x21: {  	s3 =	sadd.s32 s3, s9;
	s6 =	sadd.s32 @!p0 $0x88, s6;
	s7 =	simm.s32 @p2 $0x1082  }
0x22: {  	[simem:s7], [sflag:s8] =	dma.local @!p0 [hbm:s6], $0xF7A  }
0x23: {  	s9 =	sor.u32 $0xD0000000, s2;
	s6 =	simm.s32 $0x108;
	_ =	swait.ge @!p0 [sflag:s8], $0x0  }
0x24: {  	s3 =	sadd.s32 $0x88, s3;
	s6 =	simm.s32 @!p1 $0x1082;
	[sflag:s4] =	ssyncset.s32 $0xFFFFF086  }
0x25: {  	[simem:s6], [sflag:s4] =	dma.local [hbm:s3], $0xF7A  }
0x26: {  	[smem:$0x3F92] =	sst s1;
	(tag) =	ssettag s2;
	_ =	strace s9  }
0x27: {  	s1 =	sld [smem:$0x3FA2]  }
0x28: {  	s2 =	sld [smem:$0x3FA3]  }
0x29: {  	s4 =	sld [smem:$0x3FA5]  }
0x2a: {  	p0 =	seq.s32 s5, $0x0;
	s5 =	sld [smem:$0x3FA6]  }
0x2b: {  	s6 =	sld [smem:$0x3FA7]  }
0x2c: {  	s7 =	sld [smem:$0x3FA8]  }
0x2d: {  	s3 =	simm.s32 $0x108;
	s8 =	sld [smem:$0x3FA9]  }
0x2e: {  	s3 =	simm.s32 @!p0 $0x1082;
	s9 =	sld [smem:$0x3FAA]  }
0x2f: {  	lr =	sadd.s32 s0, s3;
	s0 =	sld [smem:$0x3FA1]  }
0x30: {  	s3 =	sld [smem:$0x3FA4]  }
0x31: {  	[smem:$0x3FAD] =	sst s10  }
0x32: {  	s10 =	sld [smem:$0x3FAB];
	_ =	sdelay $0x3  }
0x33: {  	p0 =	seq.s32 s10, $0x1;
	s10 =	sld [smem:$0x3FAD];
	_ =	sdelay $0x3  }
0x34: {  	[smem:$0x3FAD] =	sst s10  }
0x35: {  	s10 =	sld [smem:$0x3FAC];
	_ =	sdelay $0x3  }
0x36: {  	p1 =	seq.s32 s10, $0x1;
	s10 =	sld [smem:$0x3FAD];
	_ =	sdelay $0x3  }
0x37: {  	[smem:$0x3FAD] =	sst s10  }
0x38: {  	s10 =	sld [smem:$0x3FAE]  }
0x39: {  	_ = 	snop;
	(pc) =	sbr.ind lr, $3  }
0x3a: {  	_ = 	snop  }
0x3b: {  	_ = 	snop  }
0x3c: {  	p2 =	seq.s32 s10, $0x1;
	s10 =	sld [smem:$0x3FAD]  }
0x3d: {  	_ =	shalt  }
0x3e: {  	_ =	shalt  }
0x3f: {  	_ =	shalt  }
0x40: {  	_ =	shalt  }
0x41: {  	_ =	shalt  }
0x42: {  	_ =	shalt  }
0x43: {  	_ =	shalt  }
0x44: {  	_ =	shalt  }
0x45: {  	_ =	shalt  }
0x46: {  	_ =	shalt  }
0x47: {  	_ =	shalt  }
0x48: {  	_ =	shalt  }
0x49: {  	_ =	shalt  }
0x4a: {  	_ =	shalt  }
0x4b: {  	_ =	shalt  }
0x4c: {  	_ =	shalt  }
0x4d: {  	_ =	shalt  }
0x4e: {  	_ =	shalt  }
0x4f: {  	_ =	shalt  }
0x50: {  	_ =	shalt  }
0x51: {  	_ =	shalt  }
0x52: {  	_ =	shalt  }
0x53: {  	_ =	shalt  }
0x54: {  	_ =	shalt  }
0x55: {  	_ =	shalt  }
0x56: {  	_ =	shalt  }
0x57: {  	_ =	shalt  }
0x58: {  	_ =	shalt  }
0x59: {  	_ =	shalt  }
0x5a: {  	_ =	shalt  }
0x5b: {  	_ =	shalt  }
0x5c: {  	_ =	shalt  }
0x5d: {  	_ =	shalt  }
0x5e: {  	_ =	shalt  }
0x5f: {  	_ =	shalt  }
0x60: {  	_ =	shalt  }
0x61: {  	_ =	shalt  }
0x62: {  	_ =	shalt  }
0x63: {  	_ =	shalt  }
0x64: {  	_ =	shalt  }
0x65: {  	_ =	shalt  }
0x66: {  	_ =	shalt  }
0x67: {  	_ =	shalt  }
0x68: {  	_ =	shalt  }
0x69: {  	_ =	shalt  }
0x6a: {  	_ =	shalt  }
0x6b: {  	_ =	shalt  }
0x6c: {  	_ =	shalt  }
0x6d: {  	_ =	shalt  }
0x6e: {  	_ =	shalt  }
0x6f: {  	_ =	shalt  }
0x70: {  	_ =	shalt  }
0x71: {  	_ =	shalt  }
0x72: {  	_ =	shalt  }
0x73: {  	_ =	shalt  }
0x74: {  	_ =	shalt  }
0x75: {  	_ =	shalt  }
0x76: {  	_ =	shalt  }
0x77: {  	_ =	shalt  }
0x78: {  	_ =	shalt  }
0x79: {  	_ =	shalt  }
0x7a: {  	_ =	shalt  }
0x7b: {  	_ =	shalt  }
0x7c: {  	_ =	shalt  }
0x7d: {  	_ =	shalt  }
0x7e: {  	_ =	shalt  }
0x7f: {  	_ =	shalt  }
0x80: {  	_ =	shalt  }
0x81: {  	_ =	shalt  }
0x82: {  	_ =	shalt  }
0x83: {  	_ =	shalt  }
0x84: {  	_ =	shalt  }
0x85: {  	_ =	shalt  }
0x86: {  	_ =	shalt  }
0x87: {  	_ =	shalt  }
.Lfunc_end0:
.L_simem_size_0:
called_computation.1_lowered:
.L_overlay_start_0:
0x88: {  	s2 =	sld [smem:$0x3FD9]  }
0x89: {  	s3 =	sld [smem:$0x3FFE];
	_ =	sdelay $0x1  }
0x8a: {  	s1 =	srdreg.scid  }
0x8b: {  	s0 =	sand.u32 $0x1, s1  }
0x8c: {  	s17 =	sshll.u32 s0, $0xA;
	s2 =	sadd.s32 s3, s2  }
0x8d: {  	s2 =	sadd.s32 s2, s17  }
0x8e: {  	[smem:$0x3FB9] =	sst s2  }
0x8f: {  	_ = 	snop  }
0x90: {  	s2 =	sld [smem:$0x3FD0];
	(tm) =	ssettm $0x1  }
0x91: {  	s18 =	sld [smem:$0x3FFB];
	_ =	sdelay $0x3  }
0x92: {  	_ =	strace s18  }
0x93: {  	s3 =	sld [smem:$0x3FFC];
	_ =	sdelay $0x3  }
0x94: {  	_ =	strace s3  }
0x95: {  	s3 =	sld [smem:$0x3FFD];
	_ =	sdelay $0x3  }
0x96: {  	_ =	strace s3  }
0x97: {  	_ =	strace $0x8FFFFFFF  }
0x98: {  	s19 =	sld [smem:$0x3FDB];
	_ =	sdelay $0x1  }
0x99: {  	s4 =	simm.s32 $_scs_section_size  }
0x9a: {  	s5 =	simm.s32 $_size__tile_overlayer_lowered;
	s6 =	simm.s32 $_tile_overlayer_lowered  }
0x9b: {  	s22 =	simm.s32 $0x1BFF;
	s21 =	sshll.u32 s6, $0x1;
	s3 =	sadd.s32 s4, s19  }
0x9c: {  	s7 =	simm.s32 $0x0;
	s20 =	sshll.u32 s5, $0x1;
	s5 =	sadd.s32 s21, s3  }
0x9d: {  	[timem:s7], [sflag:s22] =	dma.local [hbm:s5], s20  }
0x9e: {  	_ =	swait.ge [sflag:s22], s20  }
0x9f: {  	s4 =	ssub.s32 $0x0, s20;
	[sflag:s22] =	ssyncset.done $0x0  }
0xa0: {  	[sflag:s22] =	ssyncadd.s32 s4;
	_ =	sdelay $0x1  }
0xa1: {  	s23 =	simm.s32 $0x1B8B  }
0xa2: {  	_ =	swait.ge [sflag:s23], $0x1  }
0xa3: {  	[sflag:s23] =	ssyncset.done $0x0  }
0xa4: {  	s25 =	simm.s32 $0x1B8E;
	s24 =	sld [smem:$0x3FFE];
	[sflag:s23] =	ssyncadd.s32 $0xFFFFFFFF  }
0xa5: {  	s26 =	simm.s32 $execute0_lowered;
	[smem:$0x3FD2] =	sst s25  }
0xa6: {  	s5 =	sshll.u32 s26, $0x1;
	_ =	strace $0x80000049;
	[dreg:$0x1] =	wrdreg $0xFFFFFFFF  }
0xa7: {  	s28 =	simm.s32 $_size_execute0_lowered;
	s3 =	sadd.s32 s3, s5;
	[dreg:$0x0] =	wrdreg $0x0  }
0xa8: {  	s5 =	sshll.u32 s28, $0x1;
	[dreg:$0x2] =	wrdreg s3  }
0xa9: {  	[dreg:$0x3] =	wrdreg s5  }
0xaa: {  	[dreg:$0x4] =	wrdreg $0xC0  }
0xab: {  	_ =	task [dreg:s7], $0x5FFFF  }
0xac: {  	[dreg:$0x1] =	wrdreg $0xFFFFFFFF  }
0xad: {  	[dreg:$0x0] =	wrdreg $0x60  }
0xae: {  	[dreg:$0x2] =	wrdreg s24  }
0xaf: {  	[dreg:$0x3] =	wrdreg s2  }
0xb0: {  	[dreg:$0x4] =	wrdreg $0x0  }
0xb1: {  	[dreg:$0x5] =	wrdreg $0x9  }
0xb2: {  	_ =	task.clear_ibuf [dreg:s7], $0x6FFFF;
	_ =	strace $0x90000049  }
0xb3: {  	s29 =	simm.s32 $0x9;
	_ =	strace $0x8000004B  }
0xb4: {  	_ =	swait.ge [sflag:s29], $0x1  }
0xb5: {  	[sflag:s29] =	ssyncadd.s32 $0xFFFFFFFF  }
0xb6: {  	_ =	strace $0x9000004B  }
0xb7: {  	_ =	sfence  }
0xb8: {  	s30 =	sld [smem:$0x0];
	_ =	sdelay $0x2  }
0xb9: {  	s31 =	sshll.u32 s1, $0xD;
	s1 =	sshrl.u32 s1, $0x2  }
0xba: {  	s3 =	sand.u32 $0x4000, s31;
	s1 =	sadd.s32 s1, s30  }
0xbb: {  	s0 =	sor.u32 s3, s0;
	s1 =	sshll.u32 s1, $0x11  }
0xbc: {  	s0 =	sor.u32 s1, s0  }
0xbd: {  	s0 =	sadd.s32 $0x8F2B, s0  }
0xbe: {  	[sflag:s0] =	ssyncadd.remote.s32 $0x1  }
0xbf: {  	_ =	sfence.sel $0xFFFF  }
0xc0: {  	[dreg:$0x0] =	wrdreg $0xFFFFFFFF;
	(pc) =	sbr.abs _section_cstart, $3  }
0xc1: {  	[dreg:$0x1] =	wrdreg $0xFFFFFFFF  }
0xc2: {  	_ =	task.clear_ibuf [dreg:s7], $0x2FFFF;
	_ =	strace $0x9FFFFFFF  }
0xc3: {  	(tm) =	ssettm $0x7FFFFFFF  }
tec
execute0_lowered:
.L_overlay_start_1:
0x0: {  	(tag) =	ssettag $0x1  }
0x1: {  	s8 =	rddreg [dreg:$0x0]  }
0x2: {  	s6 =	rddreg [dreg:$0x1]  }
0x3: {  	s2 =	rddreg [dreg:$0x2]  }
0x4: {  	s0 =	rddreg [dreg:$0x3];
	s3 =	simm.s32 $0x0  }
0x5: {  	s1 =	stileid.u32;
	s5 =	srdreg.scid;
	s17 =	simm.s32 $0x3  }
0x6: {  	s18 =	simm.s32 $0x80;
	s19 =	simm.s32 $0x15800;
	s20 =	simm.s32 $0x19800  }
0x7: {  	s21 =	simm.s32 $0x1;
	s22 =	simm.s32 $0x2;
	s4 =	smul.u32 $0x2780, s1  }
0x8: {  	s23 =	simm.s32 $0x0;
	[smem:$0x7FF] =	sst s3;
	s7 =	smul.u32 $0x380, s1  }
0x9: {  	s9 =	smul.u32 $0x1A000, s1;
	s5 =	sand.u32 $0x1, s5;
	s16 =	sadd.s32 $0x128400, s2  }
0xa: {  	s11 =	smul.u32 $0x4F000, s1;
	p1 =	seq.s32 s1, $0xF;
	_ =	strace $0x8000004A  }
0xb: {  	s29 =	ssub.s32 $0x2, s5;
	p0 =	seq.s32 s5, $0x1;
	s5 =	sadd.s32 $0x26E80, s8  }
0xc: {  	s10 =	sadd.s32 s4, s8;
	s12 =	sadd.s32 s7, s8;
	s13 =	sadd.s32 s9, s8  }
0xd: {  	s30 =	sshrl.u32 s29, $0x1;
	s31 =	sshrl.u32 s11, $0x2;
	s6 =	sadd.s32 s6, s7  }
.Ltmp0:
0xe: {  	s8 =	sadd.s32 $0x4E080, s8;
	s14 =	ssub.s32 s29, s30;
	(pc) =	sbr.rel .LBB2_1-.Ltmp0, $4  }
0xf: {  	s15 =	sadd.s32 s31, s2;
	s4 =	sadd.s32 $0x1E00, s10;
	s7 =	sadd.s32 $0x29000, s10  }
0x10: {  	s9 =	sadd.s32 $0x78E00, s12;
	s11 =	sadd.s32 $0x7C600, s13;
	s12 =	sadd.s32 $0x21C600, s13  }
0x11: {  	s13 =	sshrl.u32 @p1 s16, $0x3;
	s10 =	smax.u32 s14, $0x1;
	s14 =	sshll.u32 @!p1 s1, $0x6  }
0x12: {  	s16 =	simm.s32 $0x13C00;
	s15 =	sshrl.u32 @!p1 s15, $0x3;
	s14 =	sor.u32 @!p1 $0x1C03, s14  }
.LBB2_7:
0x13: {  	s26 =	sadd.s32 $0x13C00, s25;
	[sflag:s17] =	ssyncadd.s32 $0xFFFFC000  }
0x14: {  	[tilespmem:s19], [sflag:$0x1] =	stream.indirect.gather [spmem:s2], $0x80, s26, s18, $0xb8;
	[tilespmem:$0x1D800] =	vst v63  }
0x15: {  	s30 =	sadd.s32 $0x13C80, s25  }
0x16: {  	[tilespmem:s20], [sflag:$0x2] =	stream.indirect.gather [spmem:s2], $0x80, s30, s18, $0xb8;
	[tilespmem:$0x1D800] =	vst v63  }
0x17: {  	_ =	swait.ge [sflag:s21], $0x4000  }
0x18: {  	[sflag:s21] =	ssyncset.done $0x0  }
0x19: {  	[sflag:s21] =	ssyncadd.s32 $0xFFFFC000  }
0x1a: {  	[hbm4b:s24+s3] =	stream.linear.scatter [tilespmem:s19], [sflag:$0x3], $0x4000, $0x38;
	[tilespmem:$0x1D800] =	vst v63  }
0x1b: {  	_ =	swait.ge [sflag:s17], $0x4000  }
0x1c: {  	[sflag:s17] =	ssyncset.done $0x0  }
0x1d: {  	[sflag:s17] =	ssyncadd.s32 $0xFFFFC000  }
0x1e: {  	_ =	swait.ge [sflag:s22], $0x4000  }
0x1f: {  	[sflag:s22] =	ssyncset.done $0x0  }
0x20: {  	s31 =	sadd.s32 $0x800, s24;
	[sflag:s22] =	ssyncadd.s32 $0xFFFFC000  }
0x21: {  	[hbm4b:s31+s3] =	stream.linear.scatter [tilespmem:s20], [sflag:$0x3], $0x4000, $0x38;
	[tilespmem:$0x1D800] =	vst v63  }
0x22: {  	_ =	swait.ge [sflag:s17], $0x4000  }
0x23: {  	[sflag:s17] =	ssyncset.done $0x0  }
0x24: {  	[sflag:s17] =	ssyncadd.s32 $0xFFFFC000  }
.LBB2_8:
0x25: {  	s23 =	sadd.s32 $0x1, s23  }
0x26: {  	p2 =	sne.s32 s23, s10  }
.Ltmp1:
0x27: {  	_ = 	snop;
	(pc) =	sbr.rel @!p2 .LBB2_9-.Ltmp1, $1  }
0x28: {  	_ =	sdelay $0x3  }
.LBB2_1:
.Ltmp2:
0x29: {  	(pc) =	sbr.rel @!p0 .LBB2_2-.Ltmp2, $1  }
0x2a: {  	_ =	sdelay $0x3  }
0x2b: {  	s24 =	simm.s32 @p1 $0x1FC3  }
0x2c: {  	[spmem:s13], [sflag:s24] =	dma.local @p1 [hbm:s8], $0x2080  }
0x2d: {  	s24 =	simm.s32 @p1 $0x3  }
0x2e: {  	_ =	swait.ge @p1 [sflag:s24], $0x2080  }
0x2f: {  	[sflag:s24] =	ssyncset.done @p1 $0x0  }
0x30: {  	[sflag:s24] =	ssyncadd.s32 @p1 $0xFFFFDF80;
	s24 =	simm.s32 @!p1 $0x3  }
0x31: {  	[spmem:s15], [sflag:s14] =	dma.local @!p1 [hbm:s7], $0x2780  }
0x32: {  	_ =	swait.ge @!p1 [sflag:s24], $0x2780  }
0x33: {  	[sflag:s24] =	ssyncset.done @!p1 $0x0  }
0x34: {  	s28 =	simm.s32 $0x0;
	[sflag:s24] =	ssyncadd.s32 @!p1 $0xFFFFD880  }
0x35: {  	[tilespmem:s16], [sflag:$0x3] =	stream.linear.gather [hbm4b:s9+s28], $0x1A00, $0x38;
	[tilespmem:$0x1D800] =	vst v63  }
0x36: {  	_ =	swait.ge [sflag:s17], $0x1A00  }
0x37: {  	[sflag:s17] =	ssyncset.done $0x0  }
0x38: {  	[sflag:s17] =	ssyncadd.s32 $0xFFFFE600  }
0x39: {  	s29 =	simm.s32 $0x13C00;
	[bflag:$0x0] =	sbarrier.arrive $0xFFFF  }
0x3a: {  	[tilespmem:s19], [sflag:$0x1] =	stream.indirect.gather [spmem:s2], $0x80, s29, s18, $0xb8;
	[tilespmem:$0x1D800] =	vst v63  }
0x3b: {  	s30 =	simm.s32 $0x13C80  }
0x3c: {  	[tilespmem:s20], [sflag:$0x2] =	stream.indirect.gather [spmem:s2], $0x80, s30, s18, $0xb8;
	[tilespmem:$0x1D800] =	vst v63  }
0x3d: {  	_ =	swait.ge [sflag:s21], $0x4000  }
0x3e: {  	[sflag:s21] =	ssyncset.done $0x0  }
0x3f: {  	[sflag:s21] =	ssyncadd.s32 $0xFFFFC000  }
0x40: {  	[hbm4b:s12+s3] =	stream.linear.scatter [tilespmem:s19], [sflag:$0x3], $0x4000, $0x38;
	[tilespmem:$0x1D800] =	vst v63  }
0x41: {  	_ =	swait.ge [sflag:s17], $0x4000  }
0x42: {  	[sflag:s17] =	ssyncset.done $0x0  }
0x43: {  	[sflag:s17] =	ssyncadd.s32 $0xFFFFC000  }
0x44: {  	_ =	swait.ge [sflag:s22], $0x4000  }
0x45: {  	[sflag:s22] =	ssyncset.done $0x0  }
0x46: {  	s31 =	sadd.s32 $0x800, s12;
	[sflag:s22] =	ssyncadd.s32 $0xFFFFC000  }
0x47: {  	[hbm4b:s31+s3] =	stream.linear.scatter [tilespmem:s20], [sflag:$0x3], $0x4000, $0x38;
	[tilespmem:$0x1D800] =	vst v63  }
0x48: {  	s26 =	simm.s32 $0x800;
	_ =	swait.ge [sflag:s17], $0x4000  }
0x49: {  	s25 =	simm.s32 $0x100;
	s24 =	sadd.s32 $0x1000, s12;
	[sflag:s17] =	ssyncset.done $0x0  }
.LBB2_6:
0x4a: {  	s28 =	sadd.s32 $0x13C00, s25  }
0x4b: {  	[sflag:s17] =	ssyncadd.s32 $0xFFFFC000;
	s29 =	smov.u32 s26;
	s30 =	sadd.s32 $0x400, s26  }
0x4c: {  	[tilespmem:s19], [sflag:$0x1] =	stream.indirect.gather [spmem:s2], $0x80, s28, s18, $0xb8;
	[tilespmem:$0x1D800] =	vst v63  }
0x4d: {  	p2 =	sne.s32 s26, $0x6400;
	s25 =	sadd.s32 $0x13C80, s25  }
0x4e: {  	[tilespmem:s20], [sflag:$0x2] =	stream.indirect.gather [spmem:s2], $0x80, s25, s18, $0xb8;
	[tilespmem:$0x1D800] =	vst v63  }
0x4f: {  	_ =	swait.ge [sflag:s21], $0x4000  }
0x50: {  	[sflag:s21] =	ssyncset.done $0x0  }
0x51: {  	[sflag:s21] =	ssyncadd.s32 $0xFFFFC000  }
0x52: {  	[hbm4b:s24+s3] =	stream.linear.scatter [tilespmem:s19], [sflag:$0x3], $0x4000, $0x38;
	[tilespmem:$0x1D800] =	vst v63  }
0x53: {  	_ =	swait.ge [sflag:s17], $0x4000  }
0x54: {  	[sflag:s17] =	ssyncset.done $0x0  }
0x55: {  	[sflag:s17] =	ssyncadd.s32 $0xFFFFC000  }
0x56: {  	_ =	swait.ge [sflag:s22], $0x4000  }
.Ltmp3:
0x57: {  	[sflag:s22] =	ssyncset.done $0x0;
	(pc) =	sbr.rel @p2 .LBB2_6-.Ltmp3, $4  }
0x58: {  	s25 =	sadd.s32 $0x800, s24;
	[sflag:s22] =	ssyncadd.s32 $0xFFFFC000  }
0x59: {  	[hbm4b:s25+s3] =	stream.linear.scatter [tilespmem:s20], [sflag:$0x3], $0x4000, $0x38;
	[tilespmem:$0x1D800] =	vst v63  }
0x5a: {  	s26 =	smov.u32 s30;
	_ =	swait.ge [sflag:s17], $0x4000  }
0x5b: {  	s24 =	sadd.s32 $0x1000, s24;
	s25 =	sshra.s32 s29, $0x2;
	[sflag:s17] =	ssyncset.done $0x0  }
.Ltmp4:
0x5c: {  	_ = 	snop;
	(pc) =	sbr.rel .LBB2_7-.Ltmp4, $1  }
0x5d: {  	_ =	sdelay $0x3  }
.LBB2_2:
0x5e: {  	s24 =	simm.s32 @p1 $0x1FC3  }
0x5f: {  	[spmem:s13], [sflag:s24] =	dma.local @p1 [hbm:s5], $0x2080  }
0x60: {  	s24 =	simm.s32 @p1 $0x3  }
0x61: {  	_ =	swait.ge @p1 [sflag:s24], $0x2080  }
0x62: {  	[sflag:s24] =	ssyncset.done @p1 $0x0  }
0x63: {  	[sflag:s24] =	ssyncadd.s32 @p1 $0xFFFFDF80;
	s24 =	simm.s32 @!p1 $0x3  }
0x64: {  	[spmem:s15], [sflag:s14] =	dma.local @!p1 [hbm:s4], $0x2780  }
0x65: {  	_ =	swait.ge @!p1 [sflag:s24], $0x2780  }
0x66: {  	[sflag:s24] =	ssyncset.done @!p1 $0x0  }
0x67: {  	s28 =	simm.s32 $0x0;
	[sflag:s24] =	ssyncadd.s32 @!p1 $0xFFFFD880  }
0x68: {  	[tilespmem:s16], [sflag:$0x3] =	stream.linear.gather [hbm4b:s6+s28], $0x1A00, $0x38;
	[tilespmem:$0x1D800] =	vst v63  }
0x69: {  	_ =	swait.ge [sflag:s17], $0x1A00  }
0x6a: {  	[sflag:s17] =	ssyncset.done $0x0  }
0x6b: {  	[sflag:s17] =	ssyncadd.s32 $0xFFFFE600  }
0x6c: {  	s29 =	simm.s32 $0x13C00;
	[bflag:$0x0] =	sbarrier.arrive $0xFFFF  }
0x6d: {  	[tilespmem:s19], [sflag:$0x1] =	stream.indirect.gather [spmem:s2], $0x80, s29, s18, $0xb8;
	[tilespmem:$0x1D800] =	vst v63  }
0x6e: {  	s30 =	simm.s32 $0x13C80  }
0x6f: {  	[tilespmem:s20], [sflag:$0x2] =	stream.indirect.gather [spmem:s2], $0x80, s30, s18, $0xb8;
	[tilespmem:$0x1D800] =	vst v63  }
0x70: {  	_ =	swait.ge [sflag:s21], $0x4000  }
0x71: {  	[sflag:s21] =	ssyncset.done $0x0  }
0x72: {  	[sflag:s21] =	ssyncadd.s32 $0xFFFFC000  }
0x73: {  	[hbm4b:s11+s3] =	stream.linear.scatter [tilespmem:s19], [sflag:$0x3], $0x4000, $0x38;
	[tilespmem:$0x1D800] =	vst v63  }
0x74: {  	_ =	swait.ge [sflag:s17], $0x4000  }
0x75: {  	[sflag:s17] =	ssyncset.done $0x0  }
0x76: {  	[sflag:s17] =	ssyncadd.s32 $0xFFFFC000  }
0x77: {  	_ =	swait.ge [sflag:s22], $0x4000  }
0x78: {  	[sflag:s22] =	ssyncset.done $0x0  }
0x79: {  	s31 =	sadd.s32 $0x800, s11;
	[sflag:s22] =	ssyncadd.s32 $0xFFFFC000  }
0x7a: {  	[hbm4b:s31+s3] =	stream.linear.scatter [tilespmem:s20], [sflag:$0x3], $0x4000, $0x38;
	[tilespmem:$0x1D800] =	vst v63  }
0x7b: {  	s26 =	simm.s32 $0x800;
	_ =	swait.ge [sflag:s17], $0x4000  }
0x7c: {  	s25 =	simm.s32 $0x100;
	s24 =	sadd.s32 $0x1000, s11;
	[sflag:s17] =	ssyncset.done $0x0  }
.LBB2_3:
0x7d: {  	s28 =	sadd.s32 $0x13C00, s25  }
0x7e: {  	[sflag:s17] =	ssyncadd.s32 $0xFFFFC000;
	s29 =	smov.u32 s26;
	s30 =	sadd.s32 $0x400, s26  }
0x7f: {  	[tilespmem:s19], [sflag:$0x1] =	stream.indirect.gather [spmem:s2], $0x80, s28, s18, $0xb8;
	[tilespmem:$0x1D800] =	vst v63  }
0x80: {  	p2 =	seq.s32 s26, $0x6400;
	s25 =	sadd.s32 $0x13C80, s25  }
0x81: {  	[tilespmem:s20], [sflag:$0x2] =	stream.indirect.gather [spmem:s2], $0x80, s25, s18, $0xb8;
	[tilespmem:$0x1D800] =	vst v63  }
0x82: {  	_ =	swait.ge [sflag:s21], $0x4000  }
0x83: {  	[sflag:s21] =	ssyncset.done $0x0  }
0x84: {  	[sflag:s21] =	ssyncadd.s32 $0xFFFFC000  }
0x85: {  	[hbm4b:s24+s3] =	stream.linear.scatter [tilespmem:s19], [sflag:$0x3], $0x4000, $0x38;
	[tilespmem:$0x1D800] =	vst v63  }
0x86: {  	_ =	swait.ge [sflag:s17], $0x4000  }
0x87: {  	[sflag:s17] =	ssyncset.done $0x0  }
0x88: {  	[sflag:s17] =	ssyncadd.s32 $0xFFFFC000  }
0x89: {  	_ =	swait.ge [sflag:s22], $0x4000  }
.Ltmp5:
0x8a: {  	[sflag:s22] =	ssyncset.done $0x0;
	(pc) =	sbr.rel @!p2 .LBB2_3-.Ltmp5, $4  }
0x8b: {  	s25 =	sadd.s32 $0x800, s24;
	[sflag:s22] =	ssyncadd.s32 $0xFFFFC000  }
0x8c: {  	[hbm4b:s25+s3] =	stream.linear.scatter [tilespmem:s20], [sflag:$0x3], $0x4000, $0x38;
	[tilespmem:$0x1D800] =	vst v63  }
0x8d: {  	s26 =	smov.u32 s30;
	_ =	swait.ge [sflag:s17], $0x4000  }
0x8e: {  	s24 =	sadd.s32 $0x1000, s24;
	s25 =	sshra.s32 s29, $0x2;
	[sflag:s17] =	ssyncset.done $0x0  }
0x8f: {  	s26 =	sadd.s32 $0x13C00, s25;
	[sflag:s17] =	ssyncadd.s32 $0xFFFFC000  }
0x90: {  	[tilespmem:s19], [sflag:$0x1] =	stream.indirect.gather [spmem:s2], $0x80, s26, s18, $0xb8;
	[tilespmem:$0x1D800] =	vst v63  }
0x91: {  	s30 =	sadd.s32 $0x13C80, s25  }
0x92: {  	[tilespmem:s20], [sflag:$0x2] =	stream.indirect.gather [spmem:s2], $0x80, s30, s18, $0xb8;
	[tilespmem:$0x1D800] =	vst v63  }
0x93: {  	_ =	swait.ge [sflag:s21], $0x4000  }
0x94: {  	[sflag:s21] =	ssyncset.done $0x0  }
0x95: {  	[sflag:s21] =	ssyncadd.s32 $0xFFFFC000  }
0x96: {  	[hbm4b:s24+s3] =	stream.linear.scatter [tilespmem:s19], [sflag:$0x3], $0x4000, $0x38;
	[tilespmem:$0x1D800] =	vst v63  }
0x97: {  	_ =	swait.ge [sflag:s17], $0x4000  }
0x98: {  	[sflag:s17] =	ssyncset.done $0x0  }
0x99: {  	[sflag:s17] =	ssyncadd.s32 $0xFFFFC000  }
0x9a: {  	_ =	swait.ge [sflag:s22], $0x4000  }
0x9b: {  	[sflag:s22] =	ssyncset.done $0x0  }
.Ltmp6:
0x9c: {  	s31 =	sadd.s32 $0x800, s24;
	[sflag:s22] =	ssyncadd.s32 $0xFFFFC000;
	(pc) =	sbr.rel .LBB2_8-.Ltmp6, $4  }
0x9d: {  	[hbm4b:s31+s3] =	stream.linear.scatter [tilespmem:s20], [sflag:$0x3], $0x4000, $0x38;
	[tilespmem:$0x1D800] =	vst v63  }
0x9e: {  	_ =	swait.ge [sflag:s17], $0x4000  }
0x9f: {  	[sflag:s17] =	ssyncset.done $0x0  }
0xa0: {  	[sflag:s17] =	ssyncadd.s32 $0xFFFFC000  }
.LBB2_9:
0xa1: {  	_ =	sfence.sel $0x180000  }
0xa2: {  	[bflag:$0x0] =	sbarrier.arrive $0xFFFF  }
0xa3: {  	p0 =	sne.s32 s1, $0x0;
	_ =	strace $0x9000004A  }
0xa4: {  	s0 =	sadd.s32 @!p0 $0x100000, s0;
	[bflag:$0x2] =	sbarrier.arrive $0xFFFF  }
0xa5: {  	[sflag:s0] =	ssyncadd.tile.s32 @!p0 $0x1;
	_ =	shalt  }
.Lfunc_end2:
_tile_overlayer_lowered:
.L_overlay_start_2:
0xa6: {  	(tag) =	ssettag $0x2  }
0xa7: {  	s0 =	rddreg [dreg:$0x0];
	s2 =	stileid.u32  }
0xa8: {  	s1 =	rddreg [dreg:$0x1];
	p0 =	sne.s32 s2, $0x0  }
0xa9: {  	s3 =	rddreg [dreg:$0x2];
	[bflag:$0x3] =	sbarrier.arrive $0xFFFF;
	s2 =	simm.s32 @!p0 $0x1C03  }
0xaa: {  	[timem:s3], [sflag:s2] =	dma.local @!p0 [hbm:s0], s1  }
0xab: {  	s0 =	simm.s32 @!p0 $0x3  }
0xac: {  	_ =	swait.ge @!p0 [sflag:s0], s1  }
0xad: {  	s1 =	ssub.s32 @!p0 $0x0, s1;
	[sflag:s0] =	ssyncset.done @!p0 $0x0  }
0xae: {  	[sflag:s0] =	ssyncadd.s32 @!p0 s1  }
0xaf: {  	[bflag:$0x3] =	sbarrier.arrive $0xFFFF  }
0xb0: {  	_ =	shalt  }

// kernel: kernel.7.cloned.1.call-start
scs
__scs_entry_jumppad:
0x0: {  	(pc) =	sbr.rel $0x88, $3  }
0x1: {  	(tag) =	ssettag $0x0;
	lr =	simm.s32 $0x1  }
0x2: {  	[smem:$0x3F92] =	sst lr;
	_ =	strace $0xD0000000  }
0x3: {  	_ = 	snop  }
0x4: {  	_ = 	snop  }
0x5: {  	_ = 	snop  }
0x6: {  	_ = 	snop  }
0x7: {  	_ = 	snop  }
__scs_overlays_trampoline_lowered:
0x8: {  	[smem:$0x3FA1] =	sst s0  }
0x9: {  	[smem:$0x3FA2] =	sst s1  }
0xa: {  	[smem:$0x3FA3] =	sst s2  }
0xb: {  	[smem:$0x3FA4] =	sst s3  }
0xc: {  	[smem:$0x3FA5] =	sst s4  }
0xd: {  	[smem:$0x3FA6] =	sst s5  }
0xe: {  	[smem:$0x3FA7] =	sst s6  }
0xf: {  	[smem:$0x3FA8] =	sst s7  }
0x10: {  	[smem:$0x3FA9] =	sst s8  }
0x11: {  	[smem:$0x3FAA] =	sst s9;
	s0 =	simm.s32 @!p0 $0x0  }
0x12: {  	s1 =	sld [smem:$0x3F90];
	s0 =	simm.s32 @p0 $0x1  }
0x13: {  	[smem:$0x3FAB] =	sst s0;
	s0 =	simm.s32 @!p1 $0x0  }
0x14: {  	s2 =	sld [smem:$0x3F8F];
	s0 =	simm.s32 @p1 $0x1  }
0x15: {  	[smem:$0x3FAC] =	sst s0;
	s0 =	simm.s32 @!p2 $0x0  }
0x16: {  	s3 =	sld [smem:$0x3FDB];
	s0 =	simm.s32 @p2 $0x1  }
0x17: {  	s4 =	simm.s32 $0x1BF5;
	[smem:$0x3FAE] =	sst s0  }
0x18: {  	s0 =	sld [smem:$0x3F91];
	_ =	swait.ge [sflag:s4], $0x0  }
0x19: {  	s7 =	sld [smem:$0x3F92]  }
0x1a: {  	s8 =	sadd.s32 $0xFFFFE003, lr  }
0x1b: {  	s9 =	sadd.s32 $0xFFFFFEF7, lr;
	s5 =	simm.s32 $0xFFFFFFFF;
	p2 =	slt.u32 s8, $0xFFFFF086  }
0x1c: {  	p1 =	slt.u32 s9, $0xF7A;
	s5 =	simm.s32 @!p2 $0x0  }
0x1d: {  	s5 =	simm.s32 @p1 $0x1;
	p0 =	seq.s32 s7, s2  }
0x1e: {  	s7 =	smul.u32 @!p0 $0xF7A, s2;
	p2 =	seq.s32 @!p0 s5, $0x0  }
0x1f: {  	s9 =	smul.u32 $0xF7A, s1;
	s8 =	simm.s32 @!p0 $0x1BF5;
	p2 =	por !p2, p0  }
0x20: {  	[sflag:s8] =	ssyncset.s32 @!p0 $0xFFFFF086;
	s6 =	sadd.s32 @!p0 s3, s7;
	s7 =	simm.s32 @!p0 $0x108  }
0x21: {  	s3 =	sadd.s32 s3, s9;
	s6 =	sadd.s32 @!p0 $0x88, s6;
	s7 =	simm.s32 @p2 $0x1082  }
0x22: {  	[simem:s7], [sflag:s8] =	dma.local @!p0 [hbm:s6], $0xF7A  }
0x23: {  	s9 =	sor.u32 $0xD0000000, s2;
	s6 =	simm.s32 $0x108;
	_ =	swait.ge @!p0 [sflag:s8], $0x0  }
0x24: {  	s3 =	sadd.s32 $0x88, s3;
	s6 =	simm.s32 @!p1 $0x1082;
	[sflag:s4] =	ssyncset.s32 $0xFFFFF086  }
0x25: {  	[simem:s6], [sflag:s4] =	dma.local [hbm:s3], $0xF7A  }
0x26: {  	[smem:$0x3F92] =	sst s1;
	(tag) =	ssettag s2;
	_ =	strace s9  }
0x27: {  	s1 =	sld [smem:$0x3FA2]  }
0x28: {  	s2 =	sld [smem:$0x3FA3]  }
0x29: {  	s4 =	sld [smem:$0x3FA5]  }
0x2a: {  	p0 =	seq.s32 s5, $0x0;
	s5 =	sld [smem:$0x3FA6]  }
0x2b: {  	s6 =	sld [smem:$0x3FA7]  }
0x2c: {  	s7 =	sld [smem:$0x3FA8]  }
0x2d: {  	s3 =	simm.s32 $0x108;
	s8 =	sld [smem:$0x3FA9]  }
0x2e: {  	s3 =	simm.s32 @!p0 $0x1082;
	s9 =	sld [smem:$0x3FAA]  }
0x2f: {  	lr =	sadd.s32 s0, s3;
	s0 =	sld [smem:$0x3FA1]  }
0x30: {  	s3 =	sld [smem:$0x3FA4]  }
0x31: {  	[smem:$0x3FAD] =	sst s10  }
0x32: {  	s10 =	sld [smem:$0x3FAB];
	_ =	sdelay $0x3  }
0x33: {  	p0 =	seq.s32 s10, $0x1;
	s10 =	sld [smem:$0x3FAD];
	_ =	sdelay $0x3  }
0x34: {  	[smem:$0x3FAD] =	sst s10  }
0x35: {  	s10 =	sld [smem:$0x3FAC];
	_ =	sdelay $0x3  }
0x36: {  	p1 =	seq.s32 s10, $0x1;
	s10 =	sld [smem:$0x3FAD];
	_ =	sdelay $0x3  }
0x37: {  	[smem:$0x3FAD] =	sst s10  }
0x38: {  	s10 =	sld [smem:$0x3FAE]  }
0x39: {  	_ = 	snop;
	(pc) =	sbr.ind lr, $3  }
0x3a: {  	_ = 	snop  }
0x3b: {  	_ = 	snop  }
0x3c: {  	p2 =	seq.s32 s10, $0x1;
	s10 =	sld [smem:$0x3FAD]  }
0x3d: {  	_ =	shalt  }
0x3e: {  	_ =	shalt  }
0x3f: {  	_ =	shalt  }
0x40: {  	_ =	shalt  }
0x41: {  	_ =	shalt  }
0x42: {  	_ =	shalt  }
0x43: {  	_ =	shalt  }
0x44: {  	_ =	shalt  }
0x45: {  	_ =	shalt  }
0x46: {  	_ =	shalt  }
0x47: {  	_ =	shalt  }
0x48: {  	_ =	shalt  }
0x49: {  	_ =	shalt  }
0x4a: {  	_ =	shalt  }
0x4b: {  	_ =	shalt  }
0x4c: {  	_ =	shalt  }
0x4d: {  	_ =	shalt  }
0x4e: {  	_ =	shalt  }
0x4f: {  	_ =	shalt  }
0x50: {  	_ =	shalt  }
0x51: {  	_ =	shalt  }
0x52: {  	_ =	shalt  }
0x53: {  	_ =	shalt  }
0x54: {  	_ =	shalt  }
0x55: {  	_ =	shalt  }
0x56: {  	_ =	shalt  }
0x57: {  	_ =	shalt  }
0x58: {  	_ =	shalt  }
0x59: {  	_ =	shalt  }
0x5a: {  	_ =	shalt  }
0x5b: {  	_ =	shalt  }
0x5c: {  	_ =	shalt  }
0x5d: {  	_ =	shalt  }
0x5e: {  	_ =	shalt  }
0x5f: {  	_ =	shalt  }
0x60: {  	_ =	shalt  }
0x61: {  	_ =	shalt  }
0x62: {  	_ =	shalt  }
0x63: {  	_ =	shalt  }
0x64: {  	_ =	shalt  }
0x65: {  	_ =	shalt  }
0x66: {  	_ =	shalt  }
0x67: {  	_ =	shalt  }
0x68: {  	_ =	shalt  }
0x69: {  	_ =	shalt  }
0x6a: {  	_ =	shalt  }
0x6b: {  	_ =	shalt  }
0x6c: {  	_ =	shalt  }
0x6d: {  	_ =	shalt  }
0x6e: {  	_ =	shalt  }
0x6f: {  	_ =	shalt  }
0x70: {  	_ =	shalt  }
0x71: {  	_ =	shalt  }
0x72: {  	_ =	shalt  }
0x73: {  	_ =	shalt  }
0x74: {  	_ =	shalt  }
0x75: {  	_ =	shalt  }
0x76: {  	_ =	shalt  }
0x77: {  	_ =	shalt  }
0x78: {  	_ =	shalt  }
0x79: {  	_ =	shalt  }
0x7a: {  	_ =	shalt  }
0x7b: {  	_ =	shalt  }
0x7c: {  	_ =	shalt  }
0x7d: {  	_ =	shalt  }
0x7e: {  	_ =	shalt  }
0x7f: {  	_ =	shalt  }
0x80: {  	_ =	shalt  }
0x81: {  	_ =	shalt  }
0x82: {  	_ =	shalt  }
0x83: {  	_ =	shalt  }
0x84: {  	_ =	shalt  }
0x85: {  	_ =	shalt  }
0x86: {  	_ =	shalt  }
0x87: {  	_ =	shalt  }
.Lfunc_end0:
.L_simem_size_0:
called_computation_lowered:
.L_overlay_start_0:
0x88: {  	s2 =	sld [smem:$0x3FD9]  }
0x89: {  	s3 =	sld [smem:$0x3FFE];
	_ =	sdelay $0x1  }
0x8a: {  	s1 =	srdreg.scid  }
0x8b: {  	s0 =	sand.u32 $0x1, s1  }
0x8c: {  	s17 =	sshll.u32 s0, $0xA;
	s2 =	sadd.s32 s3, s2  }
0x8d: {  	s2 =	sadd.s32 s2, s17  }
0x8e: {  	[smem:$0x3FB9] =	sst s2  }
0x8f: {  	_ = 	snop  }
0x90: {  	s2 =	sld [smem:$0x3FC9]  }
0x91: {  	s18 =	sld [smem:$0x3FC8];
	(tm) =	ssettm $0x1  }
0x92: {  	s4 =	sld [smem:$0x3FFB];
	_ =	sdelay $0x3  }
0x93: {  	_ =	strace s4  }
0x94: {  	s4 =	sld [smem:$0x3FFC];
	_ =	sdelay $0x3  }
0x95: {  	_ =	strace s4  }
0x96: {  	s4 =	sld [smem:$0x3FFD];
	_ =	sdelay $0x3  }
0x97: {  	_ =	strace s4  }
0x98: {  	_ =	strace $0x8FFFFFFF  }
0x99: {  	s19 =	sld [smem:$0x3FDB];
	_ =	sdelay $0x1  }
0x9a: {  	s5 =	simm.s32 $_scs_section_size  }
0x9b: {  	s6 =	simm.s32 $_size__tile_overlayer_lowered;
	s7 =	simm.s32 $_tile_overlayer_lowered  }
0x9c: {  	s22 =	simm.s32 $0x1BFF;
	s21 =	sshll.u32 s7, $0x1;
	s4 =	sadd.s32 s5, s19  }
0x9d: {  	s8 =	simm.s32 $0x0;
	s20 =	sshll.u32 s6, $0x1;
	s6 =	sadd.s32 s21, s4  }
0x9e: {  	[timem:s8], [sflag:s22] =	dma.local [hbm:s6], s20  }
0x9f: {  	_ =	swait.ge [sflag:s22], s20  }
0xa0: {  	s5 =	ssub.s32 $0x0, s20;
	[sflag:s22] =	ssyncset.done $0x0  }
0xa1: {  	[sflag:s22] =	ssyncadd.s32 s5;
	_ =	sdelay $0x1  }
0xa2: {  	s23 =	simm.s32 $0x1B8B  }
0xa3: {  	_ =	swait.ge [sflag:s23], $0x1  }
0xa4: {  	[sflag:s23] =	ssyncset.done $0x0  }
0xa5: {  	s25 =	simm.s32 $0x1B8E;
	s24 =	sld [smem:$0x3FFE];
	[sflag:s23] =	ssyncadd.s32 $0xFFFFFFFF  }
0xa6: {  	s26 =	simm.s32 $execute0_lowered;
	[smem:$0x3FD2] =	sst s25  }
0xa7: {  	s6 =	sshll.u32 s26, $0x1;
	_ =	strace $0x80000046;
	[dreg:$0x1] =	wrdreg $0xFFFFFFFF  }
0xa8: {  	s28 =	simm.s32 $_size_execute0_lowered;
	s4 =	sadd.s32 s4, s6;
	[dreg:$0x0] =	wrdreg $0x0  }
0xa9: {  	s6 =	sshll.u32 s28, $0x1;
	[dreg:$0x2] =	wrdreg s4  }
0xaa: {  	[dreg:$0x3] =	wrdreg s6  }
0xab: {  	[dreg:$0x4] =	wrdreg $0xC0  }
0xac: {  	_ =	task [dreg:s8], $0x5FFFF  }
0xad: {  	[dreg:$0x1] =	wrdreg $0xFFFFFFFF  }
0xae: {  	[dreg:$0x0] =	wrdreg $0x60  }
0xaf: {  	[dreg:$0x2] =	wrdreg s2  }
0xb0: {  	[dreg:$0x3] =	wrdreg s18  }
0xb1: {  	[dreg:$0x4] =	wrdreg s24  }
0xb2: {  	[dreg:$0x5] =	wrdreg $0x0  }
0xb3: {  	[dreg:$0x6] =	wrdreg $0x9  }
0xb4: {  	_ =	task.clear_ibuf [dreg:s8], $0x7FFFF;
	_ =	strace $0x90000046  }
0xb5: {  	s29 =	simm.s32 $0x9;
	_ =	strace $0x80000048  }
0xb6: {  	_ =	swait.ge [sflag:s29], $0x1  }
0xb7: {  	[sflag:s29] =	ssyncadd.s32 $0xFFFFFFFF  }
0xb8: {  	_ =	strace $0x90000048  }
0xb9: {  	_ =	sfence  }
0xba: {  	s30 =	sld [smem:$0x0];
	_ =	sdelay $0x2  }
0xbb: {  	s31 =	sshll.u32 s1, $0xD;
	s1 =	sshrl.u32 s1, $0x2  }
0xbc: {  	s3 =	sand.u32 $0x4000, s31;
	s1 =	sadd.s32 s1, s30  }
0xbd: {  	s0 =	sor.u32 s3, s0;
	s1 =	sshll.u32 s1, $0x11  }
0xbe: {  	s0 =	sor.u32 s1, s0  }
0xbf: {  	s0 =	sadd.s32 $0x8F2B, s0  }
0xc0: {  	[sflag:s0] =	ssyncadd.remote.s32 $0x1  }
0xc1: {  	_ =	sfence.sel $0xFFFF  }
0xc2: {  	[dreg:$0x0] =	wrdreg $0xFFFFFFFF;
	(pc) =	sbr.abs _section_cstart, $3  }
0xc3: {  	[dreg:$0x1] =	wrdreg $0xFFFFFFFF  }
0xc4: {  	_ =	task.clear_ibuf [dreg:s8], $0x2FFFF;
	_ =	strace $0x9FFFFFFF  }
0xc5: {  	(tm) =	ssettm $0x7FFFFFFF  }
tec
execute0_lowered:
.L_overlay_start_1:
0x0: {  	(tag) =	ssettag $0x1  }
0x1: {  	s1 =	rddreg [dreg:$0x0]  }
0x2: {  	s2 =	rddreg [dreg:$0x1]  }
0x3: {  	s0 =	rddreg [dreg:$0x2]  }
0x4: {  	s4 =	rddreg [dreg:$0x3];
	s5 =	simm.s32 $0x0  }
0x5: {  	s9 =	stileid.u32;
	s6 =	srdreg.scid;
	s15 =	simm.s32 $0x14C00  }
0x6: {  	s16 =	simm.s32 $0x5;
	s17 =	simm.s32 $0x13C00;
	s3 =	smul.u32 $0xA00, s9  }
0x7: {  	[smem:$0x7FF] =	sst s5;
	s8 =	sadd.s32 $0x29E00, s0;
	s29 =	smul.u32 $0x2780, s9  }
0x8: {  	s18 =	simm.s32 $0x14400;
	_ =	strace $0x80000047;
	[dreg:$0x9] =	wrdreg s8  }
0x9: {  	s3 =	sadd.s32 s3, s0;
	s0 =	sadd.s32 $0x51600, s0;
	[dreg:$0x10] =	wrdreg s29  }
0xa: {  	s28 =	simm.s32 $0x4;
	[dreg:$0xa] =	wrdreg s0;
	s25 =	sadd.s32 $0x1FE00, s3  }
0xb: {  	s7 =	smul.u32 $0x4F000, s9;
	s26 =	sadd.s32 $0xBE00, s3;
	[dreg:$0x5] =	wrdreg s25  }
0xc: {  	s6 =	sand.u32 $0x1, s6;
	s30 =	sadd.s32 $0x15E00, s3;
	[dreg:$0x6] =	wrdreg s26  }
0xd: {  	s7 =	sshrl.u32 s7, $0x2;
	s31 =	sadd.s32 $0x1E00, s3;
	[dreg:$0x7] =	wrdreg s30  }
0xe: {  	s19 =	ssub.s32 $0x2, s6;
	s20 =	sadd.s32 s7, s4;
	[dreg:$0x8] =	wrdreg s31  }
0xf: {  	p0 =	seq.s32 s6, $0x1;
	s22 =	sadd.s32 $0x4000, s20;
	[dreg:$0xb] =	wrdreg s20  }
0x10: {  	s21 =	sshrl.u32 s19, $0x1;
	s23 =	sadd.s32 $0x8000, s20;
	[dreg:$0xc] =	wrdreg s22  }
.Ltmp0:
0x11: {  	s24 =	sadd.s32 $0xC000, s20;
	[dreg:$0xd] =	wrdreg s23;
	(pc) =	sbr.rel .LBB2_1-.Ltmp0, $4  }
0x12: {  	s0 =	ssub.s32 s19, s21;
	s7 =	sadd.s32 $0x10000, s20;
	[dreg:$0xe] =	wrdreg s24  }
0x13: {  	s19 =	simm.s32 $0x80;
	s0 =	smax.u32 s0, $0x1;
	[dreg:$0xf] =	wrdreg s7  }
0x14: {  	s21 =	simm.s32 $0x18C00;
	s25 =	simm.s32 $0x3;
	[dreg:$0x11] =	wrdreg s0  }
0x15: {  	v0 =	vimm.f32 $0.0e+00;
	s22 =	simm.s32 $0x1;
	s23 =	simm.s32 $0x2;
	s0 =	simm.s32 $0x0  }
.LBB2_11:
0x16: {  	s8 =	simm.s32 @!p2 $0x3;
	[sflag:s23] =	ssyncadd.s32 $0xFFFFC000  }
0x17: {  	[spmem:s4] =	stream.indirect.scatter.add.f32 [tilespmem:s21], [sflag:$0x4], $0x80, s0, s19, $0xb8;
	[tilespmem:$0x1CC00] =	vst v63  }
0x18: {  	_ =	swait.ge @!p2 [sflag:s8], $0x4000  }
0x19: {  	[sflag:s8] =	ssyncset.done @!p2 $0x0  }
0x1a: {  	[sflag:s8] =	ssyncadd.s32 @!p2 $0xFFFFC000;
	s8 =	simm.s32 @!p2 $0x4  }
0x1b: {  	_ =	swait.ge @!p2 [sflag:s8], $0x4000  }
0x1c: {  	s13 =	rddreg [dreg:$0x8];
	[sflag:s8] =	ssyncset.done @!p2 $0x0  }
0x1d: {  	[sflag:s8] =	ssyncadd.s32 @!p2 $0xFFFFC000;
	s13 =	sadd.s32 s12, s13  }
0x1e: {  	[tilespmem:s17], [sflag:$0x5] =	stream.linear.gather [hbm4b:s13+s5], $0x800, $0x38;
	[tilespmem:$0x1CC00] =	vst v63  }
0x1f: {  	_ =	swait.ge [sflag:s16], $0x800  }
0x20: {  	s13 =	rddreg [dreg:$0x7];
	[sflag:s16] =	ssyncset.done $0x0  }
0x21: {  	s8 =	sadd.s32 s12, s13;
	[sflag:s16] =	ssyncadd.s32 $0xFFFFF800  }
0x22: {  	[tilespmem:s18], [sflag:$0x5] =	stream.linear.gather [hbm4b:s8+s5], $0x800, $0x38;
	[tilespmem:$0x1CC00] =	vst v63  }
0x23: {  	_ =	swait.ge [sflag:s16], $0x800  }
0x24: {  	[sflag:s16] =	ssyncset.done $0x0  }
0x25: {  	[sflag:s16] =	ssyncadd.s32 $0xFFFFF800  }
0x26: {  	[tilespmem:s15], [sflag:$0x1] =	stream.indirect.gather [hbm4b:s1+s19], $0x80, s17, s19, $0xb8;
	[tilespmem:$0x1CC00] =	vst v63  }
0x27: {  	_ = 	snop  }
0x28: {  	[tilespmem:s21], [sflag:$0x2] =	stream.indirect.gather [hbm4b:s1+s19], $0x80, s14, s19, $0xb8;
	[tilespmem:$0x1CC00] =	vst v63  }
0x29: {  	_ =	swait.ge [sflag:s22], $0x4000  }
0x2a: {  	[sflag:s22] =	ssyncset.done $0x0  }
0x2b: {  	[sflag:s22] =	ssyncadd.s32 $0xFFFFC000  }
0x2c: {  	[spmem:s4] =	stream.indirect.scatter.add.f32 [tilespmem:s15], [sflag:$0x3], $0x80, s18, s19, $0xb8;
	[tilespmem:$0x1CC00] =	vst v63  }
0x2d: {  	_ =	swait.ge [sflag:s23], $0x4000  }
0x2e: {  	[sflag:s23] =	ssyncset.done $0x0  }
0x2f: {  	[sflag:s23] =	ssyncadd.s32 $0xFFFFC000  }
0x30: {  	[spmem:s4] =	stream.indirect.scatter.add.f32 [tilespmem:s21], [sflag:$0x4], $0x80, s20, s19, $0xb8;
	[tilespmem:$0x1CC00] =	vst v63  }
0x31: {  	_ =	swait.ge [sflag:s25], $0x4000  }
0x32: {  	[sflag:s25] =	ssyncset.done $0x0  }
0x33: {  	[sflag:s25] =	ssyncadd.s32 $0xFFFFC000  }
0x34: {  	[tilespmem:s15], [sflag:$0x1] =	stream.indirect.gather [hbm4b:s1+s19], $0x80, s24, s19, $0xb8;
	[tilespmem:$0x1CC00] =	vst v63  }
0x35: {  	_ =	swait.ge [sflag:s28], $0x4000  }
0x36: {  	[sflag:s28] =	ssyncset.done $0x0  }
0x37: {  	[sflag:s28] =	ssyncadd.s32 $0xFFFFC000  }
0x38: {  	[tilespmem:s21], [sflag:$0x2] =	stream.indirect.gather [hbm4b:s1+s19], $0x80, s26, s19, $0xb8;
	[tilespmem:$0x1CC00] =	vst v63  }
0x39: {  	_ =	swait.ge [sflag:s22], $0x4000  }
0x3a: {  	[sflag:s22] =	ssyncset.done $0x0  }
0x3b: {  	[sflag:s22] =	ssyncadd.s32 $0xFFFFC000  }
0x3c: {  	[spmem:s4] =	stream.indirect.scatter.add.f32 [tilespmem:s15], [sflag:$0x3], $0x80, s29, s19, $0xb8;
	[tilespmem:$0x1CC00] =	vst v63  }
0x3d: {  	_ =	swait.ge [sflag:s23], $0x4000  }
0x3e: {  	[sflag:s23] =	ssyncset.done $0x0  }
0x3f: {  	[sflag:s23] =	ssyncadd.s32 $0xFFFFC000  }
0x40: {  	[spmem:s4] =	stream.indirect.scatter.add.f32 [tilespmem:s21], [sflag:$0x4], $0x80, s30, s19, $0xb8;
	[tilespmem:$0x1CC00] =	vst v63  }
0x41: {  	_ =	swait.ge [sflag:s25], $0x4000  }
0x42: {  	[sflag:s25] =	ssyncset.done $0x0  }
0x43: {  	[sflag:s25] =	ssyncadd.s32 $0xFFFFC000  }
0x44: {  	[tilespmem:s15], [sflag:$0x1] =	stream.indirect.gather [hbm4b:s1+s19], $0x80, s31, s19, $0xb8;
	[tilespmem:$0x1CC00] =	vst v63  }
0x45: {  	_ =	swait.ge [sflag:s28], $0x4000  }
0x46: {  	[sflag:s28] =	ssyncset.done $0x0  }
0x47: {  	s31 =	simm.s32 $0x13E80;
	[sflag:s28] =	ssyncadd.s32 $0xFFFFC000  }
0x48: {  	[tilespmem:s21], [sflag:$0x2] =	stream.indirect.gather [hbm4b:s1+s19], $0x80, s31, s19, $0xb8;
	[tilespmem:$0x1CC00] =	vst v63  }
0x49: {  	_ =	swait.ge [sflag:s22], $0x4000  }
0x4a: {  	[sflag:s22] =	ssyncset.done $0x0  }
0x4b: {  	[sflag:s22] =	ssyncadd.s32 $0xFFFFC000  }
0x4c: {  	[spmem:s4] =	stream.indirect.scatter.add.f32 [tilespmem:s15], [sflag:$0x3], $0x80, s6, s19, $0xb8;
	[tilespmem:$0x1CC00] =	vst v63  }
0x4d: {  	_ =	swait.ge [sflag:s23], $0x4000  }
0x4e: {  	[sflag:s23] =	ssyncset.done $0x0  }
0x4f: {  	[sflag:s23] =	ssyncadd.s32 $0xFFFFC000  }
0x50: {  	[spmem:s4] =	stream.indirect.scatter.add.f32 [tilespmem:s21], [sflag:$0x4], $0x80, s7, s19, $0xb8;
	[tilespmem:$0x1CC00] =	vst v63  }
0x51: {  	_ =	swait.ge [sflag:s25], $0x4000  }
0x52: {  	[sflag:s25] =	ssyncset.done $0x0  }
0x53: {  	[sflag:s25] =	ssyncadd.s32 $0xFFFFC000  }
0x54: {  	[tilespmem:s15], [sflag:$0x1] =	stream.indirect.gather [hbm4b:s1+s19], $0x80, s3, s19, $0xb8;
	[tilespmem:$0x1CC00] =	vst v63  }
0x55: {  	_ =	swait.ge [sflag:s28], $0x4000  }
0x56: {  	[sflag:s28] =	ssyncset.done $0x0  }
0x57: {  	[sflag:s28] =	ssyncadd.s32 $0xFFFFC000  }
0x58: {  	[tilespmem:s21], [sflag:$0x2] =	stream.indirect.gather [hbm4b:s1+s19], $0x80, s9, s19, $0xb8;
	[tilespmem:$0x1CC00] =	vst v63  }
0x59: {  	_ =	swait.ge [sflag:s22], $0x4000  }
0x5a: {  	[sflag:s22] =	ssyncset.done $0x0  }
0x5b: {  	[sflag:s22] =	ssyncadd.s32 $0xFFFFC000  }
0x5c: {  	[spmem:s4] =	stream.indirect.scatter.add.f32 [tilespmem:s15], [sflag:$0x3], $0x80, s10, s19, $0xb8;
	[tilespmem:$0x1CC00] =	vst v63  }
0x5d: {  	_ =	swait.ge [sflag:s23], $0x4000  }
0x5e: {  	[sflag:s23] =	ssyncset.done $0x0  }
0x5f: {  	[sflag:s23] =	ssyncadd.s32 $0xFFFFC000  }
0x60: {  	[spmem:s4] =	stream.indirect.scatter.add.f32 [tilespmem:s21], [sflag:$0x4], $0x80, s11, s19, $0xb8;
	[tilespmem:$0x1CC00] =	vst v63  }
0x61: {  	_ =	swait.ge [sflag:s25], $0x4000  }
0x62: {  	[sflag:s25] =	ssyncset.done $0x0  }
0x63: {  	s6 =	simm.s32 $0x14000;
	[sflag:s25] =	ssyncadd.s32 $0xFFFFC000  }
0x64: {  	[tilespmem:s15], [sflag:$0x1] =	stream.indirect.gather [hbm4b:s1+s19], $0x80, s6, s19, $0xb8;
	[tilespmem:$0x1CC00] =	vst v63  }
0x65: {  	_ =	swait.ge [sflag:s28], $0x4000  }
0x66: {  	[sflag:s28] =	ssyncset.done $0x0  }
0x67: {  	s7 =	simm.s32 $0x14080;
	[sflag:s28] =	ssyncadd.s32 $0xFFFFC000  }
0x68: {  	[tilespmem:s21], [sflag:$0x2] =	stream.indirect.gather [hbm4b:s1+s19], $0x80, s7, s19, $0xb8;
	[tilespmem:$0x1CC00] =	vst v63  }
0x69: {  	_ =	swait.ge [sflag:s22], $0x4000  }
0x6a: {  	[sflag:s22] =	ssyncset.done $0x0  }
0x6b: {  	s8 =	simm.s32 $0x14800;
	[sflag:s22] =	ssyncadd.s32 $0xFFFFC000  }
0x6c: {  	[spmem:s4] =	stream.indirect.scatter.add.f32 [tilespmem:s15], [sflag:$0x3], $0x80, s8, s19, $0xb8;
	[tilespmem:$0x1CC00] =	vst v63  }
0x6d: {  	_ =	swait.ge [sflag:s23], $0x4000  }
0x6e: {  	[sflag:s23] =	ssyncset.done $0x0  }
0x6f: {  	s9 =	simm.s32 $0x14880;
	[sflag:s23] =	ssyncadd.s32 $0xFFFFC000  }
0x70: {  	[spmem:s4] =	stream.indirect.scatter.add.f32 [tilespmem:s21], [sflag:$0x4], $0x80, s9, s19, $0xb8;
	[tilespmem:$0x1CC00] =	vst v63  }
0x71: {  	_ =	swait.ge [sflag:s25], $0x4000  }
0x72: {  	[sflag:s25] =	ssyncset.done $0x0  }
0x73: {  	s10 =	simm.s32 $0x14100;
	[sflag:s25] =	ssyncadd.s32 $0xFFFFC000  }
0x74: {  	[tilespmem:s15], [sflag:$0x1] =	stream.indirect.gather [hbm4b:s1+s19], $0x80, s10, s19, $0xb8;
	[tilespmem:$0x1CC00] =	vst v63  }
0x75: {  	_ =	swait.ge [sflag:s28], $0x4000  }
0x76: {  	[sflag:s28] =	ssyncset.done $0x0  }
0x77: {  	s11 =	simm.s32 $0x14180;
	[sflag:s28] =	ssyncadd.s32 $0xFFFFC000  }
0x78: {  	[tilespmem:s21], [sflag:$0x2] =	stream.indirect.gather [hbm4b:s1+s19], $0x80, s11, s19, $0xb8;
	[tilespmem:$0x1CC00] =	vst v63  }
0x79: {  	_ =	swait.ge [sflag:s22], $0x4000  }
0x7a: {  	[sflag:s22] =	ssyncset.done $0x0  }
0x7b: {  	s12 =	simm.s32 $0x14900;
	[sflag:s22] =	ssyncadd.s32 $0xFFFFC000  }
0x7c: {  	[spmem:s4] =	stream.indirect.scatter.add.f32 [tilespmem:s15], [sflag:$0x3], $0x80, s12, s19, $0xb8;
	[tilespmem:$0x1CC00] =	vst v63  }
0x7d: {  	_ =	swait.ge [sflag:s23], $0x4000  }
0x7e: {  	[sflag:s23] =	ssyncset.done $0x0  }
0x7f: {  	s13 =	simm.s32 $0x14980;
	[sflag:s23] =	ssyncadd.s32 $0xFFFFC000  }
0x80: {  	[spmem:s4] =	stream.indirect.scatter.add.f32 [tilespmem:s21], [sflag:$0x4], $0x80, s13, s19, $0xb8;
	[tilespmem:$0x1CC00] =	vst v63  }
0x81: {  	_ =	swait.ge [sflag:s25], $0x4000  }
0x82: {  	[sflag:s25] =	ssyncset.done $0x0  }
0x83: {  	s14 =	simm.s32 $0x14200;
	[sflag:s25] =	ssyncadd.s32 $0xFFFFC000  }
0x84: {  	[tilespmem:s15], [sflag:$0x1] =	stream.indirect.gather [hbm4b:s1+s19], $0x80, s14, s19, $0xb8;
	[tilespmem:$0x1CC00] =	vst v63  }
0x85: {  	_ =	swait.ge [sflag:s28], $0x4000  }
0x86: {  	[sflag:s28] =	ssyncset.done $0x0  }
0x87: {  	s20 =	simm.s32 $0x14280;
	[sflag:s28] =	ssyncadd.s32 $0xFFFFC000  }
0x88: {  	[tilespmem:s21], [sflag:$0x2] =	stream.indirect.gather [hbm4b:s1+s19], $0x80, s20, s19, $0xb8;
	[tilespmem:$0x1CC00] =	vst v63  }
0x89: {  	_ =	swait.ge [sflag:s22], $0x4000  }
0x8a: {  	[sflag:s22] =	ssyncset.done $0x0  }
0x8b: {  	s24 =	simm.s32 $0x14A00;
	[sflag:s22] =	ssyncadd.s32 $0xFFFFC000  }
0x8c: {  	[spmem:s4] =	stream.indirect.scatter.add.f32 [tilespmem:s15], [sflag:$0x3], $0x80, s24, s19, $0xb8;
	[tilespmem:$0x1CC00] =	vst v63  }
0x8d: {  	_ =	swait.ge [sflag:s23], $0x4000  }
0x8e: {  	[sflag:s23] =	ssyncset.done $0x0  }
0x8f: {  	s26 =	simm.s32 $0x14A80;
	[sflag:s23] =	ssyncadd.s32 $0xFFFFC000  }
0x90: {  	[spmem:s4] =	stream.indirect.scatter.add.f32 [tilespmem:s21], [sflag:$0x4], $0x80, s26, s19, $0xb8;
	[tilespmem:$0x1CC00] =	vst v63  }
0x91: {  	_ =	swait.ge [sflag:s25], $0x4000  }
0x92: {  	[sflag:s25] =	ssyncset.done $0x0  }
0x93: {  	s29 =	simm.s32 $0x14300;
	[sflag:s25] =	ssyncadd.s32 $0xFFFFC000  }
0x94: {  	[tilespmem:s15], [sflag:$0x1] =	stream.indirect.gather [hbm4b:s1+s19], $0x80, s29, s19, $0xb8;
	[tilespmem:$0x1CC00] =	vst v63  }
0x95: {  	_ =	swait.ge [sflag:s28], $0x4000  }
0x96: {  	[sflag:s28] =	ssyncset.done $0x0  }
0x97: {  	s30 =	simm.s32 $0x14380;
	[sflag:s28] =	ssyncadd.s32 $0xFFFFC000  }
0x98: {  	[tilespmem:s21], [sflag:$0x2] =	stream.indirect.gather [hbm4b:s1+s19], $0x80, s30, s19, $0xb8;
	[tilespmem:$0x1CC00] =	vst v63  }
0x99: {  	_ =	swait.ge [sflag:s22], $0x4000  }
0x9a: {  	[sflag:s22] =	ssyncset.done $0x0  }
0x9b: {  	s31 =	simm.s32 $0x14B00;
	[sflag:s22] =	ssyncadd.s32 $0xFFFFC000  }
0x9c: {  	[spmem:s4] =	stream.indirect.scatter.add.f32 [tilespmem:s15], [sflag:$0x3], $0x80, s31, s19, $0xb8;
	[tilespmem:$0x1CC00] =	vst v63  }
0x9d: {  	_ =	swait.ge [sflag:s23], $0x4000  }
0x9e: {  	[sflag:s23] =	ssyncset.done $0x0  }
0x9f: {  	s12 =	rddreg [dreg:$0xa];
	[sflag:s23] =	ssyncadd.s32 $0xFFFFC000  }
0xa0: {  	[spmem:s4] =	stream.indirect.scatter.add.f32 [tilespmem:s21], [sflag:$0x4], $0x80, s0, s19, $0xb8;
	[tilespmem:$0x1CC00] =	vst v63  }
0xa1: {  	s0 =	rddreg [dreg:$0x12]  }
.LBB2_12:
0xa2: {  	_ =	swait.ge [sflag:s25], $0x4000  }
0xa3: {  	[sflag:s25] =	ssyncset.done $0x0  }
0xa4: {  	[sflag:s25] =	ssyncadd.s32 $0xFFFFC000  }
0xa5: {  	_ =	swait.ge [sflag:s28], $0x4000  }
0xa6: {  	[sflag:s28] =	ssyncset.done $0x0  }
0xa7: {  	[sflag:s28] =	ssyncadd.s32 $0xFFFFC000  }
0xa8: {  	s30 =	stileid.u32;
	s8 =	rddreg [dreg:$0x10];
	[bflag:$0x0] =	sbarrier.arrive $0xFFFF  }
0xa9: {  	s8 =	sadd.s32 s12, s8;
	s12 =	sshll.u32 s30, $0x6;
	s20 =	rddreg [dreg:$0xb]  }
0xaa: {  	s12 =	sor.u32 $0x1C05, s12;
	s13 =	sshrl.u32 s20, $0x3  }
0xab: {  	[hbm:s8], [sflag:s12] =	dma.local [spmem:s13], $0x2780  }
0xac: {  	_ =	swait.ge [sflag:s16], $0x2780  }
0xad: {  	s0 =	sadd.s32 $0x1, s0;
	s31 =	rddreg [dreg:$0x11]  }
0xae: {  	p1 =	sne.s32 s0, s31  }
.Ltmp1:
0xaf: {  	_ = 	snop;
	(pc) =	sbr.rel @!p1 .LBB2_13-.Ltmp1, $3  }
0xb0: {  	_ =	sdelay $0x1  }
0xb1: {  	[sflag:s16] =	ssyncset.done $0x0  }
0xb2: {  	[sflag:s16] =	ssyncadd.s32 $0xFFFFD880  }
.LBB2_1:
.Ltmp2:
0xb3: {  	(pc) =	sbr.rel @!p0 .LBB2_2-.Ltmp2, $2  }
0xb4: {  	_ =	sdelay $0x2  }
0xb5: {  	[dreg:$0x12] =	wrdreg s0  }
0xb6: {  	s8 =	sand.u32 $0xFE00, s5  }
0xb7: {  	s13 =	sand.u32 $0x70, s5;
	s8 =	sshrl.u32 s8, $0x2  }
0xb8: {  	s12 =	simm.s32 $0x40;
	s14 =	sor.u32 s13, s8;
	s13 =	simm.s32 $0x0  }
.LBB2_8:
0xb9: {  	p1 =	sne.s32 s12, $0xFFC0  }
0xba: {  	[tilespmem:s14+$0x14C00] =	vst v0;
	s13 =	sadd.s32 $0x10, s13;
	s8 =	smov.u32 s12;
	s12 =	sadd.s32 $0x40, s12  }
.Ltmp3:
0xbb: {  	(pc) =	sbr.rel @p1 .LBB2_8-.Ltmp3, $4  }
0xbc: {  	_ = 	snop  }
0xbd: {  	s8 =	sand.u32 $0xFE00, s8  }
0xbe: {  	s14 =	sand.u32 $0x70, s13;
	s8 =	sshrl.u32 s8, $0x2  }
0xbf: {  	s14 =	sor.u32 s14, s8  }
0xc0: {  	[tilespmem:s14+$0x14C00] =	vst v0  }
0xc1: {  	[spmem:s20] =	stream.linear.scatter [tilespmem:s15], [sflag:$0x5], $0x4000, $0x38;
	[tilespmem:$0x1CC00] =	vst v63  }
0xc2: {  	_ =	swait.ge [sflag:s16], $0x4000  }
0xc3: {  	[sflag:s16] =	ssyncset.done $0x0  }
0xc4: {  	s8 =	rddreg [dreg:$0xc];
	[sflag:s16] =	ssyncadd.s32 $0xFFFFC000  }
0xc5: {  	[spmem:s8] =	stream.linear.scatter [tilespmem:s15], [sflag:$0x5], $0x4000, $0x38;
	[tilespmem:$0x1CC00] =	vst v63  }
0xc6: {  	_ =	swait.ge [sflag:s16], $0x4000  }
0xc7: {  	[sflag:s16] =	ssyncset.done $0x0  }
0xc8: {  	s20 =	rddreg [dreg:$0xd];
	[sflag:s16] =	ssyncadd.s32 $0xFFFFC000  }
0xc9: {  	[spmem:s20] =	stream.linear.scatter [tilespmem:s15], [sflag:$0x5], $0x4000, $0x38;
	[tilespmem:$0x1CC00] =	vst v63  }
0xca: {  	_ =	swait.ge [sflag:s16], $0x4000  }
0xcb: {  	[sflag:s16] =	ssyncset.done $0x0  }
0xcc: {  	s24 =	rddreg [dreg:$0xe];
	[sflag:s16] =	ssyncadd.s32 $0xFFFFC000  }
0xcd: {  	[spmem:s24] =	stream.linear.scatter [tilespmem:s15], [sflag:$0x5], $0x4000, $0x38;
	[tilespmem:$0x1CC00] =	vst v63  }
0xce: {  	_ =	swait.ge [sflag:s16], $0x4000  }
0xcf: {  	[sflag:s16] =	ssyncset.done $0x0  }
0xd0: {  	s26 =	rddreg [dreg:$0xf];
	[sflag:s16] =	ssyncadd.s32 $0xFFFFC000  }
0xd1: {  	[spmem:s26] =	stream.linear.scatter [tilespmem:s15], [sflag:$0x5], $0x3C00, $0x38;
	[tilespmem:$0x1CC00] =	vst v63  }
0xd2: {  	_ =	swait.ge [sflag:s16], $0x3C00  }
0xd3: {  	[sflag:s16] =	ssyncset.done $0x0  }
0xd4: {  	p1 =	por $0x1, $0x1;
	[sflag:s16] =	ssyncadd.s32 $0xFFFFC400  }
0xd5: {  	s8 =	simm.s32 @!p1 $0x3;
	[bflag:$0x0] =	sbarrier.arrive $0xFFFF  }
0xd6: {  	_ =	swait.ge @!p1 [sflag:s8], $0x4000  }
0xd7: {  	[sflag:s8] =	ssyncset.done @!p1 $0x0  }
0xd8: {  	[sflag:s8] =	ssyncadd.s32 @!p1 $0xFFFFC000;
	s8 =	simm.s32 @!p1 $0x4  }
0xd9: {  	_ =	swait.ge @!p1 [sflag:s8], $0x4000  }
0xda: {  	s12 =	rddreg [dreg:$0x8];
	[sflag:s8] =	ssyncset.done @!p1 $0x0  }
0xdb: {  	[sflag:s8] =	ssyncadd.s32 @!p1 $0xFFFFC000;
	s0 =	sadd.s32 $0x0, s12  }
0xdc: {  	[tilespmem:s17], [sflag:$0x5] =	stream.linear.gather [hbm4b:s0+s5], $0x800, $0x38;
	[tilespmem:$0x1CC00] =	vst v63  }
0xdd: {  	_ =	swait.ge [sflag:s16], $0x800  }
0xde: {  	s3 =	rddreg [dreg:$0x7];
	[sflag:s16] =	ssyncset.done $0x0  }
0xdf: {  	[sflag:s16] =	ssyncadd.s32 $0xFFFFF800;
	s8 =	sadd.s32 $0x0, s3  }
0xe0: {  	[tilespmem:s18], [sflag:$0x5] =	stream.linear.gather [hbm4b:s8+s5], $0x800, $0x38;
	[tilespmem:$0x1CC00] =	vst v63  }
0xe1: {  	_ =	swait.ge [sflag:s16], $0x800  }
0xe2: {  	[sflag:s16] =	ssyncset.done $0x0  }
0xe3: {  	[sflag:s16] =	ssyncadd.s32 $0xFFFFF800  }
0xe4: {  	[tilespmem:s15], [sflag:$0x1] =	stream.indirect.gather [hbm4b:s1+s19], $0x80, s17, s19, $0xb8;
	[tilespmem:$0x1CC00] =	vst v63  }
0xe5: {  	s6 =	simm.s32 $0x13C80  }
0xe6: {  	[tilespmem:s21], [sflag:$0x2] =	stream.indirect.gather [hbm4b:s1+s19], $0x80, s6, s19, $0xb8;
	[tilespmem:$0x1CC00] =	vst v63  }
0xe7: {  	_ =	swait.ge [sflag:s22], $0x4000  }
0xe8: {  	[sflag:s22] =	ssyncset.done $0x0  }
0xe9: {  	[sflag:s22] =	ssyncadd.s32 $0xFFFFC000  }
0xea: {  	[spmem:s4] =	stream.indirect.scatter.add.f32 [tilespmem:s15], [sflag:$0x3], $0x80, s18, s19, $0xb8;
	[tilespmem:$0x1CC00] =	vst v63  }
0xeb: {  	_ =	swait.ge [sflag:s23], $0x4000  }
0xec: {  	[sflag:s23] =	ssyncset.done $0x0  }
0xed: {  	s7 =	simm.s32 $0x14480;
	[sflag:s23] =	ssyncadd.s32 $0xFFFFC000  }
0xee: {  	[spmem:s4] =	stream.indirect.scatter.add.f32 [tilespmem:s21], [sflag:$0x4], $0x80, s7, s19, $0xb8;
	[tilespmem:$0x1CC00] =	vst v63  }
0xef: {  	_ =	swait.ge [sflag:s25], $0x4000  }
0xf0: {  	[sflag:s25] =	ssyncset.done $0x0  }
0xf1: {  	s24 =	simm.s32 $0x13D00;
	[sflag:s25] =	ssyncadd.s32 $0xFFFFC000  }
0xf2: {  	[tilespmem:s15], [sflag:$0x1] =	stream.indirect.gather [hbm4b:s1+s19], $0x80, s24, s19, $0xb8;
	[tilespmem:$0x1CC00] =	vst v63  }
0xf3: {  	_ =	swait.ge [sflag:s28], $0x4000  }
0xf4: {  	[sflag:s28] =	ssyncset.done $0x0  }
0xf5: {  	s26 =	simm.s32 $0x13D80;
	[sflag:s28] =	ssyncadd.s32 $0xFFFFC000  }
0xf6: {  	[tilespmem:s21], [sflag:$0x2] =	stream.indirect.gather [hbm4b:s1+s19], $0x80, s26, s19, $0xb8;
	[tilespmem:$0x1CC00] =	vst v63  }
0xf7: {  	_ =	swait.ge [sflag:s22], $0x4000  }
0xf8: {  	[sflag:s22] =	ssyncset.done $0x0  }
0xf9: {  	s29 =	simm.s32 $0x14500;
	[sflag:s22] =	ssyncadd.s32 $0xFFFFC000  }
0xfa: {  	[spmem:s4] =	stream.indirect.scatter.add.f32 [tilespmem:s15], [sflag:$0x3], $0x80, s29, s19, $0xb8;
	[tilespmem:$0x1CC00] =	vst v63  }
0xfb: {  	_ =	swait.ge [sflag:s23], $0x4000  }
0xfc: {  	[sflag:s23] =	ssyncset.done $0x0  }
0xfd: {  	s30 =	simm.s32 $0x14580;
	[sflag:s23] =	ssyncadd.s32 $0xFFFFC000  }
0xfe: {  	[spmem:s4] =	stream.indirect.scatter.add.f32 [tilespmem:s21], [sflag:$0x4], $0x80, s30, s19, $0xb8;
	[tilespmem:$0x1CC00] =	vst v63  }
0xff: {  	_ =	swait.ge [sflag:s25], $0x4000  }
0x100: {  	[sflag:s25] =	ssyncset.done $0x0  }
0x101: {  	s31 =	simm.s32 $0x13E00;
	[sflag:s25] =	ssyncadd.s32 $0xFFFFC000  }
0x102: {  	[tilespmem:s15], [sflag:$0x1] =	stream.indirect.gather [hbm4b:s1+s19], $0x80, s31, s19, $0xb8;
	[tilespmem:$0x1CC00] =	vst v63  }
0x103: {  	_ =	swait.ge [sflag:s28], $0x4000  }
0x104: {  	[sflag:s28] =	ssyncset.done $0x0  }
0x105: {  	s0 =	simm.s32 $0x13E80;
	[sflag:s28] =	ssyncadd.s32 $0xFFFFC000  }
0x106: {  	[tilespmem:s21], [sflag:$0x2] =	stream.indirect.gather [hbm4b:s1+s19], $0x80, s0, s19, $0xb8;
	[tilespmem:$0x1CC00] =	vst v63  }
0x107: {  	_ =	swait.ge [sflag:s22], $0x4000  }
0x108: {  	[sflag:s22] =	ssyncset.done $0x0  }
0x109: {  	s6 =	simm.s32 $0x14600;
	[sflag:s22] =	ssyncadd.s32 $0xFFFFC000  }
0x10a: {  	[spmem:s4] =	stream.indirect.scatter.add.f32 [tilespmem:s15], [sflag:$0x3], $0x80, s6, s19, $0xb8;
	[tilespmem:$0x1CC00] =	vst v63  }
0x10b: {  	_ =	swait.ge [sflag:s23], $0x4000  }
0x10c: {  	[sflag:s23] =	ssyncset.done $0x0  }
0x10d: {  	s7 =	simm.s32 $0x14680;
	[sflag:s23] =	ssyncadd.s32 $0xFFFFC000  }
0x10e: {  	[spmem:s4] =	stream.indirect.scatter.add.f32 [tilespmem:s21], [sflag:$0x4], $0x80, s7, s19, $0xb8;
	[tilespmem:$0x1CC00] =	vst v63  }
0x10f: {  	_ =	swait.ge [sflag:s25], $0x4000  }
0x110: {  	[sflag:s25] =	ssyncset.done $0x0  }
0x111: {  	s3 =	simm.s32 $0x13F00;
	[sflag:s25] =	ssyncadd.s32 $0xFFFFC000  }
0x112: {  	[tilespmem:s15], [sflag:$0x1] =	stream.indirect.gather [hbm4b:s1+s19], $0x80, s3, s19, $0xb8;
	[tilespmem:$0x1CC00] =	vst v63  }
0x113: {  	_ =	swait.ge [sflag:s28], $0x4000  }
0x114: {  	[sflag:s28] =	ssyncset.done $0x0  }
0x115: {  	s9 =	simm.s32 $0x13F80;
	[sflag:s28] =	ssyncadd.s32 $0xFFFFC000  }
0x116: {  	[tilespmem:s21], [sflag:$0x2] =	stream.indirect.gather [hbm4b:s1+s19], $0x80, s9, s19, $0xb8;
	[tilespmem:$0x1CC00] =	vst v63  }
0x117: {  	_ =	swait.ge [sflag:s22], $0x4000  }
0x118: {  	[sflag:s22] =	ssyncset.done $0x0  }
0x119: {  	s10 =	simm.s32 $0x14700;
	[sflag:s22] =	ssyncadd.s32 $0xFFFFC000  }
0x11a: {  	[spmem:s4] =	stream.indirect.scatter.add.f32 [tilespmem:s15], [sflag:$0x3], $0x80, s10, s19, $0xb8;
	[tilespmem:$0x1CC00] =	vst v63  }
0x11b: {  	_ =	swait.ge [sflag:s23], $0x4000  }
0x11c: {  	[sflag:s23] =	ssyncset.done $0x0  }
0x11d: {  	s11 =	simm.s32 $0x14780;
	[sflag:s23] =	ssyncadd.s32 $0xFFFFC000  }
0x11e: {  	[spmem:s4] =	stream.indirect.scatter.add.f32 [tilespmem:s21], [sflag:$0x4], $0x80, s11, s19, $0xb8;
	[tilespmem:$0x1CC00] =	vst v63  }
0x11f: {  	_ =	swait.ge [sflag:s25], $0x4000  }
0x120: {  	[sflag:s25] =	ssyncset.done $0x0  }
0x121: {  	s8 =	simm.s32 $0x14000;
	[sflag:s25] =	ssyncadd.s32 $0xFFFFC000  }
0x122: {  	[tilespmem:s15], [sflag:$0x1] =	stream.indirect.gather [hbm4b:s1+s19], $0x80, s8, s19, $0xb8;
	[tilespmem:$0x1CC00] =	vst v63  }
0x123: {  	_ =	swait.ge [sflag:s28], $0x4000  }
0x124: {  	[sflag:s28] =	ssyncset.done $0x0  }
0x125: {  	s12 =	simm.s32 $0x14080;
	[sflag:s28] =	ssyncadd.s32 $0xFFFFC000  }
0x126: {  	[tilespmem:s21], [sflag:$0x2] =	stream.indirect.gather [hbm4b:s1+s19], $0x80, s12, s19, $0xb8;
	[tilespmem:$0x1CC00] =	vst v63  }
0x127: {  	_ =	swait.ge [sflag:s22], $0x4000  }
0x128: {  	[sflag:s22] =	ssyncset.done $0x0  }
0x129: {  	s13 =	simm.s32 $0x14800;
	[sflag:s22] =	ssyncadd.s32 $0xFFFFC000  }
0x12a: {  	[spmem:s4] =	stream.indirect.scatter.add.f32 [tilespmem:s15], [sflag:$0x3], $0x80, s13, s19, $0xb8;
	[tilespmem:$0x1CC00] =	vst v63  }
0x12b: {  	_ =	swait.ge [sflag:s23], $0x4000  }
0x12c: {  	[sflag:s23] =	ssyncset.done $0x0  }
0x12d: {  	s14 =	simm.s32 $0x14880;
	[sflag:s23] =	ssyncadd.s32 $0xFFFFC000  }
0x12e: {  	[spmem:s4] =	stream.indirect.scatter.add.f32 [tilespmem:s21], [sflag:$0x4], $0x80, s14, s19, $0xb8;
	[tilespmem:$0x1CC00] =	vst v63  }
0x12f: {  	_ =	swait.ge [sflag:s25], $0x4000  }
0x130: {  	[sflag:s25] =	ssyncset.done $0x0  }
0x131: {  	s20 =	simm.s32 $0x14100;
	[sflag:s25] =	ssyncadd.s32 $0xFFFFC000  }
0x132: {  	[tilespmem:s15], [sflag:$0x1] =	stream.indirect.gather [hbm4b:s1+s19], $0x80, s20, s19, $0xb8;
	[tilespmem:$0x1CC00] =	vst v63  }
0x133: {  	_ =	swait.ge [sflag:s28], $0x4000  }
0x134: {  	[sflag:s28] =	ssyncset.done $0x0  }
0x135: {  	s8 =	simm.s32 $0x14180;
	[sflag:s28] =	ssyncadd.s32 $0xFFFFC000  }
0x136: {  	[tilespmem:s21], [sflag:$0x2] =	stream.indirect.gather [hbm4b:s1+s19], $0x80, s8, s19, $0xb8;
	[tilespmem:$0x1CC00] =	vst v63  }
0x137: {  	_ =	swait.ge [sflag:s22], $0x4000  }
0x138: {  	[sflag:s22] =	ssyncset.done $0x0  }
0x139: {  	s12 =	simm.s32 $0x14900;
	[sflag:s22] =	ssyncadd.s32 $0xFFFFC000  }
0x13a: {  	[spmem:s4] =	stream.indirect.scatter.add.f32 [tilespmem:s15], [sflag:$0x3], $0x80, s12, s19, $0xb8;
	[tilespmem:$0x1CC00] =	vst v63  }
0x13b: {  	_ =	swait.ge [sflag:s23], $0x4000  }
0x13c: {  	[sflag:s23] =	ssyncset.done $0x0  }
0x13d: {  	s13 =	simm.s32 $0x14980;
	[sflag:s23] =	ssyncadd.s32 $0xFFFFC000  }
0x13e: {  	[spmem:s4] =	stream.indirect.scatter.add.f32 [tilespmem:s21], [sflag:$0x4], $0x80, s13, s19, $0xb8;
	[tilespmem:$0x1CC00] =	vst v63  }
0x13f: {  	_ =	swait.ge [sflag:s25], $0x4000  }
0x140: {  	[sflag:s25] =	ssyncset.done $0x0  }
0x141: {  	s14 =	simm.s32 $0x14200;
	[sflag:s25] =	ssyncadd.s32 $0xFFFFC000  }
0x142: {  	[tilespmem:s15], [sflag:$0x1] =	stream.indirect.gather [hbm4b:s1+s19], $0x80, s14, s19, $0xb8;
	[tilespmem:$0x1CC00] =	vst v63  }
0x143: {  	_ =	swait.ge [sflag:s28], $0x4000  }
0x144: {  	[sflag:s28] =	ssyncset.done $0x0  }
0x145: {  	s20 =	simm.s32 $0x14280;
	[sflag:s28] =	ssyncadd.s32 $0xFFFFC000  }
0x146: {  	[tilespmem:s21], [sflag:$0x2] =	stream.indirect.gather [hbm4b:s1+s19], $0x80, s20, s19, $0xb8;
	[tilespmem:$0x1CC00] =	vst v63  }
0x147: {  	_ =	swait.ge [sflag:s22], $0x4000  }
0x148: {  	[sflag:s22] =	ssyncset.done $0x0  }
0x149: {  	s8 =	simm.s32 $0x14A00;
	[sflag:s22] =	ssyncadd.s32 $0xFFFFC000  }
0x14a: {  	[spmem:s4] =	stream.indirect.scatter.add.f32 [tilespmem:s15], [sflag:$0x3], $0x80, s8, s19, $0xb8;
	[tilespmem:$0x1CC00] =	vst v63  }
0x14b: {  	_ =	swait.ge [sflag:s23], $0x4000  }
0x14c: {  	[sflag:s23] =	ssyncset.done $0x0  }
0x14d: {  	s12 =	simm.s32 $0x14A80;
	[sflag:s23] =	ssyncadd.s32 $0xFFFFC000  }
0x14e: {  	[spmem:s4] =	stream.indirect.scatter.add.f32 [tilespmem:s21], [sflag:$0x4], $0x80, s12, s19, $0xb8;
	[tilespmem:$0x1CC00] =	vst v63  }
0x14f: {  	_ =	swait.ge [sflag:s25], $0x4000  }
0x150: {  	[sflag:s25] =	ssyncset.done $0x0  }
0x151: {  	s13 =	simm.s32 $0x14300;
	[sflag:s25] =	ssyncadd.s32 $0xFFFFC000  }
0x152: {  	[tilespmem:s15], [sflag:$0x1] =	stream.indirect.gather [hbm4b:s1+s19], $0x80, s13, s19, $0xb8;
	[tilespmem:$0x1CC00] =	vst v63  }
0x153: {  	_ =	swait.ge [sflag:s28], $0x4000  }
0x154: {  	[sflag:s28] =	ssyncset.done $0x0  }
0x155: {  	s14 =	simm.s32 $0x14380;
	[sflag:s28] =	ssyncadd.s32 $0xFFFFC000  }
0x156: {  	[tilespmem:s21], [sflag:$0x2] =	stream.indirect.gather [hbm4b:s1+s19], $0x80, s14, s19, $0xb8;
	[tilespmem:$0x1CC00] =	vst v63  }
0x157: {  	_ =	swait.ge [sflag:s22], $0x4000  }
0x158: {  	[sflag:s22] =	ssyncset.done $0x0  }
0x159: {  	s20 =	simm.s32 $0x14B00;
	[sflag:s22] =	ssyncadd.s32 $0xFFFFC000  }
0x15a: {  	[spmem:s4] =	stream.indirect.scatter.add.f32 [tilespmem:s15], [sflag:$0x3], $0x80, s20, s19, $0xb8;
	[tilespmem:$0x1CC00] =	vst v63  }
0x15b: {  	p2 =	por $0x0, $0x0;
	s0 =	simm.s32 $0x14B80;
	_ =	swait.ge [sflag:s23], $0x4000  }
0x15c: {  	s12 =	simm.s32 $0x100;
	s13 =	simm.s32 $0x200;
	[sflag:s23] =	ssyncset.done $0x0  }
.LBB2_10:
0x15d: {  	s8 =	simm.s32 @!p2 $0x3;
	[sflag:s23] =	ssyncadd.s32 $0xFFFFC000  }
0x15e: {  	[spmem:s4] =	stream.indirect.scatter.add.f32 [tilespmem:s21], [sflag:$0x4], $0x80, s0, s19, $0xb8;
	[tilespmem:$0x1CC00] =	vst v63  }
0x15f: {  	_ =	swait.ge @!p2 [sflag:s8], $0x4000  }
0x160: {  	[sflag:s8] =	ssyncset.done @!p2 $0x0  }
0x161: {  	[sflag:s8] =	ssyncadd.s32 @!p2 $0xFFFFC000;
	s8 =	simm.s32 @!p2 $0x4  }
0x162: {  	_ =	swait.ge @!p2 [sflag:s8], $0x4000  }
0x163: {  	[sflag:s8] =	ssyncset.done @!p2 $0x0;
	s20 =	rddreg [dreg:$0x8]  }
0x164: {  	[sflag:s8] =	ssyncadd.s32 @!p2 $0xFFFFC000;
	s8 =	sadd.s32 s12, s20  }
0x165: {  	[tilespmem:s17], [sflag:$0x5] =	stream.linear.gather [hbm4b:s8+s5], $0x800, $0x38;
	[tilespmem:$0x1CC00] =	vst v63  }
0x166: {  	_ =	swait.ge [sflag:s16], $0x800  }
0x167: {  	s8 =	rddreg [dreg:$0x7];
	[sflag:s16] =	ssyncset.done $0x0  }
0x168: {  	[sflag:s16] =	ssyncadd.s32 $0xFFFFF800;
	s8 =	sadd.s32 s12, s8  }
0x169: {  	[tilespmem:s18], [sflag:$0x5] =	stream.linear.gather [hbm4b:s8+s5], $0x800, $0x38;
	[tilespmem:$0x1CC00] =	vst v63  }
0x16a: {  	_ =	swait.ge [sflag:s16], $0x800  }
0x16b: {  	[sflag:s16] =	ssyncset.done $0x0  }
0x16c: {  	s14 =	smov.u32 s13;
	[sflag:s16] =	ssyncadd.s32 $0xFFFFF800  }
0x16d: {  	[tilespmem:s15], [sflag:$0x1] =	stream.indirect.gather [hbm4b:s1+s19], $0x80, s17, s19, $0xb8;
	[tilespmem:$0x1CC00] =	vst v63  }
0x16e: {  	s12 =	smov.u32 s14;
	s14 =	simm.s32 $0x13C80  }
0x16f: {  	[tilespmem:s21], [sflag:$0x2] =	stream.indirect.gather [hbm4b:s1+s19], $0x80, s14, s19, $0xb8;
	[tilespmem:$0x1CC00] =	vst v63  }
0x170: {  	_ =	swait.ge [sflag:s22], $0x4000  }
0x171: {  	[sflag:s22] =	ssyncset.done $0x0  }
0x172: {  	[sflag:s22] =	ssyncadd.s32 $0xFFFFC000  }
0x173: {  	[spmem:s4] =	stream.indirect.scatter.add.f32 [tilespmem:s15], [sflag:$0x3], $0x80, s18, s19, $0xb8;
	[tilespmem:$0x1CC00] =	vst v63  }
0x174: {  	_ =	swait.ge [sflag:s23], $0x4000  }
0x175: {  	[sflag:s23] =	ssyncset.done $0x0  }
0x176: {  	s20 =	simm.s32 $0x14480;
	[sflag:s23] =	ssyncadd.s32 $0xFFFFC000  }
0x177: {  	[spmem:s4] =	stream.indirect.scatter.add.f32 [tilespmem:s21], [sflag:$0x4], $0x80, s20, s19, $0xb8;
	[tilespmem:$0x1CC00] =	vst v63  }
0x178: {  	_ =	swait.ge [sflag:s25], $0x4000  }
0x179: {  	[sflag:s25] =	ssyncset.done $0x0  }
0x17a: {  	[sflag:s25] =	ssyncadd.s32 $0xFFFFC000  }
0x17b: {  	[tilespmem:s15], [sflag:$0x1] =	stream.indirect.gather [hbm4b:s1+s19], $0x80, s24, s19, $0xb8;
	[tilespmem:$0x1CC00] =	vst v63  }
0x17c: {  	_ =	swait.ge [sflag:s28], $0x4000  }
0x17d: {  	[sflag:s28] =	ssyncset.done $0x0  }
0x17e: {  	[sflag:s28] =	ssyncadd.s32 $0xFFFFC000  }
0x17f: {  	[tilespmem:s21], [sflag:$0x2] =	stream.indirect.gather [hbm4b:s1+s19], $0x80, s26, s19, $0xb8;
	[tilespmem:$0x1CC00] =	vst v63  }
0x180: {  	_ =	swait.ge [sflag:s22], $0x4000  }
0x181: {  	[sflag:s22] =	ssyncset.done $0x0  }
0x182: {  	[sflag:s22] =	ssyncadd.s32 $0xFFFFC000  }
0x183: {  	[spmem:s4] =	stream.indirect.scatter.add.f32 [tilespmem:s15], [sflag:$0x3], $0x80, s29, s19, $0xb8;
	[tilespmem:$0x1CC00] =	vst v63  }
0x184: {  	_ =	swait.ge [sflag:s23], $0x4000  }
0x185: {  	[sflag:s23] =	ssyncset.done $0x0  }
0x186: {  	[sflag:s23] =	ssyncadd.s32 $0xFFFFC000  }
0x187: {  	[spmem:s4] =	stream.indirect.scatter.add.f32 [tilespmem:s21], [sflag:$0x4], $0x80, s30, s19, $0xb8;
	[tilespmem:$0x1CC00] =	vst v63  }
0x188: {  	_ =	swait.ge [sflag:s25], $0x4000  }
0x189: {  	[sflag:s25] =	ssyncset.done $0x0  }
0x18a: {  	[sflag:s25] =	ssyncadd.s32 $0xFFFFC000  }
0x18b: {  	[tilespmem:s15], [sflag:$0x1] =	stream.indirect.gather [hbm4b:s1+s19], $0x80, s31, s19, $0xb8;
	[tilespmem:$0x1CC00] =	vst v63  }
0x18c: {  	_ =	swait.ge [sflag:s28], $0x4000  }
0x18d: {  	[sflag:s28] =	ssyncset.done $0x0  }
0x18e: {  	s8 =	simm.s32 $0x13E80;
	[sflag:s28] =	ssyncadd.s32 $0xFFFFC000  }
0x18f: {  	[tilespmem:s21], [sflag:$0x2] =	stream.indirect.gather [hbm4b:s1+s19], $0x80, s8, s19, $0xb8;
	[tilespmem:$0x1CC00] =	vst v63  }
0x190: {  	_ =	swait.ge [sflag:s22], $0x4000  }
0x191: {  	[sflag:s22] =	ssyncset.done $0x0  }
0x192: {  	[sflag:s22] =	ssyncadd.s32 $0xFFFFC000  }
0x193: {  	[spmem:s4] =	stream.indirect.scatter.add.f32 [tilespmem:s15], [sflag:$0x3], $0x80, s6, s19, $0xb8;
	[tilespmem:$0x1CC00] =	vst v63  }
0x194: {  	_ =	swait.ge [sflag:s23], $0x4000  }
0x195: {  	[sflag:s23] =	ssyncset.done $0x0  }
0x196: {  	[sflag:s23] =	ssyncadd.s32 $0xFFFFC000  }
0x197: {  	[spmem:s4] =	stream.indirect.scatter.add.f32 [tilespmem:s21], [sflag:$0x4], $0x80, s7, s19, $0xb8;
	[tilespmem:$0x1CC00] =	vst v63  }
0x198: {  	_ =	swait.ge [sflag:s25], $0x4000  }
0x199: {  	[sflag:s25] =	ssyncset.done $0x0  }
0x19a: {  	[sflag:s25] =	ssyncadd.s32 $0xFFFFC000  }
0x19b: {  	[tilespmem:s15], [sflag:$0x1] =	stream.indirect.gather [hbm4b:s1+s19], $0x80, s3, s19, $0xb8;
	[tilespmem:$0x1CC00] =	vst v63  }
0x19c: {  	_ =	swait.ge [sflag:s28], $0x4000  }
0x19d: {  	[sflag:s28] =	ssyncset.done $0x0  }
0x19e: {  	[sflag:s28] =	ssyncadd.s32 $0xFFFFC000  }
0x19f: {  	[tilespmem:s21], [sflag:$0x2] =	stream.indirect.gather [hbm4b:s1+s19], $0x80, s9, s19, $0xb8;
	[tilespmem:$0x1CC00] =	vst v63  }
0x1a0: {  	_ =	swait.ge [sflag:s22], $0x4000  }
0x1a1: {  	[sflag:s22] =	ssyncset.done $0x0  }
0x1a2: {  	[sflag:s22] =	ssyncadd.s32 $0xFFFFC000  }
0x1a3: {  	[spmem:s4] =	stream.indirect.scatter.add.f32 [tilespmem:s15], [sflag:$0x3], $0x80, s10, s19, $0xb8;
	[tilespmem:$0x1CC00] =	vst v63  }
0x1a4: {  	_ =	swait.ge [sflag:s23], $0x4000  }
0x1a5: {  	[sflag:s23] =	ssyncset.done $0x0  }
0x1a6: {  	[sflag:s23] =	ssyncadd.s32 $0xFFFFC000  }
0x1a7: {  	[spmem:s4] =	stream.indirect.scatter.add.f32 [tilespmem:s21], [sflag:$0x4], $0x80, s11, s19, $0xb8;
	[tilespmem:$0x1CC00] =	vst v63  }
0x1a8: {  	_ =	swait.ge [sflag:s25], $0x4000  }
0x1a9: {  	[sflag:s25] =	ssyncset.done $0x0  }
0x1aa: {  	s8 =	simm.s32 $0x14000;
	[sflag:s25] =	ssyncadd.s32 $0xFFFFC000  }
0x1ab: {  	[tilespmem:s15], [sflag:$0x1] =	stream.indirect.gather [hbm4b:s1+s19], $0x80, s8, s19, $0xb8;
	[tilespmem:$0x1CC00] =	vst v63  }
0x1ac: {  	_ =	swait.ge [sflag:s28], $0x4000  }
0x1ad: {  	[sflag:s28] =	ssyncset.done $0x0  }
0x1ae: {  	s8 =	simm.s32 $0x14080;
	[sflag:s28] =	ssyncadd.s32 $0xFFFFC000  }
0x1af: {  	[tilespmem:s21], [sflag:$0x2] =	stream.indirect.gather [hbm4b:s1+s19], $0x80, s8, s19, $0xb8;
	[tilespmem:$0x1CC00] =	vst v63  }
0x1b0: {  	_ =	swait.ge [sflag:s22], $0x4000  }
0x1b1: {  	[sflag:s22] =	ssyncset.done $0x0  }
0x1b2: {  	s8 =	simm.s32 $0x14800;
	[sflag:s22] =	ssyncadd.s32 $0xFFFFC000  }
0x1b3: {  	[spmem:s4] =	stream.indirect.scatter.add.f32 [tilespmem:s15], [sflag:$0x3], $0x80, s8, s19, $0xb8;
	[tilespmem:$0x1CC00] =	vst v63  }
0x1b4: {  	_ =	swait.ge [sflag:s23], $0x4000  }
0x1b5: {  	[sflag:s23] =	ssyncset.done $0x0  }
0x1b6: {  	s8 =	simm.s32 $0x14880;
	[sflag:s23] =	ssyncadd.s32 $0xFFFFC000  }
0x1b7: {  	[spmem:s4] =	stream.indirect.scatter.add.f32 [tilespmem:s21], [sflag:$0x4], $0x80, s8, s19, $0xb8;
	[tilespmem:$0x1CC00] =	vst v63  }
0x1b8: {  	_ =	swait.ge [sflag:s25], $0x4000  }
0x1b9: {  	[sflag:s25] =	ssyncset.done $0x0  }
0x1ba: {  	s8 =	simm.s32 $0x14100;
	[sflag:s25] =	ssyncadd.s32 $0xFFFFC000  }
0x1bb: {  	[tilespmem:s15], [sflag:$0x1] =	stream.indirect.gather [hbm4b:s1+s19], $0x80, s8, s19, $0xb8;
	[tilespmem:$0x1CC00] =	vst v63  }
0x1bc: {  	_ =	swait.ge [sflag:s28], $0x4000  }
0x1bd: {  	[sflag:s28] =	ssyncset.done $0x0  }
0x1be: {  	s8 =	simm.s32 $0x14180;
	[sflag:s28] =	ssyncadd.s32 $0xFFFFC000  }
0x1bf: {  	[tilespmem:s21], [sflag:$0x2] =	stream.indirect.gather [hbm4b:s1+s19], $0x80, s8, s19, $0xb8;
	[tilespmem:$0x1CC00] =	vst v63  }
0x1c0: {  	_ =	swait.ge [sflag:s22], $0x4000  }
0x1c1: {  	[sflag:s22] =	ssyncset.done $0x0  }
0x1c2: {  	s8 =	simm.s32 $0x14900;
	[sflag:s22] =	ssyncadd.s32 $0xFFFFC000  }
0x1c3: {  	[spmem:s4] =	stream.indirect.scatter.add.f32 [tilespmem:s15], [sflag:$0x3], $0x80, s8, s19, $0xb8;
	[tilespmem:$0x1CC00] =	vst v63  }
0x1c4: {  	_ =	swait.ge [sflag:s23], $0x4000  }
0x1c5: {  	[sflag:s23] =	ssyncset.done $0x0  }
0x1c6: {  	s8 =	simm.s32 $0x14980;
	[sflag:s23] =	ssyncadd.s32 $0xFFFFC000  }
0x1c7: {  	[spmem:s4] =	stream.indirect.scatter.add.f32 [tilespmem:s21], [sflag:$0x4], $0x80, s8, s19, $0xb8;
	[tilespmem:$0x1CC00] =	vst v63  }
0x1c8: {  	_ =	swait.ge [sflag:s25], $0x4000  }
0x1c9: {  	[sflag:s25] =	ssyncset.done $0x0  }
0x1ca: {  	s8 =	simm.s32 $0x14200;
	[sflag:s25] =	ssyncadd.s32 $0xFFFFC000  }
0x1cb: {  	[tilespmem:s15], [sflag:$0x1] =	stream.indirect.gather [hbm4b:s1+s19], $0x80, s8, s19, $0xb8;
	[tilespmem:$0x1CC00] =	vst v63  }
0x1cc: {  	_ =	swait.ge [sflag:s28], $0x4000  }
0x1cd: {  	[sflag:s28] =	ssyncset.done $0x0  }
0x1ce: {  	s8 =	simm.s32 $0x14280;
	[sflag:s28] =	ssyncadd.s32 $0xFFFFC000  }
0x1cf: {  	[tilespmem:s21], [sflag:$0x2] =	stream.indirect.gather [hbm4b:s1+s19], $0x80, s8, s19, $0xb8;
	[tilespmem:$0x1CC00] =	vst v63  }
0x1d0: {  	_ =	swait.ge [sflag:s22], $0x4000  }
0x1d1: {  	[sflag:s22] =	ssyncset.done $0x0  }
0x1d2: {  	s8 =	simm.s32 $0x14A00;
	[sflag:s22] =	ssyncadd.s32 $0xFFFFC000  }
0x1d3: {  	[spmem:s4] =	stream.indirect.scatter.add.f32 [tilespmem:s15], [sflag:$0x3], $0x80, s8, s19, $0xb8;
	[tilespmem:$0x1CC00] =	vst v63  }
0x1d4: {  	_ =	swait.ge [sflag:s23], $0x4000  }
0x1d5: {  	[sflag:s23] =	ssyncset.done $0x0  }
0x1d6: {  	s8 =	simm.s32 $0x14A80;
	[sflag:s23] =	ssyncadd.s32 $0xFFFFC000  }
0x1d7: {  	[spmem:s4] =	stream.indirect.scatter.add.f32 [tilespmem:s21], [sflag:$0x4], $0x80, s8, s19, $0xb8;
	[tilespmem:$0x1CC00] =	vst v63  }
0x1d8: {  	_ =	swait.ge [sflag:s25], $0x4000  }
0x1d9: {  	[sflag:s25] =	ssyncset.done $0x0  }
0x1da: {  	s8 =	simm.s32 $0x14300;
	[sflag:s25] =	ssyncadd.s32 $0xFFFFC000  }
0x1db: {  	[tilespmem:s15], [sflag:$0x1] =	stream.indirect.gather [hbm4b:s1+s19], $0x80, s8, s19, $0xb8;
	[tilespmem:$0x1CC00] =	vst v63  }
0x1dc: {  	_ =	swait.ge [sflag:s28], $0x4000  }
0x1dd: {  	[sflag:s28] =	ssyncset.done $0x0  }
0x1de: {  	s13 =	sadd.s32 $0x100, s13;
	s8 =	simm.s32 $0x14380;
	[sflag:s28] =	ssyncadd.s32 $0xFFFFC000  }
0x1df: {  	[tilespmem:s21], [sflag:$0x2] =	stream.indirect.gather [hbm4b:s1+s19], $0x80, s8, s19, $0xb8;
	[tilespmem:$0x1CC00] =	vst v63  }
0x1e0: {  	p1 =	sne.s32 s13, $0xA00;
	_ =	swait.ge [sflag:s22], $0x4000  }
.Ltmp4:
0x1e1: {  	[sflag:s22] =	ssyncset.done $0x0;
	(pc) =	sbr.rel @p1 .LBB2_10-.Ltmp4, $4  }
0x1e2: {  	s8 =	simm.s32 $0x14B00;
	[sflag:s22] =	ssyncadd.s32 $0xFFFFC000  }
0x1e3: {  	[spmem:s4] =	stream.indirect.scatter.add.f32 [tilespmem:s15], [sflag:$0x3], $0x80, s8, s19, $0xb8;
	[tilespmem:$0x1CC00] =	vst v63  }
0x1e4: {  	_ =	swait.ge [sflag:s23], $0x4000  }
0x1e5: {  	p2 =	seq.s32 s12, $0x0;
	[sflag:s23] =	ssyncset.done $0x0  }
.Ltmp5:
0x1e6: {  	_ = 	snop;
	(pc) =	sbr.rel .LBB2_11-.Ltmp5, $1  }
0x1e7: {  	_ =	sdelay $0x3  }
.LBB2_2:
0x1e8: {  	s12 =	sand.u32 $0xFE00, s5  }
0x1e9: {  	s13 =	sand.u32 $0x70, s5;
	s14 =	sshrl.u32 s12, $0x2  }
0x1ea: {  	s12 =	simm.s32 $0x40;
	s14 =	sor.u32 s13, s14;
	s13 =	simm.s32 $0x0  }
.LBB2_3:
0x1eb: {  	p1 =	sne.s32 s12, $0xFFC0  }
0x1ec: {  	[tilespmem:s14+$0x14C00] =	vst v0;
	s13 =	sadd.s32 $0x10, s13;
	s14 =	smov.u32 s12;
	s12 =	sadd.s32 $0x40, s12  }
.Ltmp6:
0x1ed: {  	(pc) =	sbr.rel @p1 .LBB2_3-.Ltmp6, $4  }
0x1ee: {  	_ = 	snop  }
0x1ef: {  	s14 =	sand.u32 $0xFE00, s14  }
0x1f0: {  	s8 =	sand.u32 $0x70, s13;
	s14 =	sshrl.u32 s14, $0x2  }
0x1f1: {  	s14 =	sor.u32 s8, s14  }
0x1f2: {  	[tilespmem:s14+$0x14C00] =	vst v0  }
0x1f3: {  	[spmem:s20] =	stream.linear.scatter [tilespmem:s15], [sflag:$0x5], $0x4000, $0x38;
	[tilespmem:$0x1CC00] =	vst v63  }
0x1f4: {  	_ =	swait.ge [sflag:s16], $0x4000  }
0x1f5: {  	[sflag:s16] =	ssyncset.done $0x0  }
0x1f6: {  	s8 =	rddreg [dreg:$0xc];
	[sflag:s16] =	ssyncadd.s32 $0xFFFFC000  }
0x1f7: {  	[spmem:s8] =	stream.linear.scatter [tilespmem:s15], [sflag:$0x5], $0x4000, $0x38;
	[tilespmem:$0x1CC00] =	vst v63  }
0x1f8: {  	_ =	swait.ge [sflag:s16], $0x4000  }
0x1f9: {  	[sflag:s16] =	ssyncset.done $0x0  }
0x1fa: {  	s20 =	rddreg [dreg:$0xd];
	[sflag:s16] =	ssyncadd.s32 $0xFFFFC000  }
0x1fb: {  	[spmem:s20] =	stream.linear.scatter [tilespmem:s15], [sflag:$0x5], $0x4000, $0x38;
	[tilespmem:$0x1CC00] =	vst v63  }
0x1fc: {  	_ =	swait.ge [sflag:s16], $0x4000  }
0x1fd: {  	[sflag:s16] =	ssyncset.done $0x0  }
0x1fe: {  	s24 =	rddreg [dreg:$0xe];
	[sflag:s16] =	ssyncadd.s32 $0xFFFFC000  }
0x1ff: {  	[spmem:s24] =	stream.linear.scatter [tilespmem:s15], [sflag:$0x5], $0x4000, $0x38;
	[tilespmem:$0x1CC00] =	vst v63  }
0x200: {  	_ =	swait.ge [sflag:s16], $0x4000  }
0x201: {  	[sflag:s16] =	ssyncset.done $0x0  }
0x202: {  	s26 =	rddreg [dreg:$0xf];
	[sflag:s16] =	ssyncadd.s32 $0xFFFFC000  }
0x203: {  	[spmem:s26] =	stream.linear.scatter [tilespmem:s15], [sflag:$0x5], $0x3C00, $0x38;
	[tilespmem:$0x1CC00] =	vst v63  }
0x204: {  	_ =	swait.ge [sflag:s16], $0x3C00  }
0x205: {  	[sflag:s16] =	ssyncset.done $0x0  }
0x206: {  	p1 =	por $0x1, $0x1;
	[sflag:s16] =	ssyncadd.s32 $0xFFFFC400  }
0x207: {  	s8 =	simm.s32 @!p1 $0x3;
	[bflag:$0x0] =	sbarrier.arrive $0xFFFF  }
0x208: {  	_ =	swait.ge @!p1 [sflag:s8], $0x4000  }
0x209: {  	[sflag:s8] =	ssyncset.done @!p1 $0x0  }
0x20a: {  	[sflag:s8] =	ssyncadd.s32 @!p1 $0xFFFFC000;
	s8 =	simm.s32 @!p1 $0x4  }
0x20b: {  	_ =	swait.ge @!p1 [sflag:s8], $0x4000  }
0x20c: {  	s12 =	rddreg [dreg:$0x6];
	[sflag:s8] =	ssyncset.done @!p1 $0x0  }
0x20d: {  	[sflag:s8] =	ssyncadd.s32 @!p1 $0xFFFFC000;
	s0 =	sadd.s32 $0x0, s12  }
0x20e: {  	[tilespmem:s17], [sflag:$0x5] =	stream.linear.gather [hbm4b:s0+s5], $0x800, $0x38;
	[tilespmem:$0x1CC00] =	vst v63  }
0x20f: {  	_ =	swait.ge [sflag:s16], $0x800  }
0x210: {  	s3 =	rddreg [dreg:$0x5];
	[sflag:s16] =	ssyncset.done $0x0  }
0x211: {  	[sflag:s16] =	ssyncadd.s32 $0xFFFFF800;
	s8 =	sadd.s32 $0x0, s3  }
0x212: {  	[tilespmem:s18], [sflag:$0x5] =	stream.linear.gather [hbm4b:s8+s5], $0x800, $0x38;
	[tilespmem:$0x1CC00] =	vst v63  }
0x213: {  	_ =	swait.ge [sflag:s16], $0x800  }
0x214: {  	[sflag:s16] =	ssyncset.done $0x0  }
0x215: {  	[sflag:s16] =	ssyncadd.s32 $0xFFFFF800  }
0x216: {  	[tilespmem:s15], [sflag:$0x1] =	stream.indirect.gather [hbm4b:s2+s19], $0x80, s17, s19, $0xb8;
	[tilespmem:$0x1CC00] =	vst v63  }
0x217: {  	s6 =	simm.s32 $0x13C80  }
0x218: {  	[tilespmem:s21], [sflag:$0x2] =	stream.indirect.gather [hbm4b:s2+s19], $0x80, s6, s19, $0xb8;
	[tilespmem:$0x1CC00] =	vst v63  }
0x219: {  	_ =	swait.ge [sflag:s22], $0x4000  }
0x21a: {  	[sflag:s22] =	ssyncset.done $0x0  }
0x21b: {  	[sflag:s22] =	ssyncadd.s32 $0xFFFFC000  }
0x21c: {  	[spmem:s4] =	stream.indirect.scatter.add.f32 [tilespmem:s15], [sflag:$0x3], $0x80, s18, s19, $0xb8;
	[tilespmem:$0x1CC00] =	vst v63  }
0x21d: {  	_ =	swait.ge [sflag:s23], $0x4000  }
0x21e: {  	[sflag:s23] =	ssyncset.done $0x0  }
0x21f: {  	s7 =	simm.s32 $0x14480;
	[sflag:s23] =	ssyncadd.s32 $0xFFFFC000  }
0x220: {  	[spmem:s4] =	stream.indirect.scatter.add.f32 [tilespmem:s21], [sflag:$0x4], $0x80, s7, s19, $0xb8;
	[tilespmem:$0x1CC00] =	vst v63  }
0x221: {  	_ =	swait.ge [sflag:s25], $0x4000  }
0x222: {  	[sflag:s25] =	ssyncset.done $0x0  }
0x223: {  	s24 =	simm.s32 $0x13D00;
	[sflag:s25] =	ssyncadd.s32 $0xFFFFC000  }
0x224: {  	[tilespmem:s15], [sflag:$0x1] =	stream.indirect.gather [hbm4b:s2+s19], $0x80, s24, s19, $0xb8;
	[tilespmem:$0x1CC00] =	vst v63  }
0x225: {  	_ =	swait.ge [sflag:s28], $0x4000  }
0x226: {  	[sflag:s28] =	ssyncset.done $0x0  }
0x227: {  	s26 =	simm.s32 $0x13D80;
	[sflag:s28] =	ssyncadd.s32 $0xFFFFC000  }
0x228: {  	[tilespmem:s21], [sflag:$0x2] =	stream.indirect.gather [hbm4b:s2+s19], $0x80, s26, s19, $0xb8;
	[tilespmem:$0x1CC00] =	vst v63  }
0x229: {  	_ =	swait.ge [sflag:s22], $0x4000  }
0x22a: {  	[sflag:s22] =	ssyncset.done $0x0  }
0x22b: {  	s29 =	simm.s32 $0x14500;
	[sflag:s22] =	ssyncadd.s32 $0xFFFFC000  }
0x22c: {  	[spmem:s4] =	stream.indirect.scatter.add.f32 [tilespmem:s15], [sflag:$0x3], $0x80, s29, s19, $0xb8;
	[tilespmem:$0x1CC00] =	vst v63  }
0x22d: {  	_ =	swait.ge [sflag:s23], $0x4000  }
0x22e: {  	[sflag:s23] =	ssyncset.done $0x0  }
0x22f: {  	s30 =	simm.s32 $0x14580;
	[sflag:s23] =	ssyncadd.s32 $0xFFFFC000  }
0x230: {  	[spmem:s4] =	stream.indirect.scatter.add.f32 [tilespmem:s21], [sflag:$0x4], $0x80, s30, s19, $0xb8;
	[tilespmem:$0x1CC00] =	vst v63  }
0x231: {  	_ =	swait.ge [sflag:s25], $0x4000  }
0x232: {  	[sflag:s25] =	ssyncset.done $0x0  }
0x233: {  	s31 =	simm.s32 $0x13E00;
	[sflag:s25] =	ssyncadd.s32 $0xFFFFC000  }
0x234: {  	[tilespmem:s15], [sflag:$0x1] =	stream.indirect.gather [hbm4b:s2+s19], $0x80, s31, s19, $0xb8;
	[tilespmem:$0x1CC00] =	vst v63  }
0x235: {  	_ =	swait.ge [sflag:s28], $0x4000  }
0x236: {  	[sflag:s28] =	ssyncset.done $0x0  }
0x237: {  	s0 =	simm.s32 $0x13E80;
	[sflag:s28] =	ssyncadd.s32 $0xFFFFC000  }
0x238: {  	[tilespmem:s21], [sflag:$0x2] =	stream.indirect.gather [hbm4b:s2+s19], $0x80, s0, s19, $0xb8;
	[tilespmem:$0x1CC00] =	vst v63  }
0x239: {  	_ =	swait.ge [sflag:s22], $0x4000  }
0x23a: {  	[sflag:s22] =	ssyncset.done $0x0  }
0x23b: {  	s6 =	simm.s32 $0x14600;
	[sflag:s22] =	ssyncadd.s32 $0xFFFFC000  }
0x23c: {  	[spmem:s4] =	stream.indirect.scatter.add.f32 [tilespmem:s15], [sflag:$0x3], $0x80, s6, s19, $0xb8;
	[tilespmem:$0x1CC00] =	vst v63  }
0x23d: {  	_ =	swait.ge [sflag:s23], $0x4000  }
0x23e: {  	[sflag:s23] =	ssyncset.done $0x0  }
0x23f: {  	s7 =	simm.s32 $0x14680;
	[sflag:s23] =	ssyncadd.s32 $0xFFFFC000  }
0x240: {  	[spmem:s4] =	stream.indirect.scatter.add.f32 [tilespmem:s21], [sflag:$0x4], $0x80, s7, s19, $0xb8;
	[tilespmem:$0x1CC00] =	vst v63  }
0x241: {  	_ =	swait.ge [sflag:s25], $0x4000  }
0x242: {  	[sflag:s25] =	ssyncset.done $0x0  }
0x243: {  	s3 =	simm.s32 $0x13F00;
	[sflag:s25] =	ssyncadd.s32 $0xFFFFC000  }
0x244: {  	[tilespmem:s15], [sflag:$0x1] =	stream.indirect.gather [hbm4b:s2+s19], $0x80, s3, s19, $0xb8;
	[tilespmem:$0x1CC00] =	vst v63  }
0x245: {  	_ =	swait.ge [sflag:s28], $0x4000  }
0x246: {  	[sflag:s28] =	ssyncset.done $0x0  }
0x247: {  	s9 =	simm.s32 $0x13F80;
	[sflag:s28] =	ssyncadd.s32 $0xFFFFC000  }
0x248: {  	[tilespmem:s21], [sflag:$0x2] =	stream.indirect.gather [hbm4b:s2+s19], $0x80, s9, s19, $0xb8;
	[tilespmem:$0x1CC00] =	vst v63  }
0x249: {  	_ =	swait.ge [sflag:s22], $0x4000  }
0x24a: {  	[sflag:s22] =	ssyncset.done $0x0  }
0x24b: {  	s10 =	simm.s32 $0x14700;
	[sflag:s22] =	ssyncadd.s32 $0xFFFFC000  }
0x24c: {  	[spmem:s4] =	stream.indirect.scatter.add.f32 [tilespmem:s15], [sflag:$0x3], $0x80, s10, s19, $0xb8;
	[tilespmem:$0x1CC00] =	vst v63  }
0x24d: {  	_ =	swait.ge [sflag:s23], $0x4000  }
0x24e: {  	[sflag:s23] =	ssyncset.done $0x0  }
0x24f: {  	s11 =	simm.s32 $0x14780;
	[sflag:s23] =	ssyncadd.s32 $0xFFFFC000  }
0x250: {  	[spmem:s4] =	stream.indirect.scatter.add.f32 [tilespmem:s21], [sflag:$0x4], $0x80, s11, s19, $0xb8;
	[tilespmem:$0x1CC00] =	vst v63  }
0x251: {  	_ =	swait.ge [sflag:s25], $0x4000  }
0x252: {  	[sflag:s25] =	ssyncset.done $0x0  }
0x253: {  	s8 =	simm.s32 $0x14000;
	[sflag:s25] =	ssyncadd.s32 $0xFFFFC000  }
0x254: {  	[tilespmem:s15], [sflag:$0x1] =	stream.indirect.gather [hbm4b:s2+s19], $0x80, s8, s19, $0xb8;
	[tilespmem:$0x1CC00] =	vst v63  }
0x255: {  	_ =	swait.ge [sflag:s28], $0x4000  }
0x256: {  	[sflag:s28] =	ssyncset.done $0x0  }
0x257: {  	s12 =	simm.s32 $0x14080;
	[sflag:s28] =	ssyncadd.s32 $0xFFFFC000  }
0x258: {  	[tilespmem:s21], [sflag:$0x2] =	stream.indirect.gather [hbm4b:s2+s19], $0x80, s12, s19, $0xb8;
	[tilespmem:$0x1CC00] =	vst v63  }
0x259: {  	_ =	swait.ge [sflag:s22], $0x4000  }
0x25a: {  	[sflag:s22] =	ssyncset.done $0x0  }
0x25b: {  	s13 =	simm.s32 $0x14800;
	[sflag:s22] =	ssyncadd.s32 $0xFFFFC000  }
0x25c: {  	[spmem:s4] =	stream.indirect.scatter.add.f32 [tilespmem:s15], [sflag:$0x3], $0x80, s13, s19, $0xb8;
	[tilespmem:$0x1CC00] =	vst v63  }
0x25d: {  	_ =	swait.ge [sflag:s23], $0x4000  }
0x25e: {  	[sflag:s23] =	ssyncset.done $0x0  }
0x25f: {  	s14 =	simm.s32 $0x14880;
	[sflag:s23] =	ssyncadd.s32 $0xFFFFC000  }
0x260: {  	[spmem:s4] =	stream.indirect.scatter.add.f32 [tilespmem:s21], [sflag:$0x4], $0x80, s14, s19, $0xb8;
	[tilespmem:$0x1CC00] =	vst v63  }
0x261: {  	_ =	swait.ge [sflag:s25], $0x4000  }
0x262: {  	[sflag:s25] =	ssyncset.done $0x0  }
0x263: {  	s20 =	simm.s32 $0x14100;
	[sflag:s25] =	ssyncadd.s32 $0xFFFFC000  }
0x264: {  	[tilespmem:s15], [sflag:$0x1] =	stream.indirect.gather [hbm4b:s2+s19], $0x80, s20, s19, $0xb8;
	[tilespmem:$0x1CC00] =	vst v63  }
0x265: {  	_ =	swait.ge [sflag:s28], $0x4000  }
0x266: {  	[sflag:s28] =	ssyncset.done $0x0  }
0x267: {  	s8 =	simm.s32 $0x14180;
	[sflag:s28] =	ssyncadd.s32 $0xFFFFC000  }
0x268: {  	[tilespmem:s21], [sflag:$0x2] =	stream.indirect.gather [hbm4b:s2+s19], $0x80, s8, s19, $0xb8;
	[tilespmem:$0x1CC00] =	vst v63  }
0x269: {  	_ =	swait.ge [sflag:s22], $0x4000  }
0x26a: {  	[sflag:s22] =	ssyncset.done $0x0  }
0x26b: {  	s12 =	simm.s32 $0x14900;
	[sflag:s22] =	ssyncadd.s32 $0xFFFFC000  }
0x26c: {  	[spmem:s4] =	stream.indirect.scatter.add.f32 [tilespmem:s15], [sflag:$0x3], $0x80, s12, s19, $0xb8;
	[tilespmem:$0x1CC00] =	vst v63  }
0x26d: {  	_ =	swait.ge [sflag:s23], $0x4000  }
0x26e: {  	[sflag:s23] =	ssyncset.done $0x0  }
0x26f: {  	s13 =	simm.s32 $0x14980;
	[sflag:s23] =	ssyncadd.s32 $0xFFFFC000  }
0x270: {  	[spmem:s4] =	stream.indirect.scatter.add.f32 [tilespmem:s21], [sflag:$0x4], $0x80, s13, s19, $0xb8;
	[tilespmem:$0x1CC00] =	vst v63  }
0x271: {  	_ =	swait.ge [sflag:s25], $0x4000  }
0x272: {  	[sflag:s25] =	ssyncset.done $0x0  }
0x273: {  	s14 =	simm.s32 $0x14200;
	[sflag:s25] =	ssyncadd.s32 $0xFFFFC000  }
0x274: {  	[tilespmem:s15], [sflag:$0x1] =	stream.indirect.gather [hbm4b:s2+s19], $0x80, s14, s19, $0xb8;
	[tilespmem:$0x1CC00] =	vst v63  }
0x275: {  	_ =	swait.ge [sflag:s28], $0x4000  }
0x276: {  	[sflag:s28] =	ssyncset.done $0x0  }
0x277: {  	s20 =	simm.s32 $0x14280;
	[sflag:s28] =	ssyncadd.s32 $0xFFFFC000  }
0x278: {  	[tilespmem:s21], [sflag:$0x2] =	stream.indirect.gather [hbm4b:s2+s19], $0x80, s20, s19, $0xb8;
	[tilespmem:$0x1CC00] =	vst v63  }
0x279: {  	_ =	swait.ge [sflag:s22], $0x4000  }
0x27a: {  	[sflag:s22] =	ssyncset.done $0x0  }
0x27b: {  	s8 =	simm.s32 $0x14A00;
	[sflag:s22] =	ssyncadd.s32 $0xFFFFC000  }
0x27c: {  	[spmem:s4] =	stream.indirect.scatter.add.f32 [tilespmem:s15], [sflag:$0x3], $0x80, s8, s19, $0xb8;
	[tilespmem:$0x1CC00] =	vst v63  }
0x27d: {  	_ =	swait.ge [sflag:s23], $0x4000  }
0x27e: {  	[sflag:s23] =	ssyncset.done $0x0  }
0x27f: {  	s12 =	simm.s32 $0x14A80;
	[sflag:s23] =	ssyncadd.s32 $0xFFFFC000  }
0x280: {  	[spmem:s4] =	stream.indirect.scatter.add.f32 [tilespmem:s21], [sflag:$0x4], $0x80, s12, s19, $0xb8;
	[tilespmem:$0x1CC00] =	vst v63  }
0x281: {  	_ =	swait.ge [sflag:s25], $0x4000  }
0x282: {  	[sflag:s25] =	ssyncset.done $0x0  }
0x283: {  	s13 =	simm.s32 $0x14300;
	[sflag:s25] =	ssyncadd.s32 $0xFFFFC000  }
0x284: {  	[tilespmem:s15], [sflag:$0x1] =	stream.indirect.gather [hbm4b:s2+s19], $0x80, s13, s19, $0xb8;
	[tilespmem:$0x1CC00] =	vst v63  }
0x285: {  	_ =	swait.ge [sflag:s28], $0x4000  }
0x286: {  	[sflag:s28] =	ssyncset.done $0x0  }
0x287: {  	s14 =	simm.s32 $0x14380;
	[sflag:s28] =	ssyncadd.s32 $0xFFFFC000  }
0x288: {  	[tilespmem:s21], [sflag:$0x2] =	stream.indirect.gather [hbm4b:s2+s19], $0x80, s14, s19, $0xb8;
	[tilespmem:$0x1CC00] =	vst v63  }
0x289: {  	_ =	swait.ge [sflag:s22], $0x4000  }
0x28a: {  	[sflag:s22] =	ssyncset.done $0x0  }
0x28b: {  	s20 =	simm.s32 $0x14B00;
	[sflag:s22] =	ssyncadd.s32 $0xFFFFC000  }
0x28c: {  	[spmem:s4] =	stream.indirect.scatter.add.f32 [tilespmem:s15], [sflag:$0x3], $0x80, s20, s19, $0xb8;
	[tilespmem:$0x1CC00] =	vst v63  }
0x28d: {  	p2 =	por $0x0, $0x0;
	s0 =	simm.s32 $0x14B80;
	_ =	swait.ge [sflag:s23], $0x4000  }
0x28e: {  	s12 =	simm.s32 $0x100;
	s13 =	simm.s32 $0x200;
	[sflag:s23] =	ssyncset.done $0x0  }
.LBB2_5:
0x28f: {  	s8 =	simm.s32 @!p2 $0x3;
	[sflag:s23] =	ssyncadd.s32 $0xFFFFC000  }
0x290: {  	[spmem:s4] =	stream.indirect.scatter.add.f32 [tilespmem:s21], [sflag:$0x4], $0x80, s0, s19, $0xb8;
	[tilespmem:$0x1CC00] =	vst v63  }
0x291: {  	_ =	swait.ge @!p2 [sflag:s8], $0x4000  }
0x292: {  	[sflag:s8] =	ssyncset.done @!p2 $0x0  }
0x293: {  	[sflag:s8] =	ssyncadd.s32 @!p2 $0xFFFFC000;
	s8 =	simm.s32 @!p2 $0x4  }
0x294: {  	_ =	swait.ge @!p2 [sflag:s8], $0x4000  }
0x295: {  	[sflag:s8] =	ssyncset.done @!p2 $0x0;
	s20 =	rddreg [dreg:$0x6]  }
0x296: {  	[sflag:s8] =	ssyncadd.s32 @!p2 $0xFFFFC000;
	s8 =	sadd.s32 s12, s20  }
0x297: {  	[tilespmem:s17], [sflag:$0x5] =	stream.linear.gather [hbm4b:s8+s5], $0x800, $0x38;
	[tilespmem:$0x1CC00] =	vst v63  }
0x298: {  	_ =	swait.ge [sflag:s16], $0x800  }
0x299: {  	s8 =	rddreg [dreg:$0x5];
	[sflag:s16] =	ssyncset.done $0x0  }
0x29a: {  	[sflag:s16] =	ssyncadd.s32 $0xFFFFF800;
	s8 =	sadd.s32 s12, s8  }
0x29b: {  	[tilespmem:s18], [sflag:$0x5] =	stream.linear.gather [hbm4b:s8+s5], $0x800, $0x38;
	[tilespmem:$0x1CC00] =	vst v63  }
0x29c: {  	_ =	swait.ge [sflag:s16], $0x800  }
0x29d: {  	[sflag:s16] =	ssyncset.done $0x0  }
0x29e: {  	s14 =	smov.u32 s13;
	[sflag:s16] =	ssyncadd.s32 $0xFFFFF800  }
0x29f: {  	[tilespmem:s15], [sflag:$0x1] =	stream.indirect.gather [hbm4b:s2+s19], $0x80, s17, s19, $0xb8;
	[tilespmem:$0x1CC00] =	vst v63  }
0x2a0: {  	s12 =	smov.u32 s14;
	s14 =	simm.s32 $0x13C80  }
0x2a1: {  	[tilespmem:s21], [sflag:$0x2] =	stream.indirect.gather [hbm4b:s2+s19], $0x80, s14, s19, $0xb8;
	[tilespmem:$0x1CC00] =	vst v63  }
0x2a2: {  	_ =	swait.ge [sflag:s22], $0x4000  }
0x2a3: {  	[sflag:s22] =	ssyncset.done $0x0  }
0x2a4: {  	[sflag:s22] =	ssyncadd.s32 $0xFFFFC000  }
0x2a5: {  	[spmem:s4] =	stream.indirect.scatter.add.f32 [tilespmem:s15], [sflag:$0x3], $0x80, s18, s19, $0xb8;
	[tilespmem:$0x1CC00] =	vst v63  }
0x2a6: {  	_ =	swait.ge [sflag:s23], $0x4000  }
0x2a7: {  	[sflag:s23] =	ssyncset.done $0x0  }
0x2a8: {  	s20 =	simm.s32 $0x14480;
	[sflag:s23] =	ssyncadd.s32 $0xFFFFC000  }
0x2a9: {  	[spmem:s4] =	stream.indirect.scatter.add.f32 [tilespmem:s21], [sflag:$0x4], $0x80, s20, s19, $0xb8;
	[tilespmem:$0x1CC00] =	vst v63  }
0x2aa: {  	_ =	swait.ge [sflag:s25], $0x4000  }
0x2ab: {  	[sflag:s25] =	ssyncset.done $0x0  }
0x2ac: {  	[sflag:s25] =	ssyncadd.s32 $0xFFFFC000  }
0x2ad: {  	[tilespmem:s15], [sflag:$0x1] =	stream.indirect.gather [hbm4b:s2+s19], $0x80, s24, s19, $0xb8;
	[tilespmem:$0x1CC00] =	vst v63  }
0x2ae: {  	_ =	swait.ge [sflag:s28], $0x4000  }
0x2af: {  	[sflag:s28] =	ssyncset.done $0x0  }
0x2b0: {  	[sflag:s28] =	ssyncadd.s32 $0xFFFFC000  }
0x2b1: {  	[tilespmem:s21], [sflag:$0x2] =	stream.indirect.gather [hbm4b:s2+s19], $0x80, s26, s19, $0xb8;
	[tilespmem:$0x1CC00] =	vst v63  }
0x2b2: {  	_ =	swait.ge [sflag:s22], $0x4000  }
0x2b3: {  	[sflag:s22] =	ssyncset.done $0x0  }
0x2b4: {  	[sflag:s22] =	ssyncadd.s32 $0xFFFFC000  }
0x2b5: {  	[spmem:s4] =	stream.indirect.scatter.add.f32 [tilespmem:s15], [sflag:$0x3], $0x80, s29, s19, $0xb8;
	[tilespmem:$0x1CC00] =	vst v63  }
0x2b6: {  	_ =	swait.ge [sflag:s23], $0x4000  }
0x2b7: {  	[sflag:s23] =	ssyncset.done $0x0  }
0x2b8: {  	[sflag:s23] =	ssyncadd.s32 $0xFFFFC000  }
0x2b9: {  	[spmem:s4] =	stream.indirect.scatter.add.f32 [tilespmem:s21], [sflag:$0x4], $0x80, s30, s19, $0xb8;
	[tilespmem:$0x1CC00] =	vst v63  }
0x2ba: {  	_ =	swait.ge [sflag:s25], $0x4000  }
0x2bb: {  	[sflag:s25] =	ssyncset.done $0x0  }
0x2bc: {  	[sflag:s25] =	ssyncadd.s32 $0xFFFFC000  }
0x2bd: {  	[tilespmem:s15], [sflag:$0x1] =	stream.indirect.gather [hbm4b:s2+s19], $0x80, s31, s19, $0xb8;
	[tilespmem:$0x1CC00] =	vst v63  }
0x2be: {  	_ =	swait.ge [sflag:s28], $0x4000  }
0x2bf: {  	[sflag:s28] =	ssyncset.done $0x0  }
0x2c0: {  	s8 =	simm.s32 $0x13E80;
	[sflag:s28] =	ssyncadd.s32 $0xFFFFC000  }
0x2c1: {  	[tilespmem:s21], [sflag:$0x2] =	stream.indirect.gather [hbm4b:s2+s19], $0x80, s8, s19, $0xb8;
	[tilespmem:$0x1CC00] =	vst v63  }
0x2c2: {  	_ =	swait.ge [sflag:s22], $0x4000  }
0x2c3: {  	[sflag:s22] =	ssyncset.done $0x0  }
0x2c4: {  	[sflag:s22] =	ssyncadd.s32 $0xFFFFC000  }
0x2c5: {  	[spmem:s4] =	stream.indirect.scatter.add.f32 [tilespmem:s15], [sflag:$0x3], $0x80, s6, s19, $0xb8;
	[tilespmem:$0x1CC00] =	vst v63  }
0x2c6: {  	_ =	swait.ge [sflag:s23], $0x4000  }
0x2c7: {  	[sflag:s23] =	ssyncset.done $0x0  }
0x2c8: {  	[sflag:s23] =	ssyncadd.s32 $0xFFFFC000  }
0x2c9: {  	[spmem:s4] =	stream.indirect.scatter.add.f32 [tilespmem:s21], [sflag:$0x4], $0x80, s7, s19, $0xb8;
	[tilespmem:$0x1CC00] =	vst v63  }
0x2ca: {  	_ =	swait.ge [sflag:s25], $0x4000  }
0x2cb: {  	[sflag:s25] =	ssyncset.done $0x0  }
0x2cc: {  	[sflag:s25] =	ssyncadd.s32 $0xFFFFC000  }
0x2cd: {  	[tilespmem:s15], [sflag:$0x1] =	stream.indirect.gather [hbm4b:s2+s19], $0x80, s3, s19, $0xb8;
	[tilespmem:$0x1CC00] =	vst v63  }
0x2ce: {  	_ =	swait.ge [sflag:s28], $0x4000  }
0x2cf: {  	[sflag:s28] =	ssyncset.done $0x0  }
0x2d0: {  	[sflag:s28] =	ssyncadd.s32 $0xFFFFC000  }
0x2d1: {  	[tilespmem:s21], [sflag:$0x2] =	stream.indirect.gather [hbm4b:s2+s19], $0x80, s9, s19, $0xb8;
	[tilespmem:$0x1CC00] =	vst v63  }
0x2d2: {  	_ =	swait.ge [sflag:s22], $0x4000  }
0x2d3: {  	[sflag:s22] =	ssyncset.done $0x0  }
0x2d4: {  	[sflag:s22] =	ssyncadd.s32 $0xFFFFC000  }
0x2d5: {  	[spmem:s4] =	stream.indirect.scatter.add.f32 [tilespmem:s15], [sflag:$0x3], $0x80, s10, s19, $0xb8;
	[tilespmem:$0x1CC00] =	vst v63  }
0x2d6: {  	_ =	swait.ge [sflag:s23], $0x4000  }
0x2d7: {  	[sflag:s23] =	ssyncset.done $0x0  }
0x2d8: {  	[sflag:s23] =	ssyncadd.s32 $0xFFFFC000  }
0x2d9: {  	[spmem:s4] =	stream.indirect.scatter.add.f32 [tilespmem:s21], [sflag:$0x4], $0x80, s11, s19, $0xb8;
	[tilespmem:$0x1CC00] =	vst v63  }
0x2da: {  	_ =	swait.ge [sflag:s25], $0x4000  }
0x2db: {  	[sflag:s25] =	ssyncset.done $0x0  }
0x2dc: {  	s8 =	simm.s32 $0x14000;
	[sflag:s25] =	ssyncadd.s32 $0xFFFFC000  }
0x2dd: {  	[tilespmem:s15], [sflag:$0x1] =	stream.indirect.gather [hbm4b:s2+s19], $0x80, s8, s19, $0xb8;
	[tilespmem:$0x1CC00] =	vst v63  }
0x2de: {  	_ =	swait.ge [sflag:s28], $0x4000  }
0x2df: {  	[sflag:s28] =	ssyncset.done $0x0  }
0x2e0: {  	s8 =	simm.s32 $0x14080;
	[sflag:s28] =	ssyncadd.s32 $0xFFFFC000  }
0x2e1: {  	[tilespmem:s21], [sflag:$0x2] =	stream.indirect.gather [hbm4b:s2+s19], $0x80, s8, s19, $0xb8;
	[tilespmem:$0x1CC00] =	vst v63  }
0x2e2: {  	_ =	swait.ge [sflag:s22], $0x4000  }
0x2e3: {  	[sflag:s22] =	ssyncset.done $0x0  }
0x2e4: {  	s8 =	simm.s32 $0x14800;
	[sflag:s22] =	ssyncadd.s32 $0xFFFFC000  }
0x2e5: {  	[spmem:s4] =	stream.indirect.scatter.add.f32 [tilespmem:s15], [sflag:$0x3], $0x80, s8, s19, $0xb8;
	[tilespmem:$0x1CC00] =	vst v63  }
0x2e6: {  	_ =	swait.ge [sflag:s23], $0x4000  }
0x2e7: {  	[sflag:s23] =	ssyncset.done $0x0  }
0x2e8: {  	s8 =	simm.s32 $0x14880;
	[sflag:s23] =	ssyncadd.s32 $0xFFFFC000  }
0x2e9: {  	[spmem:s4] =	stream.indirect.scatter.add.f32 [tilespmem:s21], [sflag:$0x4], $0x80, s8, s19, $0xb8;
	[tilespmem:$0x1CC00] =	vst v63  }
0x2ea: {  	_ =	swait.ge [sflag:s25], $0x4000  }
0x2eb: {  	[sflag:s25] =	ssyncset.done $0x0  }
0x2ec: {  	s8 =	simm.s32 $0x14100;
	[sflag:s25] =	ssyncadd.s32 $0xFFFFC000  }
0x2ed: {  	[tilespmem:s15], [sflag:$0x1] =	stream.indirect.gather [hbm4b:s2+s19], $0x80, s8, s19, $0xb8;
	[tilespmem:$0x1CC00] =	vst v63  }
0x2ee: {  	_ =	swait.ge [sflag:s28], $0x4000  }
0x2ef: {  	[sflag:s28] =	ssyncset.done $0x0  }
0x2f0: {  	s8 =	simm.s32 $0x14180;
	[sflag:s28] =	ssyncadd.s32 $0xFFFFC000  }
0x2f1: {  	[tilespmem:s21], [sflag:$0x2] =	stream.indirect.gather [hbm4b:s2+s19], $0x80, s8, s19, $0xb8;
	[tilespmem:$0x1CC00] =	vst v63  }
0x2f2: {  	_ =	swait.ge [sflag:s22], $0x4000  }
0x2f3: {  	[sflag:s22] =	ssyncset.done $0x0  }
0x2f4: {  	s8 =	simm.s32 $0x14900;
	[sflag:s22] =	ssyncadd.s32 $0xFFFFC000  }
0x2f5: {  	[spmem:s4] =	stream.indirect.scatter.add.f32 [tilespmem:s15], [sflag:$0x3], $0x80, s8, s19, $0xb8;
	[tilespmem:$0x1CC00] =	vst v63  }
0x2f6: {  	_ =	swait.ge [sflag:s23], $0x4000  }
0x2f7: {  	[sflag:s23] =	ssyncset.done $0x0  }
0x2f8: {  	s8 =	simm.s32 $0x14980;
	[sflag:s23] =	ssyncadd.s32 $0xFFFFC000  }
0x2f9: {  	[spmem:s4] =	stream.indirect.scatter.add.f32 [tilespmem:s21], [sflag:$0x4], $0x80, s8, s19, $0xb8;
	[tilespmem:$0x1CC00] =	vst v63  }
0x2fa: {  	_ =	swait.ge [sflag:s25], $0x4000  }
0x2fb: {  	[sflag:s25] =	ssyncset.done $0x0  }
0x2fc: {  	s8 =	simm.s32 $0x14200;
	[sflag:s25] =	ssyncadd.s32 $0xFFFFC000  }
0x2fd: {  	[tilespmem:s15], [sflag:$0x1] =	stream.indirect.gather [hbm4b:s2+s19], $0x80, s8, s19, $0xb8;
	[tilespmem:$0x1CC00] =	vst v63  }
0x2fe: {  	_ =	swait.ge [sflag:s28], $0x4000  }
0x2ff: {  	[sflag:s28] =	ssyncset.done $0x0  }
0x300: {  	s8 =	simm.s32 $0x14280;
	[sflag:s28] =	ssyncadd.s32 $0xFFFFC000  }
0x301: {  	[tilespmem:s21], [sflag:$0x2] =	stream.indirect.gather [hbm4b:s2+s19], $0x80, s8, s19, $0xb8;
	[tilespmem:$0x1CC00] =	vst v63  }
0x302: {  	_ =	swait.ge [sflag:s22], $0x4000  }
0x303: {  	[sflag:s22] =	ssyncset.done $0x0  }
0x304: {  	s8 =	simm.s32 $0x14A00;
	[sflag:s22] =	ssyncadd.s32 $0xFFFFC000  }
0x305: {  	[spmem:s4] =	stream.indirect.scatter.add.f32 [tilespmem:s15], [sflag:$0x3], $0x80, s8, s19, $0xb8;
	[tilespmem:$0x1CC00] =	vst v63  }
0x306: {  	_ =	swait.ge [sflag:s23], $0x4000  }
0x307: {  	[sflag:s23] =	ssyncset.done $0x0  }
0x308: {  	s8 =	simm.s32 $0x14A80;
	[sflag:s23] =	ssyncadd.s32 $0xFFFFC000  }
0x309: {  	[spmem:s4] =	stream.indirect.scatter.add.f32 [tilespmem:s21], [sflag:$0x4], $0x80, s8, s19, $0xb8;
	[tilespmem:$0x1CC00] =	vst v63  }
0x30a: {  	_ =	swait.ge [sflag:s25], $0x4000  }
0x30b: {  	[sflag:s25] =	ssyncset.done $0x0  }
0x30c: {  	s8 =	simm.s32 $0x14300;
	[sflag:s25] =	ssyncadd.s32 $0xFFFFC000  }
0x30d: {  	[tilespmem:s15], [sflag:$0x1] =	stream.indirect.gather [hbm4b:s2+s19], $0x80, s8, s19, $0xb8;
	[tilespmem:$0x1CC00] =	vst v63  }
0x30e: {  	_ =	swait.ge [sflag:s28], $0x4000  }
0x30f: {  	[sflag:s28] =	ssyncset.done $0x0  }
0x310: {  	s13 =	sadd.s32 $0x100, s13;
	s8 =	simm.s32 $0x14380;
	[sflag:s28] =	ssyncadd.s32 $0xFFFFC000  }
0x311: {  	[tilespmem:s21], [sflag:$0x2] =	stream.indirect.gather [hbm4b:s2+s19], $0x80, s8, s19, $0xb8;
	[tilespmem:$0x1CC00] =	vst v63  }
0x312: {  	p1 =	seq.s32 s13, $0xA00;
	_ =	swait.ge [sflag:s22], $0x4000  }
.Ltmp7:
0x313: {  	[sflag:s22] =	ssyncset.done $0x0;
	(pc) =	sbr.rel @!p1 .LBB2_5-.Ltmp7, $4  }
0x314: {  	s8 =	simm.s32 $0x14B00;
	[sflag:s22] =	ssyncadd.s32 $0xFFFFC000  }
0x315: {  	[spmem:s4] =	stream.indirect.scatter.add.f32 [tilespmem:s15], [sflag:$0x3], $0x80, s8, s19, $0xb8;
	[tilespmem:$0x1CC00] =	vst v63  }
0x316: {  	_ =	swait.ge [sflag:s23], $0x4000  }
0x317: {  	p2 =	seq.s32 s12, $0x0;
	[sflag:s23] =	ssyncset.done $0x0  }
0x318: {  	s8 =	simm.s32 @!p2 $0x3;
	[sflag:s23] =	ssyncadd.s32 $0xFFFFC000  }
0x319: {  	[spmem:s4] =	stream.indirect.scatter.add.f32 [tilespmem:s21], [sflag:$0x4], $0x80, s0, s19, $0xb8;
	[tilespmem:$0x1CC00] =	vst v63  }
0x31a: {  	_ =	swait.ge @!p2 [sflag:s8], $0x4000  }
0x31b: {  	[sflag:s8] =	ssyncset.done @!p2 $0x0  }
0x31c: {  	[sflag:s8] =	ssyncadd.s32 @!p2 $0xFFFFC000;
	s8 =	simm.s32 @!p2 $0x4  }
0x31d: {  	_ =	swait.ge @!p2 [sflag:s8], $0x4000  }
0x31e: {  	s13 =	rddreg [dreg:$0x6];
	[sflag:s8] =	ssyncset.done @!p2 $0x0  }
0x31f: {  	[sflag:s8] =	ssyncadd.s32 @!p2 $0xFFFFC000;
	s13 =	sadd.s32 s12, s13  }
0x320: {  	[tilespmem:s17], [sflag:$0x5] =	stream.linear.gather [hbm4b:s13+s5], $0x800, $0x38;
	[tilespmem:$0x1CC00] =	vst v63  }
0x321: {  	_ =	swait.ge [sflag:s16], $0x800  }
0x322: {  	s13 =	rddreg [dreg:$0x5];
	[sflag:s16] =	ssyncset.done $0x0  }
0x323: {  	s8 =	sadd.s32 s12, s13;
	[sflag:s16] =	ssyncadd.s32 $0xFFFFF800  }
0x324: {  	[tilespmem:s18], [sflag:$0x5] =	stream.linear.gather [hbm4b:s8+s5], $0x800, $0x38;
	[tilespmem:$0x1CC00] =	vst v63  }
0x325: {  	_ =	swait.ge [sflag:s16], $0x800  }
0x326: {  	[sflag:s16] =	ssyncset.done $0x0  }
0x327: {  	[sflag:s16] =	ssyncadd.s32 $0xFFFFF800  }
0x328: {  	[tilespmem:s15], [sflag:$0x1] =	stream.indirect.gather [hbm4b:s2+s19], $0x80, s17, s19, $0xb8;
	[tilespmem:$0x1CC00] =	vst v63  }
0x329: {  	_ = 	snop  }
0x32a: {  	[tilespmem:s21], [sflag:$0x2] =	stream.indirect.gather [hbm4b:s2+s19], $0x80, s14, s19, $0xb8;
	[tilespmem:$0x1CC00] =	vst v63  }
0x32b: {  	_ =	swait.ge [sflag:s22], $0x4000  }
0x32c: {  	[sflag:s22] =	ssyncset.done $0x0  }
0x32d: {  	[sflag:s22] =	ssyncadd.s32 $0xFFFFC000  }
0x32e: {  	[spmem:s4] =	stream.indirect.scatter.add.f32 [tilespmem:s15], [sflag:$0x3], $0x80, s18, s19, $0xb8;
	[tilespmem:$0x1CC00] =	vst v63  }
0x32f: {  	_ =	swait.ge [sflag:s23], $0x4000  }
0x330: {  	[sflag:s23] =	ssyncset.done $0x0  }
0x331: {  	[sflag:s23] =	ssyncadd.s32 $0xFFFFC000  }
0x332: {  	[spmem:s4] =	stream.indirect.scatter.add.f32 [tilespmem:s21], [sflag:$0x4], $0x80, s20, s19, $0xb8;
	[tilespmem:$0x1CC00] =	vst v63  }
0x333: {  	_ =	swait.ge [sflag:s25], $0x4000  }
0x334: {  	[sflag:s25] =	ssyncset.done $0x0  }
0x335: {  	[sflag:s25] =	ssyncadd.s32 $0xFFFFC000  }
0x336: {  	[tilespmem:s15], [sflag:$0x1] =	stream.indirect.gather [hbm4b:s2+s19], $0x80, s24, s19, $0xb8;
	[tilespmem:$0x1CC00] =	vst v63  }
0x337: {  	_ =	swait.ge [sflag:s28], $0x4000  }
0x338: {  	[sflag:s28] =	ssyncset.done $0x0  }
0x339: {  	[sflag:s28] =	ssyncadd.s32 $0xFFFFC000  }
0x33a: {  	[tilespmem:s21], [sflag:$0x2] =	stream.indirect.gather [hbm4b:s2+s19], $0x80, s26, s19, $0xb8;
	[tilespmem:$0x1CC00] =	vst v63  }
0x33b: {  	_ =	swait.ge [sflag:s22], $0x4000  }
0x33c: {  	[sflag:s22] =	ssyncset.done $0x0  }
0x33d: {  	[sflag:s22] =	ssyncadd.s32 $0xFFFFC000  }
0x33e: {  	[spmem:s4] =	stream.indirect.scatter.add.f32 [tilespmem:s15], [sflag:$0x3], $0x80, s29, s19, $0xb8;
	[tilespmem:$0x1CC00] =	vst v63  }
0x33f: {  	_ =	swait.ge [sflag:s23], $0x4000  }
0x340: {  	[sflag:s23] =	ssyncset.done $0x0  }
0x341: {  	[sflag:s23] =	ssyncadd.s32 $0xFFFFC000  }
0x342: {  	[spmem:s4] =	stream.indirect.scatter.add.f32 [tilespmem:s21], [sflag:$0x4], $0x80, s30, s19, $0xb8;
	[tilespmem:$0x1CC00] =	vst v63  }
0x343: {  	_ =	swait.ge [sflag:s25], $0x4000  }
0x344: {  	[sflag:s25] =	ssyncset.done $0x0  }
0x345: {  	[sflag:s25] =	ssyncadd.s32 $0xFFFFC000  }
0x346: {  	[tilespmem:s15], [sflag:$0x1] =	stream.indirect.gather [hbm4b:s2+s19], $0x80, s31, s19, $0xb8;
	[tilespmem:$0x1CC00] =	vst v63  }
0x347: {  	_ =	swait.ge [sflag:s28], $0x4000  }
0x348: {  	[sflag:s28] =	ssyncset.done $0x0  }
0x349: {  	s31 =	simm.s32 $0x13E80;
	[sflag:s28] =	ssyncadd.s32 $0xFFFFC000  }
0x34a: {  	[tilespmem:s21], [sflag:$0x2] =	stream.indirect.gather [hbm4b:s2+s19], $0x80, s31, s19, $0xb8;
	[tilespmem:$0x1CC00] =	vst v63  }
0x34b: {  	_ =	swait.ge [sflag:s22], $0x4000  }
0x34c: {  	[sflag:s22] =	ssyncset.done $0x0  }
0x34d: {  	[sflag:s22] =	ssyncadd.s32 $0xFFFFC000  }
0x34e: {  	[spmem:s4] =	stream.indirect.scatter.add.f32 [tilespmem:s15], [sflag:$0x3], $0x80, s6, s19, $0xb8;
	[tilespmem:$0x1CC00] =	vst v63  }
0x34f: {  	_ =	swait.ge [sflag:s23], $0x4000  }
0x350: {  	[sflag:s23] =	ssyncset.done $0x0  }
0x351: {  	[sflag:s23] =	ssyncadd.s32 $0xFFFFC000  }
0x352: {  	[spmem:s4] =	stream.indirect.scatter.add.f32 [tilespmem:s21], [sflag:$0x4], $0x80, s7, s19, $0xb8;
	[tilespmem:$0x1CC00] =	vst v63  }
0x353: {  	_ =	swait.ge [sflag:s25], $0x4000  }
0x354: {  	[sflag:s25] =	ssyncset.done $0x0  }
0x355: {  	[sflag:s25] =	ssyncadd.s32 $0xFFFFC000  }
0x356: {  	[tilespmem:s15], [sflag:$0x1] =	stream.indirect.gather [hbm4b:s2+s19], $0x80, s3, s19, $0xb8;
	[tilespmem:$0x1CC00] =	vst v63  }
0x357: {  	_ =	swait.ge [sflag:s28], $0x4000  }
0x358: {  	[sflag:s28] =	ssyncset.done $0x0  }
0x359: {  	[sflag:s28] =	ssyncadd.s32 $0xFFFFC000  }
0x35a: {  	[tilespmem:s21], [sflag:$0x2] =	stream.indirect.gather [hbm4b:s2+s19], $0x80, s9, s19, $0xb8;
	[tilespmem:$0x1CC00] =	vst v63  }
0x35b: {  	_ =	swait.ge [sflag:s22], $0x4000  }
0x35c: {  	[sflag:s22] =	ssyncset.done $0x0  }
0x35d: {  	[sflag:s22] =	ssyncadd.s32 $0xFFFFC000  }
0x35e: {  	[spmem:s4] =	stream.indirect.scatter.add.f32 [tilespmem:s15], [sflag:$0x3], $0x80, s10, s19, $0xb8;
	[tilespmem:$0x1CC00] =	vst v63  }
0x35f: {  	_ =	swait.ge [sflag:s23], $0x4000  }
0x360: {  	[sflag:s23] =	ssyncset.done $0x0  }
0x361: {  	[sflag:s23] =	ssyncadd.s32 $0xFFFFC000  }
0x362: {  	[spmem:s4] =	stream.indirect.scatter.add.f32 [tilespmem:s21], [sflag:$0x4], $0x80, s11, s19, $0xb8;
	[tilespmem:$0x1CC00] =	vst v63  }
0x363: {  	_ =	swait.ge [sflag:s25], $0x4000  }
0x364: {  	[sflag:s25] =	ssyncset.done $0x0  }
0x365: {  	s6 =	simm.s32 $0x14000;
	[sflag:s25] =	ssyncadd.s32 $0xFFFFC000  }
0x366: {  	[tilespmem:s15], [sflag:$0x1] =	stream.indirect.gather [hbm4b:s2+s19], $0x80, s6, s19, $0xb8;
	[tilespmem:$0x1CC00] =	vst v63  }
0x367: {  	_ =	swait.ge [sflag:s28], $0x4000  }
0x368: {  	[sflag:s28] =	ssyncset.done $0x0  }
0x369: {  	s7 =	simm.s32 $0x14080;
	[sflag:s28] =	ssyncadd.s32 $0xFFFFC000  }
0x36a: {  	[tilespmem:s21], [sflag:$0x2] =	stream.indirect.gather [hbm4b:s2+s19], $0x80, s7, s19, $0xb8;
	[tilespmem:$0x1CC00] =	vst v63  }
0x36b: {  	_ =	swait.ge [sflag:s22], $0x4000  }
0x36c: {  	[sflag:s22] =	ssyncset.done $0x0  }
0x36d: {  	s8 =	simm.s32 $0x14800;
	[sflag:s22] =	ssyncadd.s32 $0xFFFFC000  }
0x36e: {  	[spmem:s4] =	stream.indirect.scatter.add.f32 [tilespmem:s15], [sflag:$0x3], $0x80, s8, s19, $0xb8;
	[tilespmem:$0x1CC00] =	vst v63  }
0x36f: {  	_ =	swait.ge [sflag:s23], $0x4000  }
0x370: {  	[sflag:s23] =	ssyncset.done $0x0  }
0x371: {  	s9 =	simm.s32 $0x14880;
	[sflag:s23] =	ssyncadd.s32 $0xFFFFC000  }
0x372: {  	[spmem:s4] =	stream.indirect.scatter.add.f32 [tilespmem:s21], [sflag:$0x4], $0x80, s9, s19, $0xb8;
	[tilespmem:$0x1CC00] =	vst v63  }
0x373: {  	_ =	swait.ge [sflag:s25], $0x4000  }
0x374: {  	[sflag:s25] =	ssyncset.done $0x0  }
0x375: {  	s10 =	simm.s32 $0x14100;
	[sflag:s25] =	ssyncadd.s32 $0xFFFFC000  }
0x376: {  	[tilespmem:s15], [sflag:$0x1] =	stream.indirect.gather [hbm4b:s2+s19], $0x80, s10, s19, $0xb8;
	[tilespmem:$0x1CC00] =	vst v63  }
0x377: {  	_ =	swait.ge [sflag:s28], $0x4000  }
0x378: {  	[sflag:s28] =	ssyncset.done $0x0  }
0x379: {  	s11 =	simm.s32 $0x14180;
	[sflag:s28] =	ssyncadd.s32 $0xFFFFC000  }
0x37a: {  	[tilespmem:s21], [sflag:$0x2] =	stream.indirect.gather [hbm4b:s2+s19], $0x80, s11, s19, $0xb8;
	[tilespmem:$0x1CC00] =	vst v63  }
0x37b: {  	_ =	swait.ge [sflag:s22], $0x4000  }
0x37c: {  	[sflag:s22] =	ssyncset.done $0x0  }
0x37d: {  	s12 =	simm.s32 $0x14900;
	[sflag:s22] =	ssyncadd.s32 $0xFFFFC000  }
0x37e: {  	[spmem:s4] =	stream.indirect.scatter.add.f32 [tilespmem:s15], [sflag:$0x3], $0x80, s12, s19, $0xb8;
	[tilespmem:$0x1CC00] =	vst v63  }
0x37f: {  	_ =	swait.ge [sflag:s23], $0x4000  }
0x380: {  	[sflag:s23] =	ssyncset.done $0x0  }
0x381: {  	s13 =	simm.s32 $0x14980;
	[sflag:s23] =	ssyncadd.s32 $0xFFFFC000  }
0x382: {  	[spmem:s4] =	stream.indirect.scatter.add.f32 [tilespmem:s21], [sflag:$0x4], $0x80, s13, s19, $0xb8;
	[tilespmem:$0x1CC00] =	vst v63  }
0x383: {  	_ =	swait.ge [sflag:s25], $0x4000  }
0x384: {  	[sflag:s25] =	ssyncset.done $0x0  }
0x385: {  	s14 =	simm.s32 $0x14200;
	[sflag:s25] =	ssyncadd.s32 $0xFFFFC000  }
0x386: {  	[tilespmem:s15], [sflag:$0x1] =	stream.indirect.gather [hbm4b:s2+s19], $0x80, s14, s19, $0xb8;
	[tilespmem:$0x1CC00] =	vst v63  }
0x387: {  	_ =	swait.ge [sflag:s28], $0x4000  }
0x388: {  	[sflag:s28] =	ssyncset.done $0x0  }
0x389: {  	s20 =	simm.s32 $0x14280;
	[sflag:s28] =	ssyncadd.s32 $0xFFFFC000  }
0x38a: {  	[tilespmem:s21], [sflag:$0x2] =	stream.indirect.gather [hbm4b:s2+s19], $0x80, s20, s19, $0xb8;
	[tilespmem:$0x1CC00] =	vst v63  }
0x38b: {  	_ =	swait.ge [sflag:s22], $0x4000  }
0x38c: {  	[sflag:s22] =	ssyncset.done $0x0  }
0x38d: {  	s24 =	simm.s32 $0x14A00;
	[sflag:s22] =	ssyncadd.s32 $0xFFFFC000  }
0x38e: {  	[spmem:s4] =	stream.indirect.scatter.add.f32 [tilespmem:s15], [sflag:$0x3], $0x80, s24, s19, $0xb8;
	[tilespmem:$0x1CC00] =	vst v63  }
0x38f: {  	_ =	swait.ge [sflag:s23], $0x4000  }
0x390: {  	[sflag:s23] =	ssyncset.done $0x0  }
0x391: {  	s26 =	simm.s32 $0x14A80;
	[sflag:s23] =	ssyncadd.s32 $0xFFFFC000  }
0x392: {  	[spmem:s4] =	stream.indirect.scatter.add.f32 [tilespmem:s21], [sflag:$0x4], $0x80, s26, s19, $0xb8;
	[tilespmem:$0x1CC00] =	vst v63  }
0x393: {  	_ =	swait.ge [sflag:s25], $0x4000  }
0x394: {  	[sflag:s25] =	ssyncset.done $0x0  }
0x395: {  	s29 =	simm.s32 $0x14300;
	[sflag:s25] =	ssyncadd.s32 $0xFFFFC000  }
0x396: {  	[tilespmem:s15], [sflag:$0x1] =	stream.indirect.gather [hbm4b:s2+s19], $0x80, s29, s19, $0xb8;
	[tilespmem:$0x1CC00] =	vst v63  }
0x397: {  	_ =	swait.ge [sflag:s28], $0x4000  }
0x398: {  	[sflag:s28] =	ssyncset.done $0x0  }
0x399: {  	s30 =	simm.s32 $0x14380;
	[sflag:s28] =	ssyncadd.s32 $0xFFFFC000  }
0x39a: {  	[tilespmem:s21], [sflag:$0x2] =	stream.indirect.gather [hbm4b:s2+s19], $0x80, s30, s19, $0xb8;
	[tilespmem:$0x1CC00] =	vst v63  }
0x39b: {  	_ =	swait.ge [sflag:s22], $0x4000  }
0x39c: {  	[sflag:s22] =	ssyncset.done $0x0  }
0x39d: {  	s31 =	simm.s32 $0x14B00;
	[sflag:s22] =	ssyncadd.s32 $0xFFFFC000  }
0x39e: {  	[spmem:s4] =	stream.indirect.scatter.add.f32 [tilespmem:s15], [sflag:$0x3], $0x80, s31, s19, $0xb8;
	[tilespmem:$0x1CC00] =	vst v63  }
.Ltmp8:
0x39f: {  	_ =	swait.ge [sflag:s23], $0x4000;
	(pc) =	sbr.rel .LBB2_12-.Ltmp8, $4  }
0x3a0: {  	[sflag:s23] =	ssyncset.done $0x0  }
0x3a1: {  	s12 =	rddreg [dreg:$0x9];
	[sflag:s23] =	ssyncadd.s32 $0xFFFFC000  }
0x3a2: {  	[spmem:s4] =	stream.indirect.scatter.add.f32 [tilespmem:s21], [sflag:$0x4], $0x80, s0, s19, $0xb8;
	[tilespmem:$0x1CC00] =	vst v63  }
0x3a3: {  	s0 =	rddreg [dreg:$0x12]  }
.LBB2_13:
0x3a4: {  	_ =	sfence.sel $0x180000  }
0x3a5: {  	[bflag:$0x0] =	sbarrier.arrive $0xFFFF  }
0x3a6: {  	_ =	strace $0x90000047  }
0x3a7: {  	s0 =	stileid.u32;
	[bflag:$0x2] =	sbarrier.arrive $0xFFFF  }
0x3a8: {  	p0 =	sne.s32 s0, $0x0;
	s0 =	rddreg [dreg:$0x4]  }
0x3a9: {  	s0 =	sadd.s32 @!p0 $0x100000, s0  }
0x3aa: {  	[sflag:s0] =	ssyncadd.tile.s32 @!p0 $0x1;
	_ =	shalt  }
.Lfunc_end2:
_tile_overlayer_lowered:
.L_overlay_start_2:
0x3ab: {  	(tag) =	ssettag $0x2  }
0x3ac: {  	s0 =	rddreg [dreg:$0x0];
	s2 =	stileid.u32  }
0x3ad: {  	s1 =	rddreg [dreg:$0x1];
	p0 =	sne.s32 s2, $0x0  }
0x3ae: {  	s3 =	rddreg [dreg:$0x2];
	[bflag:$0x3] =	sbarrier.arrive $0xFFFF;
	s2 =	simm.s32 @!p0 $0x1C05  }
0x3af: {  	[timem:s3], [sflag:s2] =	dma.local @!p0 [hbm:s0], s1  }
0x3b0: {  	s0 =	simm.s32 @!p0 $0x5  }
0x3b1: {  	_ =	swait.ge @!p0 [sflag:s0], s1  }
0x3b2: {  	s1 =	ssub.s32 @!p0 $0x0, s1;
	[sflag:s0] =	ssyncset.done @!p0 $0x0  }
0x3b3: {  	[sflag:s0] =	ssyncadd.s32 @!p0 s1  }
0x3b4: {  	[bflag:$0x3] =	sbarrier.arrive $0xFFFF  }
0x3b5: {  	_ =	shalt  }

</sc_bundles>
